<compile_context>
chip_gen: v7x
topology: tpu7x:2x2x1
jax: 0.10.2.dev20260603
libtpu: 0.0.44.dev20260713+nightly
codegen_flags: <defaults>
</compile_context>

<pallas_src>
import functools

import jax
import jax.numpy as jnp
from jax import lax
from jax.experimental import pallas as pl
from jax.experimental.pallas import tpu as pltpu
from jax.experimental.pallas import tpu_sc as plsc

_NUM_TASKS = 3
_PROMPT_LEN = 20
_HIDDEN = 4096
_BATCH = 1024

_TROWS = _NUM_TASKS * _PROMPT_LEN
_ROWS = _BATCH * _PROMPT_LEN
_NC = 2
_NS = 16
_L = 16
_NW = _NC * _NS
_RPW = _ROWS // _NW
_CH = 8
_BIG = 1 << 28


def _sc_body(table_hbm, ids_hbm, out_hbm,
             ids_v, src_v, list_v, sem, ssem):
    sid = lax.axis_index("s")
    cid = lax.axis_index("c")
    wid = sid * _NC + cid
    base = wid * _RPW
    p0 = lax.div(base, _BATCH)

    pltpu.sync_copy(ids_hbm, ids_v)

    lanes = lax.iota(jnp.int32, _L)
    cut = jnp.minimum((p0 + 1) * _BATCH - base, _RPW)
    z = base * 0
    big = z + _BIG

    def stage_part(dp):
        p = jnp.minimum(p0 + dp, _PROMPT_LEN - 1)
        for t in range(_NUM_TASKS):
            off = (t * _PROMPT_LEN + p) * _CH
            pltpu.async_copy(
                table_hbm.at[pl.ds(pl.multiple_of(off, _CH), _CH)],
                src_v.at[t], ssem,
            )

    def wait_stage():
        for t in range(_NUM_TASKS):
            pltpu.make_async_copy(
                table_hbm.at[pl.ds(0, _CH)], src_v.at[t], ssem
            ).wait()

    stage_part(0)

    def scan_part(dp, rlo, nrows, carry_in):
        bstart = rlo - (p0 + dp) * _BATCH

        def group(g, carry):
            c0, c1, c2, m0_, m1_, m2_ = carry
            boff = bstart + g * _L
            tvec = ids_v[pl.ds(boff, _L)]
            dst = (p0 + dp) * _BATCH + boff + lanes
            outs = []
            for t, (cnt, mn) in enumerate(((c0, m0_), (c1, m1_), (c2, m2_))):
                msk = tvec == t
                mi = msk.astype(jnp.int32)
                pos = cnt + plsc.cumsum(mi) - 1
                plsc.store_scatter(
                    list_v,
                    [jnp.full((_L,), 3 * dp + t, jnp.int32),
                     lax.div(pos, 128), lax.rem(pos, 128)],
                    dst, mask=msk,
                )
                cand = jnp.min(jnp.where(msk, dst, _BIG))
                outs.append((cnt + jnp.sum(mi), jnp.minimum(mn, cand)))
            return (outs[0][0], outs[1][0], outs[2][0],
                    outs[0][1], outs[1][1], outs[2][1])

        return lax.fori_loop(0, nrows // _L, group, carry_in)

    carries = (
        scan_part(0, base, cut, (z, z, z, big, big, big)),
        scan_part(1, base + cut, _RPW - cut, (z, z, z, big, big, big)),
    )

    nch = [[None] * _NUM_TASKS, [None] * _NUM_TASKS]
    for dp in range(2):
        for t in range(_NUM_TASKS):
            cnt, mn = carries[dp][t], carries[dp][3 + t]
            m = lax.div(cnt + (_CH - 1), _CH) * _CH
            pvec = cnt + lanes
            pmsk = lanes < (m - cnt)
            plsc.store_scatter(
                list_v,
                [jnp.full((_L,), 3 * dp + t, jnp.int32),
                 lax.div(pvec, 128), lax.rem(pvec, 128)],
                jnp.full((_L,), mn, jnp.int32), mask=pmsk,
            )
            nch[dp][t] = lax.div(m, _CH)

    def do_part(dp):
        for t in range(_NUM_TASKS):
            def issue(c, carry, t=t, dp=dp):
                r = lax.div(c, 128 // _CH)
                o = lax.rem(c, 128 // _CH) * _CH
                pltpu.async_copy(
                    src_v.at[t],
                    out_hbm.at[list_v.at[3 * dp + t, r, pl.ds(o, _CH)]],
                    sem,
                )
                return carry

            lax.fori_loop(0, nch[dp][t], issue, 0)

        total = nch[dp][0] + nch[dp][1] + nch[dp][2]

        def drain(e, carry):
            pltpu.make_async_copy(
                src_v.at[0],
                out_hbm.at[list_v.at[0, 0, pl.ds(0, _CH)]],
                sem,
            ).wait()
            return carry

        lax.fori_loop(0, total, drain, 0)

    wait_stage()
    do_part(0)
    stage_part(1)
    wait_stage()
    do_part(1)


_sc_gather = functools.partial(
    pl.kernel,
    out_type=jax.ShapeDtypeStruct((_ROWS, _HIDDEN), jnp.float32),
    mesh=plsc.VectorSubcoreMesh(core_axis_name="c", subcore_axis_name="s"),
    compiler_params=pltpu.CompilerParams(needs_layout_passes=False),
    scratch_types=[
        pltpu.VMEM((_BATCH,), jnp.int32),
        pltpu.VMEM((_NUM_TASKS, _CH, _HIDDEN), jnp.float32),
        pltpu.VMEM((2 * _NUM_TASKS, _CH, 128), jnp.int32),
        pltpu.SemaphoreType.DMA,
        pltpu.SemaphoreType.DMA,
    ],
)(_sc_body)


def kernel(task_ids, prompt_embeddings):
    ids = task_ids.astype(jnp.int32)
    table2 = prompt_embeddings.reshape(_TROWS, _HIDDEN)
    table8 = jnp.repeat(table2, _CH, axis=0)
    out2 = _sc_gather(table8, ids)
    return out2.reshape(_PROMPT_LEN, _BATCH, _HIDDEN).transpose(1, 0, 2)

# --- scband reference (transcript-rebuilt; emitter-appended) ---
"""Pipeline reference for scband-prompt-embedding-16621523435684 (READ-ONLY COPY).

The authoritative reference and input builder live on the scoring server;
editing this copy changes nothing except your own understanding.
"""

import jax, jax.numpy as jnp
import numpy as np

NUM_TASKS = 3
PROMPT_LENGTH = 20
HIDDEN_SIZE = 4096
BATCH = 1024

def setup_inputs(seed: int = 0) -> dict:
    key = jax.random.key(seed)
    k_idx, k_emb = jax.random.split(key)
    task_ids = jax.random.randint(k_idx, (BATCH,), 0, NUM_TASKS, dtype=jnp.int64 if jax.config.jax_enable_x64 else jnp.int32)
    prompt_embeddings = jax.random.normal(k_emb, (NUM_TASKS, PROMPT_LENGTH, HIDDEN_SIZE), dtype=jnp.float32) * 0.02
    return {"task_ids": task_ids, "prompt_embeddings": prompt_embeddings}

def reference(task_ids, prompt_embeddings):
    # PromptEmbedding.forward: self.prompt_embeddings[task_ids]
    return jnp.take(prompt_embeddings, task_ids, axis=0)

if __name__ == "__main__":
    import jax
    _d = setup_inputs()
    print(jax.jit(kernel)(*tuple(_d.values())))

</pallas_src>

<mosaic_0001>
#map = affine_map<(d0, d1) -> (0, 0)>
#map1 = affine_map<(d0, d1) -> (0)>
module attributes {stable_mosaic.version = 14 : i64} {
  func.func @_sc_body(%arg0: i32, %arg1: i32, %arg2: memref<480x4096xf32, #tpu.memory_space<hbm>>, %arg3: memref<1024xi32, #tpu.memory_space<hbm>>, %arg4: memref<20480x4096xf32, #tpu.memory_space<hbm>>, %arg5: memref<1024xi32, #tpu.memory_space<vmem>>, %arg6: memref<3x8x4096xf32, #tpu.memory_space<vmem>>, %arg7: memref<6x8x128xi32, #tpu.memory_space<vmem>>, %arg8: memref<!tpu.dma_semaphore, #tpu.memory_space<semaphore_mem>>, %arg9: memref<!tpu.dma_semaphore, #tpu.memory_space<semaphore_mem>>) attributes {dimension_semantics = [#tpu.dimension_semantics<core_parallel>, #tpu.dimension_semantics<subcore_parallel>], iteration_bounds = array<i64: 2, 16>, scalar_prefetch = 0 : i64, scratch_operands = 5 : i64, tpu.core_type = #tpu.core_type<sc_vector_subcore>, window_params = [{transform_indices = #map}, {transform_indices = #map1}, {transform_indices = #map}]} {
    %mul3A = arith.constant 2 : i32
    %mul3A_0 = arith.muli %arg1, %mul3A : i32
    %add3A = arith.addi %mul3A_0, %arg0 : i32
    %mul3A_1 = arith.constant 640 : i32
    %mul3A_2 = arith.muli %add3A, %mul3A_1 : i32
    %div3A = arith.constant 1024 : i32
    %div3A_3 = arith.divsi %mul3A_2, %div3A : i32
    "tpu.region"() ({
      %run_scoped3A = tpu.sem_alloc : memref<!tpu.dma_semaphore, #tpu.memory_space<semaphore_mem>>
      tpu.enqueue_dma source(%arg3 : memref<1024xi32, #tpu.memory_space<hbm>>) target(%arg5 : memref<1024xi32, #tpu.memory_space<vmem>>) target_semaphore(%run_scoped3A : memref<!tpu.dma_semaphore, #tpu.memory_space<semaphore_mem>>)
      tpu.wait_dma2 semaphore(%run_scoped3A : memref<!tpu.dma_semaphore, #tpu.memory_space<semaphore_mem>>) src(%arg3 : memref<1024xi32, #tpu.memory_space<hbm>>) dst(%arg5 : memref<1024xi32, #tpu.memory_space<vmem>>)
      tpu.yield
    }) : () -> ()
    %iota3A = tpu.iota {dimensions = array<i32: 0>} : vector<16xi32>
    %add3A_4 = arith.constant 1 : i32
    %add3A_5 = arith.addi %div3A_3, %add3A_4 : i32
    %mul3A_6 = arith.constant 1024 : i32
    %mul3A_7 = arith.muli %add3A_5, %mul3A_6 : i32
    %sub3A = arith.subi %mul3A_7, %mul3A_2 : i32
    %min3A = arith.constant 640 : i32
    %min3A_8 = arith.minsi %sub3A, %min3A : i32
    %mul3A_9 = arith.constant 0 : i32
    %mul3A_10 = arith.muli %mul3A_2, %mul3A_9 : i32
    %add3A_11 = arith.constant 268435456 : i32
    %add3A_12 = arith.addi %mul3A_10, %add3A_11 : i32
    %add3A_13 = arith.constant 0 : i32
    %add3A_14 = arith.addi %div3A_3, %add3A_13 : i32
    %min3A_15 = arith.constant 19 : i32
    %min3A_16 = arith.minsi %add3A_14, %min3A_15 : i32
    %add3A_17 = arith.constant 0 : i32
    %add3A_18 = arith.addi %add3A_17, %min3A_16 : i32
    %mul3A_19 = arith.constant 8 : i32
    %mul3A_20 = arith.muli %add3A_18, %mul3A_19 : i32
    %multiple_of3A = tpu.assume_multiple %mul3A_20, 8 : i32
    %dma_start3A = arith.constant 0 : i32
    %dma_start3A_21 = arith.constant 0 : i32
    %dma_start3A_22 = arith.constant 0 : i32
    %dma_start3A_23 = tpu.memref_slice %arg6[%dma_start3A, %dma_start3A_21, %dma_start3A_22] : memref<3x8x4096xf32, #tpu.memory_space<vmem>> -> memref<1x8x4096xf32, #tpu.memory_space<vmem>>
    %dma_start3A_24 = tpu.memref_squeeze %dma_start3A_23 : memref<1x8x4096xf32, #tpu.memory_space<vmem>> -> memref<8x4096xf32, #tpu.memory_space<vmem>>
    %dma_start3A_25 = arith.constant 0 : i32
    %dma_start3A_26 = tpu.memref_slice %arg2[%multiple_of3A, %dma_start3A_25] : memref<480x4096xf32, #tpu.memory_space<hbm>> -> memref<8x4096xf32, #tpu.memory_space<hbm>>
    %dma_start3A_27 = arith.constant 0 : i32
    %dma_start3A_28 = arith.constant 0 : i32
    %dma_start3A_29 = tpu.memref_slice %arg6[%dma_start3A, %dma_start3A_27, %dma_start3A_28] : memref<3x8x4096xf32, #tpu.memory_space<vmem>> -> memref<1x8x4096xf32, #tpu.memory_space<vmem>>
    %dma_start3A_30 = tpu.memref_squeeze %dma_start3A_29 : memref<1x8x4096xf32, #tpu.memory_space<vmem>> -> memref<8x4096xf32, #tpu.memory_space<vmem>>
    %dma_start3A_31 = arith.constant 0 : i32
    %dma_start3A_32 = tpu.memref_slice %arg2[%multiple_of3A, %dma_start3A_31] : memref<480x4096xf32, #tpu.memory_space<hbm>> -> memref<8x4096xf32, #tpu.memory_space<hbm>>
    tpu.enqueue_dma source(%dma_start3A_32 : memref<8x4096xf32, #tpu.memory_space<hbm>>) target(%dma_start3A_30 : memref<8x4096xf32, #tpu.memory_space<vmem>>) target_semaphore(%arg9 : memref<!tpu.dma_semaphore, #tpu.memory_space<semaphore_mem>>)
    %add3A_33 = arith.constant 20 : i32
    %add3A_34 = arith.addi %add3A_33, %min3A_16 : i32
    %mul3A_35 = arith.constant 8 : i32
    %mul3A_36 = arith.muli %add3A_34, %mul3A_35 : i32
    %multiple_of3A_37 = tpu.assume_multiple %mul3A_36, 8 : i32
    %dma_start3A_38 = arith.constant 1 : i32
    %dma_start3A_39 = arith.constant 0 : i32
    %dma_start3A_40 = arith.constant 0 : i32
    %dma_start3A_41 = tpu.memref_slice %arg6[%dma_start3A_38, %dma_start3A_39, %dma_start3A_40] : memref<3x8x4096xf32, #tpu.memory_space<vmem>> -> memref<1x8x4096xf32, #tpu.memory_space<vmem>>
    %dma_start3A_42 = tpu.memref_squeeze %dma_start3A_41 : memref<1x8x4096xf32, #tpu.memory_space<vmem>> -> memref<8x4096xf32, #tpu.memory_space<vmem>>
    %dma_start3A_43 = arith.constant 0 : i32
    %dma_start3A_44 = tpu.memref_slice %arg2[%multiple_of3A_37, %dma_start3A_43] : memref<480x4096xf32, #tpu.memory_space<hbm>> -> memref<8x4096xf32, #tpu.memory_space<hbm>>
    %dma_start3A_45 = arith.constant 0 : i32
    %dma_start3A_46 = arith.constant 0 : i32
    %dma_start3A_47 = tpu.memref_slice %arg6[%dma_start3A_38, %dma_start3A_45, %dma_start3A_46] : memref<3x8x4096xf32, #tpu.memory_space<vmem>> -> memref<1x8x4096xf32, #tpu.memory_space<vmem>>
    %dma_start3A_48 = tpu.memref_squeeze %dma_start3A_47 : memref<1x8x4096xf32, #tpu.memory_space<vmem>> -> memref<8x4096xf32, #tpu.memory_space<vmem>>
    %dma_start3A_49 = arith.constant 0 : i32
    %dma_start3A_50 = tpu.memref_slice %arg2[%multiple_of3A_37, %dma_start3A_49] : memref<480x4096xf32, #tpu.memory_space<hbm>> -> memref<8x4096xf32, #tpu.memory_space<hbm>>
    tpu.enqueue_dma source(%dma_start3A_50 : memref<8x4096xf32, #tpu.memory_space<hbm>>) target(%dma_start3A_48 : memref<8x4096xf32, #tpu.memory_space<vmem>>) target_semaphore(%arg9 : memref<!tpu.dma_semaphore, #tpu.memory_space<semaphore_mem>>)
    %add3A_51 = arith.constant 40 : i32
    %add3A_52 = arith.addi %add3A_51, %min3A_16 : i32
    %mul3A_53 = arith.constant 8 : i32
    %mul3A_54 = arith.muli %add3A_52, %mul3A_53 : i32
    %multiple_of3A_55 = tpu.assume_multiple %mul3A_54, 8 : i32
    %dma_start3A_56 = arith.constant 2 : i32
    %dma_start3A_57 = arith.constant 0 : i32
    %dma_start3A_58 = arith.constant 0 : i32
    %dma_start3A_59 = tpu.memref_slice %arg6[%dma_start3A_56, %dma_start3A_57, %dma_start3A_58] : memref<3x8x4096xf32, #tpu.memory_space<vmem>> -> memref<1x8x4096xf32, #tpu.memory_space<vmem>>
    %dma_start3A_60 = tpu.memref_squeeze %dma_start3A_59 : memref<1x8x4096xf32, #tpu.memory_space<vmem>> -> memref<8x4096xf32, #tpu.memory_space<vmem>>
    %dma_start3A_61 = arith.constant 0 : i32
    %dma_start3A_62 = tpu.memref_slice %arg2[%multiple_of3A_55, %dma_start3A_61] : memref<480x4096xf32, #tpu.memory_space<hbm>> -> memref<8x4096xf32, #tpu.memory_space<hbm>>
    %dma_start3A_63 = arith.constant 0 : i32
    %dma_start3A_64 = arith.constant 0 : i32
    %dma_start3A_65 = tpu.memref_slice %arg6[%dma_start3A_56, %dma_start3A_63, %dma_start3A_64] : memref<3x8x4096xf32, #tpu.memory_space<vmem>> -> memref<1x8x4096xf32, #tpu.memory_space<vmem>>
    %dma_start3A_66 = tpu.memref_squeeze %dma_start3A_65 : memref<1x8x4096xf32, #tpu.memory_space<vmem>> -> memref<8x4096xf32, #tpu.memory_space<vmem>>
    %dma_start3A_67 = arith.constant 0 : i32
    %dma_start3A_68 = tpu.memref_slice %arg2[%multiple_of3A_55, %dma_start3A_67] : memref<480x4096xf32, #tpu.memory_space<hbm>> -> memref<8x4096xf32, #tpu.memory_space<hbm>>
    tpu.enqueue_dma source(%dma_start3A_68 : memref<8x4096xf32, #tpu.memory_space<hbm>>) target(%dma_start3A_66 : memref<8x4096xf32, #tpu.memory_space<vmem>>) target_semaphore(%arg9 : memref<!tpu.dma_semaphore, #tpu.memory_space<semaphore_mem>>)
    %add3A_69 = arith.constant 0 : i32
    %add3A_70 = arith.addi %div3A_3, %add3A_69 : i32
    %mul3A_71 = arith.constant 1024 : i32
    %mul3A_72 = arith.muli %add3A_70, %mul3A_71 : i32
    %sub3A_73 = arith.subi %mul3A_2, %mul3A_72 : i32
    %jit3A = arith.constant 16 : i32
    %div3A_74 = arith.divsi %min3A_8, %jit3A : i32
    %sign3A = arith.constant 0 : i32
    %sign3A_75 = arith.cmpi sgt, %min3A_8, %sign3A : i32
    %sign3A_76 = arith.extui %sign3A_75 : i1 to i32
    %sign3A_77 = arith.constant 0 : i32
    %sign3A_78 = arith.cmpi slt, %min3A_8, %sign3A_77 : i32
    %sign3A_79 = arith.extui %sign3A_78 : i1 to i32
    %sign3A_80 = arith.subi %sign3A_76, %sign3A_79 : i32
    %sign3A_81 = arith.constant 0 : i32
    %sign3A_82 = arith.cmpi sgt, %jit3A, %sign3A_81 : i32
    %sign3A_83 = arith.extui %sign3A_82 : i1 to i32
    %sign3A_84 = arith.constant 0 : i32
    %sign3A_85 = arith.cmpi slt, %jit3A, %sign3A_84 : i32
    %sign3A_86 = arith.extui %sign3A_85 : i1 to i32
    %sign3A_87 = arith.subi %sign3A_83, %sign3A_86 : i32
    %ne3A = arith.cmpi ne, %sign3A_80, %sign3A_87 : i32
    %rem3A = arith.remsi %min3A_8, %jit3A : i32
    %ne3A_88 = arith.constant 0 : i32
    %ne3A_89 = arith.cmpi ne, %rem3A, %ne3A_88 : i32
    %and3A = arith.andi %ne3A, %ne3A_89 : i1
    %sub3A_90 = arith.constant 1 : i32
    %sub3A_91 = arith.subi %div3A_74, %sub3A_90 : i32
    %select_n3A = arith.select %and3A, %sub3A_91, %div3A_74 : i32
    %while3A = arith.constant 0 : i32
    %while3A_92 = arith.subi %select_n3A, %while3A : i32
    %while3A_93 = arith.addi %while3A, %while3A_92 : i32
    %while3A_94 = arith.constant 1 : i32
    %while3A_95 = arith.divsi %while3A_92, %while3A_94 : i32
    %while3A_96 = arith.muli %while3A_95, %while3A_94 : i32
    %while3A_97 = arith.addi %while3A, %while3A_96 : i32
    %while3A_98 = arith.constant 1 : i32
    %while3A_99:6 = scf.for %while3A_506 = %while3A to %while3A_97 step %while3A_98 iter_args(%while3A_507 = %mul3A_10, %while3A_508 = %mul3A_10, %while3A_509 = %mul3A_10, %while3A_510 = %add3A_12, %while3A_511 = %add3A_12, %while3A_512 = %add3A_12) -> (i32, i32, i32, i32, i32, i32)  : i32 {
      %mul3A_513 = arith.constant 16 : i32
      %mul3A_514 = arith.muli %while3A_506, %mul3A_513 : i32
      %add3A_515 = arith.addi %sub3A_73, %mul3A_514 : i32
      %get3A = arith.index_cast %add3A_515 : i32 to index
      %get3A_516 = tpu.vector_load %arg5[%get3A] {strides = array<i32>} : memref<1024xi32, #tpu.memory_space<vmem>>, vector<16xi32>,
      %add3A_517 = arith.constant 0 : i32
      %add3A_518 = arith.addi %div3A_3, %add3A_517 : i32
      %mul3A_519 = arith.constant 1024 : i32
      %mul3A_520 = arith.muli %add3A_518, %mul3A_519 : i32
      %add3A_521 = arith.addi %mul3A_520, %add3A_515 : i32
      %add3A_522 = vector.broadcast %add3A_521 : i32 to vector<16xi32>
      %add3A_523 = arith.addi %add3A_522, %iota3A : vector<16xi32>
      %eq3A = arith.constant 0 : i32
      %eq3A_524 = vector.broadcast %eq3A : i32 to vector<16xi32>
      %eq3A_525 = arith.cmpi eq, %get3A_516, %eq3A_524 : vector<16xi32>
      %convert_element_type3A = arith.extui %eq3A_525 : vector<16xi1> to vector<16xi32>
      %broadcast_in_dim3A_526 = arith.constant true
      %broadcast_in_dim3A_527 = vector.broadcast %broadcast_in_dim3A_526 : i1 to vector<16xi1>
      %masked_cumsum3A = tpu.scan <sum>, %convert_element_type3A masked %broadcast_in_dim3A_527 : vector<16xi32>, vector<16xi1> -> vector<16xi32>
      %add3A_528 = vector.broadcast %while3A_507 : i32 to vector<16xi32>
      %add3A_529 = arith.addi %add3A_528, %masked_cumsum3A : vector<16xi32>
      %sub3A_530 = arith.constant 1 : i32
      %sub3A_531 = vector.broadcast %sub3A_530 : i32 to vector<16xi32>
      %sub3A_532 = arith.subi %add3A_529, %sub3A_531 : vector<16xi32>
      %broadcast_in_dim3A_533 = arith.constant 0 : i32
      %broadcast_in_dim3A_534 = vector.broadcast %broadcast_in_dim3A_533 : i32 to vector<16xi32>
      %div3A_535 = arith.constant 128 : i32
      %div3A_536 = vector.broadcast %div3A_535 : i32 to vector<16xi32>
      %div3A_537 = arith.divsi %sub3A_532, %div3A_536 : vector<16xi32>
      %rem3A_538 = arith.constant 128 : i32
      %rem3A_539 = vector.broadcast %rem3A_538 : i32 to vector<16xi32>
      %rem3A_540 = arith.remsi %sub3A_532, %rem3A_539 : vector<16xi32>
      tpu.vector_store_idx %arg7[%broadcast_in_dim3A_534, %div3A_537, %rem3A_540], %add3A_523 masked %eq3A_525 : memref<6x8x128xi32, #tpu.memory_space<vmem>>[vector<16xi32>, vector<16xi32>, vector<16xi32>], vector<16xi32>, vector<16xi1>
      %jit3A_541 = arith.constant 268435456 : i32
      %broadcast_in_dim3A_542 = vector.broadcast %jit3A_541 : i32 to vector<16xi32>
      %select_n3A_543 = arith.select %eq3A_525, %add3A_523, %broadcast_in_dim3A_542 : vector<16xi1>, vector<16xi32>
      %reduce_min3A = arith.constant true
      %reduce_min3A_544 = vector.broadcast %reduce_min3A : i1 to vector<16xi1>
      %reduce_min3A_545 = arith.constant -2147483648 : i32
      %reduce_min3A_546 = vector.broadcast %reduce_min3A_545 : i32 to vector<16xi32>
      %reduce_min3A_547 = arith.xori %select_n3A_543, %reduce_min3A_546 : vector<16xi32>
      %reduce_min3A_548 = tpu.scan <min>, %reduce_min3A_547 masked %reduce_min3A_544 : vector<16xi32>, vector<16xi1> -> vector<16xi32>
      %reduce_min3A_549 = arith.xori %reduce_min3A_548, %reduce_min3A_546 : vector<16xi32>
      %reduce_min3A_550 = vector.extract %reduce_min3A_549[15] : i32 from vector<16xi32>
      %reduce_sum3A = arith.constant true
      %reduce_sum3A_551 = vector.broadcast %reduce_sum3A : i1 to vector<16xi1>
      %reduce_sum3A_552 = tpu.scan <sum>, %convert_element_type3A masked %reduce_sum3A_551 : vector<16xi32>, vector<16xi1> -> vector<16xi32>
      %reduce_sum3A_553 = vector.extract %reduce_sum3A_552[15] : i32 from vector<16xi32>
      %add3A_554 = arith.addi %while3A_507, %reduce_sum3A_553 : i32
      %min3A_555 = arith.minsi %while3A_510, %reduce_min3A_550 : i32
      %eq3A_556 = arith.constant 1 : i32
      %eq3A_557 = vector.broadcast %eq3A_556 : i32 to vector<16xi32>
      %eq3A_558 = arith.cmpi eq, %get3A_516, %eq3A_557 : vector<16xi32>
      %convert_element_type3A_559 = arith.extui %eq3A_558 : vector<16xi1> to vector<16xi32>
      %broadcast_in_dim3A_560 = arith.constant true
      %broadcast_in_dim3A_561 = vector.broadcast %broadcast_in_dim3A_560 : i1 to vector<16xi1>
      %masked_cumsum3A_562 = tpu.scan <sum>, %convert_element_type3A_559 masked %broadcast_in_dim3A_561 : vector<16xi32>, vector<16xi1> -> vector<16xi32>
      %add3A_563 = vector.broadcast %while3A_508 : i32 to vector<16xi32>
      %add3A_564 = arith.addi %add3A_563, %masked_cumsum3A_562 : vector<16xi32>
      %sub3A_565 = arith.constant 1 : i32
      %sub3A_566 = vector.broadcast %sub3A_565 : i32 to vector<16xi32>
      %sub3A_567 = arith.subi %add3A_564, %sub3A_566 : vector<16xi32>
      %broadcast_in_dim3A_568 = arith.constant 1 : i32
      %broadcast_in_dim3A_569 = vector.broadcast %broadcast_in_dim3A_568 : i32 to vector<16xi32>
      %div3A_570 = arith.constant 128 : i32
      %div3A_571 = vector.broadcast %div3A_570 : i32 to vector<16xi32>
      %div3A_572 = arith.divsi %sub3A_567, %div3A_571 : vector<16xi32>
      %rem3A_573 = arith.constant 128 : i32
      %rem3A_574 = vector.broadcast %rem3A_573 : i32 to vector<16xi32>
      %rem3A_575 = arith.remsi %sub3A_567, %rem3A_574 : vector<16xi32>
      tpu.vector_store_idx %arg7[%broadcast_in_dim3A_569, %div3A_572, %rem3A_575], %add3A_523 masked %eq3A_558 : memref<6x8x128xi32, #tpu.memory_space<vmem>>[vector<16xi32>, vector<16xi32>, vector<16xi32>], vector<16xi32>, vector<16xi1>
      %jit3A_576 = arith.constant 268435456 : i32
      %broadcast_in_dim3A_577 = vector.broadcast %jit3A_576 : i32 to vector<16xi32>
      %select_n3A_578 = arith.select %eq3A_558, %add3A_523, %broadcast_in_dim3A_577 : vector<16xi1>, vector<16xi32>
      %reduce_min3A_579 = arith.constant true
      %reduce_min3A_580 = vector.broadcast %reduce_min3A_579 : i1 to vector<16xi1>
      %reduce_min3A_581 = arith.constant -2147483648 : i32
      %reduce_min3A_582 = vector.broadcast %reduce_min3A_581 : i32 to vector<16xi32>
      %reduce_min3A_583 = arith.xori %select_n3A_578, %reduce_min3A_582 : vector<16xi32>
      %reduce_min3A_584 = tpu.scan <min>, %reduce_min3A_583 masked %reduce_min3A_580 : vector<16xi32>, vector<16xi1> -> vector<16xi32>
      %reduce_min3A_585 = arith.xori %reduce_min3A_584, %reduce_min3A_582 : vector<16xi32>
      %reduce_min3A_586 = vector.extract %reduce_min3A_585[15] : i32 from vector<16xi32>
      %reduce_sum3A_587 = arith.constant true
      %reduce_sum3A_588 = vector.broadcast %reduce_sum3A_587 : i1 to vector<16xi1>
      %reduce_sum3A_589 = tpu.scan <sum>, %convert_element_type3A_559 masked %reduce_sum3A_588 : vector<16xi32>, vector<16xi1> -> vector<16xi32>
      %reduce_sum3A_590 = vector.extract %reduce_sum3A_589[15] : i32 from vector<16xi32>
      %add3A_591 = arith.addi %while3A_508, %reduce_sum3A_590 : i32
      %min3A_592 = arith.minsi %while3A_511, %reduce_min3A_586 : i32
      %eq3A_593 = arith.constant 2 : i32
      %eq3A_594 = vector.broadcast %eq3A_593 : i32 to vector<16xi32>
      %eq3A_595 = arith.cmpi eq, %get3A_516, %eq3A_594 : vector<16xi32>
      %convert_element_type3A_596 = arith.extui %eq3A_595 : vector<16xi1> to vector<16xi32>
      %broadcast_in_dim3A_597 = arith.constant true
      %broadcast_in_dim3A_598 = vector.broadcast %broadcast_in_dim3A_597 : i1 to vector<16xi1>
      %masked_cumsum3A_599 = tpu.scan <sum>, %convert_element_type3A_596 masked %broadcast_in_dim3A_598 : vector<16xi32>, vector<16xi1> -> vector<16xi32>
      %add3A_600 = vector.broadcast %while3A_509 : i32 to vector<16xi32>
      %add3A_601 = arith.addi %add3A_600, %masked_cumsum3A_599 : vector<16xi32>
      %sub3A_602 = arith.constant 1 : i32
      %sub3A_603 = vector.broadcast %sub3A_602 : i32 to vector<16xi32>
      %sub3A_604 = arith.subi %add3A_601, %sub3A_603 : vector<16xi32>
      %broadcast_in_dim3A_605 = arith.constant 2 : i32
      %broadcast_in_dim3A_606 = vector.broadcast %broadcast_in_dim3A_605 : i32 to vector<16xi32>
      %div3A_607 = arith.constant 128 : i32
      %div3A_608 = vector.broadcast %div3A_607 : i32 to vector<16xi32>
      %div3A_609 = arith.divsi %sub3A_604, %div3A_608 : vector<16xi32>
      %rem3A_610 = arith.constant 128 : i32
      %rem3A_611 = vector.broadcast %rem3A_610 : i32 to vector<16xi32>
      %rem3A_612 = arith.remsi %sub3A_604, %rem3A_611 : vector<16xi32>
      tpu.vector_store_idx %arg7[%broadcast_in_dim3A_606, %div3A_609, %rem3A_612], %add3A_523 masked %eq3A_595 : memref<6x8x128xi32, #tpu.memory_space<vmem>>[vector<16xi32>, vector<16xi32>, vector<16xi32>], vector<16xi32>, vector<16xi1>
      %jit3A_613 = arith.constant 268435456 : i32
      %broadcast_in_dim3A_614 = vector.broadcast %jit3A_613 : i32 to vector<16xi32>
      %select_n3A_615 = arith.select %eq3A_595, %add3A_523, %broadcast_in_dim3A_614 : vector<16xi1>, vector<16xi32>
      %reduce_min3A_616 = arith.constant true
      %reduce_min3A_617 = vector.broadcast %reduce_min3A_616 : i1 to vector<16xi1>
      %reduce_min3A_618 = arith.constant -2147483648 : i32
      %reduce_min3A_619 = vector.broadcast %reduce_min3A_618 : i32 to vector<16xi32>
      %reduce_min3A_620 = arith.xori %select_n3A_615, %reduce_min3A_619 : vector<16xi32>
      %reduce_min3A_621 = tpu.scan <min>, %reduce_min3A_620 masked %reduce_min3A_617 : vector<16xi32>, vector<16xi1> -> vector<16xi32>
      %reduce_min3A_622 = arith.xori %reduce_min3A_621, %reduce_min3A_619 : vector<16xi32>
      %reduce_min3A_623 = vector.extract %reduce_min3A_622[15] : i32 from vector<16xi32>
      %reduce_sum3A_624 = arith.constant true
      %reduce_sum3A_625 = vector.broadcast %reduce_sum3A_624 : i1 to vector<16xi1>
      %reduce_sum3A_626 = tpu.scan <sum>, %convert_element_type3A_596 masked %reduce_sum3A_625 : vector<16xi32>, vector<16xi1> -> vector<16xi32>
      %reduce_sum3A_627 = vector.extract %reduce_sum3A_626[15] : i32 from vector<16xi32>
      %add3A_628 = arith.addi %while3A_509, %reduce_sum3A_627 : i32
      %min3A_629 = arith.minsi %while3A_512, %reduce_min3A_623 : i32
      scf.yield %add3A_554, %add3A_591, %add3A_628, %min3A_555, %min3A_592, %min3A_629 : i32, i32, i32, i32, i32, i32
    }
    %while3A_100 = arith.constant 1 : i32
    %while3A_101:6 = scf.for %while3A_506 = %while3A_97 to %while3A_93 step %while3A_100 iter_args(%while3A_507 = %while3A_99#0, %while3A_508 = %while3A_99#1, %while3A_509 = %while3A_99#2, %while3A_510 = %while3A_99#3, %while3A_511 = %while3A_99#4, %while3A_512 = %while3A_99#5) -> (i32, i32, i32, i32, i32, i32)  : i32 {
      %mul3A_513 = arith.constant 16 : i32
      %mul3A_514 = arith.muli %while3A_506, %mul3A_513 : i32
      %add3A_515 = arith.addi %sub3A_73, %mul3A_514 : i32
      %get3A = arith.index_cast %add3A_515 : i32 to index
      %get3A_516 = tpu.vector_load %arg5[%get3A] {strides = array<i32>} : memref<1024xi32, #tpu.memory_space<vmem>>, vector<16xi32>,
      %add3A_517 = arith.constant 0 : i32
      %add3A_518 = arith.addi %div3A_3, %add3A_517 : i32
      %mul3A_519 = arith.constant 1024 : i32
      %mul3A_520 = arith.muli %add3A_518, %mul3A_519 : i32
      %add3A_521 = arith.addi %mul3A_520, %add3A_515 : i32
      %add3A_522 = vector.broadcast %add3A_521 : i32 to vector<16xi32>
      %add3A_523 = arith.addi %add3A_522, %iota3A : vector<16xi32>
      %eq3A = arith.constant 0 : i32
      %eq3A_524 = vector.broadcast %eq3A : i32 to vector<16xi32>
      %eq3A_525 = arith.cmpi eq, %get3A_516, %eq3A_524 : vector<16xi32>
      %convert_element_type3A = arith.extui %eq3A_525 : vector<16xi1> to vector<16xi32>
      %broadcast_in_dim3A_526 = arith.constant true
      %broadcast_in_dim3A_527 = vector.broadcast %broadcast_in_dim3A_526 : i1 to vector<16xi1>
      %masked_cumsum3A = tpu.scan <sum>, %convert_element_type3A masked %broadcast_in_dim3A_527 : vector<16xi32>, vector<16xi1> -> vector<16xi32>
      %add3A_528 = vector.broadcast %while3A_507 : i32 to vector<16xi32>
      %add3A_529 = arith.addi %add3A_528, %masked_cumsum3A : vector<16xi32>
      %sub3A_530 = arith.constant 1 : i32
      %sub3A_531 = vector.broadcast %sub3A_530 : i32 to vector<16xi32>
      %sub3A_532 = arith.subi %add3A_529, %sub3A_531 : vector<16xi32>
      %broadcast_in_dim3A_533 = arith.constant 0 : i32
      %broadcast_in_dim3A_534 = vector.broadcast %broadcast_in_dim3A_533 : i32 to vector<16xi32>
      %div3A_535 = arith.constant 128 : i32
      %div3A_536 = vector.broadcast %div3A_535 : i32 to vector<16xi32>
      %div3A_537 = arith.divsi %sub3A_532, %div3A_536 : vector<16xi32>
      %rem3A_538 = arith.constant 128 : i32
      %rem3A_539 = vector.broadcast %rem3A_538 : i32 to vector<16xi32>
      %rem3A_540 = arith.remsi %sub3A_532, %rem3A_539 : vector<16xi32>
      tpu.vector_store_idx %arg7[%broadcast_in_dim3A_534, %div3A_537, %rem3A_540], %add3A_523 masked %eq3A_525 : memref<6x8x128xi32, #tpu.memory_space<vmem>>[vector<16xi32>, vector<16xi32>, vector<16xi32>], vector<16xi32>, vector<16xi1>
      %jit3A_541 = arith.constant 268435456 : i32
      %broadcast_in_dim3A_542 = vector.broadcast %jit3A_541 : i32 to vector<16xi32>
      %select_n3A_543 = arith.select %eq3A_525, %add3A_523, %broadcast_in_dim3A_542 : vector<16xi1>, vector<16xi32>
      %reduce_min3A = arith.constant true
      %reduce_min3A_544 = vector.broadcast %reduce_min3A : i1 to vector<16xi1>
      %reduce_min3A_545 = arith.constant -2147483648 : i32
      %reduce_min3A_546 = vector.broadcast %reduce_min3A_545 : i32 to vector<16xi32>
      %reduce_min3A_547 = arith.xori %select_n3A_543, %reduce_min3A_546 : vector<16xi32>
      %reduce_min3A_548 = tpu.scan <min>, %reduce_min3A_547 masked %reduce_min3A_544 : vector<16xi32>, vector<16xi1> -> vector<16xi32>
      %reduce_min3A_549 = arith.xori %reduce_min3A_548, %reduce_min3A_546 : vector<16xi32>
      %reduce_min3A_550 = vector.extract %reduce_min3A_549[15] : i32 from vector<16xi32>
      %reduce_sum3A = arith.constant true
      %reduce_sum3A_551 = vector.broadcast %reduce_sum3A : i1 to vector<16xi1>
      %reduce_sum3A_552 = tpu.scan <sum>, %convert_element_type3A masked %reduce_sum3A_551 : vector<16xi32>, vector<16xi1> -> vector<16xi32>
      %reduce_sum3A_553 = vector.extract %reduce_sum3A_552[15] : i32 from vector<16xi32>
      %add3A_554 = arith.addi %while3A_507, %reduce_sum3A_553 : i32
      %min3A_555 = arith.minsi %while3A_510, %reduce_min3A_550 : i32
      %eq3A_556 = arith.constant 1 : i32
      %eq3A_557 = vector.broadcast %eq3A_556 : i32 to vector<16xi32>
      %eq3A_558 = arith.cmpi eq, %get3A_516, %eq3A_557 : vector<16xi32>
      %convert_element_type3A_559 = arith.extui %eq3A_558 : vector<16xi1> to vector<16xi32>
      %broadcast_in_dim3A_560 = arith.constant true
      %broadcast_in_dim3A_561 = vector.broadcast %broadcast_in_dim3A_560 : i1 to vector<16xi1>
      %masked_cumsum3A_562 = tpu.scan <sum>, %convert_element_type3A_559 masked %broadcast_in_dim3A_561 : vector<16xi32>, vector<16xi1> -> vector<16xi32>
      %add3A_563 = vector.broadcast %while3A_508 : i32 to vector<16xi32>
      %add3A_564 = arith.addi %add3A_563, %masked_cumsum3A_562 : vector<16xi32>
      %sub3A_565 = arith.constant 1 : i32
      %sub3A_566 = vector.broadcast %sub3A_565 : i32 to vector<16xi32>
      %sub3A_567 = arith.subi %add3A_564, %sub3A_566 : vector<16xi32>
      %broadcast_in_dim3A_568 = arith.constant 1 : i32
      %broadcast_in_dim3A_569 = vector.broadcast %broadcast_in_dim3A_568 : i32 to vector<16xi32>
      %div3A_570 = arith.constant 128 : i32
      %div3A_571 = vector.broadcast %div3A_570 : i32 to vector<16xi32>
      %div3A_572 = arith.divsi %sub3A_567, %div3A_571 : vector<16xi32>
      %rem3A_573 = arith.constant 128 : i32
      %rem3A_574 = vector.broadcast %rem3A_573 : i32 to vector<16xi32>
      %rem3A_575 = arith.remsi %sub3A_567, %rem3A_574 : vector<16xi32>
      tpu.vector_store_idx %arg7[%broadcast_in_dim3A_569, %div3A_572, %rem3A_575], %add3A_523 masked %eq3A_558 : memref<6x8x128xi32, #tpu.memory_space<vmem>>[vector<16xi32>, vector<16xi32>, vector<16xi32>], vector<16xi32>, vector<16xi1>
      %jit3A_576 = arith.constant 268435456 : i32
      %broadcast_in_dim3A_577 = vector.broadcast %jit3A_576 : i32 to vector<16xi32>
      %select_n3A_578 = arith.select %eq3A_558, %add3A_523, %broadcast_in_dim3A_577 : vector<16xi1>, vector<16xi32>
      %reduce_min3A_579 = arith.constant true
      %reduce_min3A_580 = vector.broadcast %reduce_min3A_579 : i1 to vector<16xi1>
      %reduce_min3A_581 = arith.constant -2147483648 : i32
      %reduce_min3A_582 = vector.broadcast %reduce_min3A_581 : i32 to vector<16xi32>
      %reduce_min3A_583 = arith.xori %select_n3A_578, %reduce_min3A_582 : vector<16xi32>
      %reduce_min3A_584 = tpu.scan <min>, %reduce_min3A_583 masked %reduce_min3A_580 : vector<16xi32>, vector<16xi1> -> vector<16xi32>
      %reduce_min3A_585 = arith.xori %reduce_min3A_584, %reduce_min3A_582 : vector<16xi32>
      %reduce_min3A_586 = vector.extract %reduce_min3A_585[15] : i32 from vector<16xi32>
      %reduce_sum3A_587 = arith.constant true
      %reduce_sum3A_588 = vector.broadcast %reduce_sum3A_587 : i1 to vector<16xi1>
      %reduce_sum3A_589 = tpu.scan <sum>, %convert_element_type3A_559 masked %reduce_sum3A_588 : vector<16xi32>, vector<16xi1> -> vector<16xi32>
      %reduce_sum3A_590 = vector.extract %reduce_sum3A_589[15] : i32 from vector<16xi32>
      %add3A_591 = arith.addi %while3A_508, %reduce_sum3A_590 : i32
      %min3A_592 = arith.minsi %while3A_511, %reduce_min3A_586 : i32
      %eq3A_593 = arith.constant 2 : i32
      %eq3A_594 = vector.broadcast %eq3A_593 : i32 to vector<16xi32>
      %eq3A_595 = arith.cmpi eq, %get3A_516, %eq3A_594 : vector<16xi32>
      %convert_element_type3A_596 = arith.extui %eq3A_595 : vector<16xi1> to vector<16xi32>
      %broadcast_in_dim3A_597 = arith.constant true
      %broadcast_in_dim3A_598 = vector.broadcast %broadcast_in_dim3A_597 : i1 to vector<16xi1>
      %masked_cumsum3A_599 = tpu.scan <sum>, %convert_element_type3A_596 masked %broadcast_in_dim3A_598 : vector<16xi32>, vector<16xi1> -> vector<16xi32>
      %add3A_600 = vector.broadcast %while3A_509 : i32 to vector<16xi32>
      %add3A_601 = arith.addi %add3A_600, %masked_cumsum3A_599 : vector<16xi32>
      %sub3A_602 = arith.constant 1 : i32
      %sub3A_603 = vector.broadcast %sub3A_602 : i32 to vector<16xi32>
      %sub3A_604 = arith.subi %add3A_601, %sub3A_603 : vector<16xi32>
      %broadcast_in_dim3A_605 = arith.constant 2 : i32
      %broadcast_in_dim3A_606 = vector.broadcast %broadcast_in_dim3A_605 : i32 to vector<16xi32>
      %div3A_607 = arith.constant 128 : i32
      %div3A_608 = vector.broadcast %div3A_607 : i32 to vector<16xi32>
      %div3A_609 = arith.divsi %sub3A_604, %div3A_608 : vector<16xi32>
      %rem3A_610 = arith.constant 128 : i32
      %rem3A_611 = vector.broadcast %rem3A_610 : i32 to vector<16xi32>
      %rem3A_612 = arith.remsi %sub3A_604, %rem3A_611 : vector<16xi32>
      tpu.vector_store_idx %arg7[%broadcast_in_dim3A_606, %div3A_609, %rem3A_612], %add3A_523 masked %eq3A_595 : memref<6x8x128xi32, #tpu.memory_space<vmem>>[vector<16xi32>, vector<16xi32>, vector<16xi32>], vector<16xi32>, vector<16xi1>
      %jit3A_613 = arith.constant 268435456 : i32
      %broadcast_in_dim3A_614 = vector.broadcast %jit3A_613 : i32 to vector<16xi32>
      %select_n3A_615 = arith.select %eq3A_595, %add3A_523, %broadcast_in_dim3A_614 : vector<16xi1>, vector<16xi32>
      %reduce_min3A_616 = arith.constant true
      %reduce_min3A_617 = vector.broadcast %reduce_min3A_616 : i1 to vector<16xi1>
      %reduce_min3A_618 = arith.constant -2147483648 : i32
      %reduce_min3A_619 = vector.broadcast %reduce_min3A_618 : i32 to vector<16xi32>
      %reduce_min3A_620 = arith.xori %select_n3A_615, %reduce_min3A_619 : vector<16xi32>
      %reduce_min3A_621 = tpu.scan <min>, %reduce_min3A_620 masked %reduce_min3A_617 : vector<16xi32>, vector<16xi1> -> vector<16xi32>
      %reduce_min3A_622 = arith.xori %reduce_min3A_621, %reduce_min3A_619 : vector<16xi32>
      %reduce_min3A_623 = vector.extract %reduce_min3A_622[15] : i32 from vector<16xi32>
      %reduce_sum3A_624 = arith.constant true
      %reduce_sum3A_625 = vector.broadcast %reduce_sum3A_624 : i1 to vector<16xi1>
      %reduce_sum3A_626 = tpu.scan <sum>, %convert_element_type3A_596 masked %reduce_sum3A_625 : vector<16xi32>, vector<16xi1> -> vector<16xi32>
      %reduce_sum3A_627 = vector.extract %reduce_sum3A_626[15] : i32 from vector<16xi32>
      %add3A_628 = arith.addi %while3A_509, %reduce_sum3A_627 : i32
      %min3A_629 = arith.minsi %while3A_512, %reduce_min3A_623 : i32
      scf.yield %add3A_554, %add3A_591, %add3A_628, %min3A_555, %min3A_592, %min3A_629 : i32, i32, i32, i32, i32, i32
    }
    %add3A_102 = arith.addi %mul3A_2, %min3A_8 : i32
    %sub3A_103 = arith.constant 640 : i32
    %sub3A_104 = arith.subi %sub3A_103, %min3A_8 : i32
    %add3A_105 = arith.constant 1 : i32
    %add3A_106 = arith.addi %div3A_3, %add3A_105 : i32
    %mul3A_107 = arith.constant 1024 : i32
    %mul3A_108 = arith.muli %add3A_106, %mul3A_107 : i32
    %sub3A_109 = arith.subi %add3A_102, %mul3A_108 : i32
    %jit3A_110 = arith.constant 16 : i32
    %div3A_111 = arith.divsi %sub3A_104, %jit3A_110 : i32
    %sign3A_112 = arith.constant 0 : i32
    %sign3A_113 = arith.cmpi sgt, %sub3A_104, %sign3A_112 : i32
    %sign3A_114 = arith.extui %sign3A_113 : i1 to i32
    %sign3A_115 = arith.constant 0 : i32
    %sign3A_116 = arith.cmpi slt, %sub3A_104, %sign3A_115 : i32
    %sign3A_117 = arith.extui %sign3A_116 : i1 to i32
    %sign3A_118 = arith.subi %sign3A_114, %sign3A_117 : i32
    %sign3A_119 = arith.constant 0 : i32
    %sign3A_120 = arith.cmpi sgt, %jit3A_110, %sign3A_119 : i32
    %sign3A_121 = arith.extui %sign3A_120 : i1 to i32
    %sign3A_122 = arith.constant 0 : i32
    %sign3A_123 = arith.cmpi slt, %jit3A_110, %sign3A_122 : i32
    %sign3A_124 = arith.extui %sign3A_123 : i1 to i32
    %sign3A_125 = arith.subi %sign3A_121, %sign3A_124 : i32
    %ne3A_126 = arith.cmpi ne, %sign3A_118, %sign3A_125 : i32
    %rem3A_127 = arith.remsi %sub3A_104, %jit3A_110 : i32
    %ne3A_128 = arith.constant 0 : i32
    %ne3A_129 = arith.cmpi ne, %rem3A_127, %ne3A_128 : i32
    %and3A_130 = arith.andi %ne3A_126, %ne3A_129 : i1
    %sub3A_131 = arith.constant 1 : i32
    %sub3A_132 = arith.subi %div3A_111, %sub3A_131 : i32
    %select_n3A_133 = arith.select %and3A_130, %sub3A_132, %div3A_111 : i32
    %while3A_134 = arith.constant 0 : i32
    %while3A_135 = arith.subi %select_n3A_133, %while3A_134 : i32
    %while3A_136 = arith.addi %while3A_134, %while3A_135 : i32
    %while3A_137 = arith.constant 1 : i32
    %while3A_138 = arith.divsi %while3A_135, %while3A_137 : i32
    %while3A_139 = arith.muli %while3A_138, %while3A_137 : i32
    %while3A_140 = arith.addi %while3A_134, %while3A_139 : i32
    %while3A_141 = arith.constant 1 : i32
    %while3A_142:6 = scf.for %while3A_506 = %while3A_134 to %while3A_140 step %while3A_141 iter_args(%while3A_507 = %mul3A_10, %while3A_508 = %mul3A_10, %while3A_509 = %mul3A_10, %while3A_510 = %add3A_12, %while3A_511 = %add3A_12, %while3A_512 = %add3A_12) -> (i32, i32, i32, i32, i32, i32)  : i32 {
      %mul3A_513 = arith.constant 16 : i32
      %mul3A_514 = arith.muli %while3A_506, %mul3A_513 : i32
      %add3A_515 = arith.addi %sub3A_109, %mul3A_514 : i32
      %get3A = arith.index_cast %add3A_515 : i32 to index
      %get3A_516 = tpu.vector_load %arg5[%get3A] {strides = array<i32>} : memref<1024xi32, #tpu.memory_space<vmem>>, vector<16xi32>,
      %add3A_517 = arith.constant 1 : i32
      %add3A_518 = arith.addi %div3A_3, %add3A_517 : i32
      %mul3A_519 = arith.constant 1024 : i32
      %mul3A_520 = arith.muli %add3A_518, %mul3A_519 : i32
      %add3A_521 = arith.addi %mul3A_520, %add3A_515 : i32
      %add3A_522 = vector.broadcast %add3A_521 : i32 to vector<16xi32>
      %add3A_523 = arith.addi %add3A_522, %iota3A : vector<16xi32>
      %eq3A = arith.constant 0 : i32
      %eq3A_524 = vector.broadcast %eq3A : i32 to vector<16xi32>
      %eq3A_525 = arith.cmpi eq, %get3A_516, %eq3A_524 : vector<16xi32>
      %convert_element_type3A = arith.extui %eq3A_525 : vector<16xi1> to vector<16xi32>
      %broadcast_in_dim3A_526 = arith.constant true
      %broadcast_in_dim3A_527 = vector.broadcast %broadcast_in_dim3A_526 : i1 to vector<16xi1>
      %masked_cumsum3A = tpu.scan <sum>, %convert_element_type3A masked %broadcast_in_dim3A_527 : vector<16xi32>, vector<16xi1> -> vector<16xi32>
      %add3A_528 = vector.broadcast %while3A_507 : i32 to vector<16xi32>
      %add3A_529 = arith.addi %add3A_528, %masked_cumsum3A : vector<16xi32>
      %sub3A_530 = arith.constant 1 : i32
      %sub3A_531 = vector.broadcast %sub3A_530 : i32 to vector<16xi32>
      %sub3A_532 = arith.subi %add3A_529, %sub3A_531 : vector<16xi32>
      %broadcast_in_dim3A_533 = arith.constant 3 : i32
      %broadcast_in_dim3A_534 = vector.broadcast %broadcast_in_dim3A_533 : i32 to vector<16xi32>
      %div3A_535 = arith.constant 128 : i32
      %div3A_536 = vector.broadcast %div3A_535 : i32 to vector<16xi32>
      %div3A_537 = arith.divsi %sub3A_532, %div3A_536 : vector<16xi32>
      %rem3A_538 = arith.constant 128 : i32
      %rem3A_539 = vector.broadcast %rem3A_538 : i32 to vector<16xi32>
      %rem3A_540 = arith.remsi %sub3A_532, %rem3A_539 : vector<16xi32>
      tpu.vector_store_idx %arg7[%broadcast_in_dim3A_534, %div3A_537, %rem3A_540], %add3A_523 masked %eq3A_525 : memref<6x8x128xi32, #tpu.memory_space<vmem>>[vector<16xi32>, vector<16xi32>, vector<16xi32>], vector<16xi32>, vector<16xi1>
      %jit3A_541 = arith.constant 268435456 : i32
      %broadcast_in_dim3A_542 = vector.broadcast %jit3A_541 : i32 to vector<16xi32>
      %select_n3A_543 = arith.select %eq3A_525, %add3A_523, %broadcast_in_dim3A_542 : vector<16xi1>, vector<16xi32>
      %reduce_min3A = arith.constant true
      %reduce_min3A_544 = vector.broadcast %reduce_min3A : i1 to vector<16xi1>
      %reduce_min3A_545 = arith.constant -2147483648 : i32
      %reduce_min3A_546 = vector.broadcast %reduce_min3A_545 : i32 to vector<16xi32>
      %reduce_min3A_547 = arith.xori %select_n3A_543, %reduce_min3A_546 : vector<16xi32>
      %reduce_min3A_548 = tpu.scan <min>, %reduce_min3A_547 masked %reduce_min3A_544 : vector<16xi32>, vector<16xi1> -> vector<16xi32>
      %reduce_min3A_549 = arith.xori %reduce_min3A_548, %reduce_min3A_546 : vector<16xi32>
      %reduce_min3A_550 = vector.extract %reduce_min3A_549[15] : i32 from vector<16xi32>
      %reduce_sum3A = arith.constant true
      %reduce_sum3A_551 = vector.broadcast %reduce_sum3A : i1 to vector<16xi1>
      %reduce_sum3A_552 = tpu.scan <sum>, %convert_element_type3A masked %reduce_sum3A_551 : vector<16xi32>, vector<16xi1> -> vector<16xi32>
      %reduce_sum3A_553 = vector.extract %reduce_sum3A_552[15] : i32 from vector<16xi32>
      %add3A_554 = arith.addi %while3A_507, %reduce_sum3A_553 : i32
      %min3A_555 = arith.minsi %while3A_510, %reduce_min3A_550 : i32
      %eq3A_556 = arith.constant 1 : i32
      %eq3A_557 = vector.broadcast %eq3A_556 : i32 to vector<16xi32>
      %eq3A_558 = arith.cmpi eq, %get3A_516, %eq3A_557 : vector<16xi32>
      %convert_element_type3A_559 = arith.extui %eq3A_558 : vector<16xi1> to vector<16xi32>
      %broadcast_in_dim3A_560 = arith.constant true
      %broadcast_in_dim3A_561 = vector.broadcast %broadcast_in_dim3A_560 : i1 to vector<16xi1>
      %masked_cumsum3A_562 = tpu.scan <sum>, %convert_element_type3A_559 masked %broadcast_in_dim3A_561 : vector<16xi32>, vector<16xi1> -> vector<16xi32>
      %add3A_563 = vector.broadcast %while3A_508 : i32 to vector<16xi32>
      %add3A_564 = arith.addi %add3A_563, %masked_cumsum3A_562 : vector<16xi32>
      %sub3A_565 = arith.constant 1 : i32
      %sub3A_566 = vector.broadcast %sub3A_565 : i32 to vector<16xi32>
      %sub3A_567 = arith.subi %add3A_564, %sub3A_566 : vector<16xi32>
      %broadcast_in_dim3A_568 = arith.constant 4 : i32
      %broadcast_in_dim3A_569 = vector.broadcast %broadcast_in_dim3A_568 : i32 to vector<16xi32>
      %div3A_570 = arith.constant 128 : i32
      %div3A_571 = vector.broadcast %div3A_570 : i32 to vector<16xi32>
      %div3A_572 = arith.divsi %sub3A_567, %div3A_571 : vector<16xi32>
      %rem3A_573 = arith.constant 128 : i32
      %rem3A_574 = vector.broadcast %rem3A_573 : i32 to vector<16xi32>
      %rem3A_575 = arith.remsi %sub3A_567, %rem3A_574 : vector<16xi32>
      tpu.vector_store_idx %arg7[%broadcast_in_dim3A_569, %div3A_572, %rem3A_575], %add3A_523 masked %eq3A_558 : memref<6x8x128xi32, #tpu.memory_space<vmem>>[vector<16xi32>, vector<16xi32>, vector<16xi32>], vector<16xi32>, vector<16xi1>
      %jit3A_576 = arith.constant 268435456 : i32
      %broadcast_in_dim3A_577 = vector.broadcast %jit3A_576 : i32 to vector<16xi32>
      %select_n3A_578 = arith.select %eq3A_558, %add3A_523, %broadcast_in_dim3A_577 : vector<16xi1>, vector<16xi32>
      %reduce_min3A_579 = arith.constant true
      %reduce_min3A_580 = vector.broadcast %reduce_min3A_579 : i1 to vector<16xi1>
      %reduce_min3A_581 = arith.constant -2147483648 : i32
      %reduce_min3A_582 = vector.broadcast %reduce_min3A_581 : i32 to vector<16xi32>
      %reduce_min3A_583 = arith.xori %select_n3A_578, %reduce_min3A_582 : vector<16xi32>
      %reduce_min3A_584 = tpu.scan <min>, %reduce_min3A_583 masked %reduce_min3A_580 : vector<16xi32>, vector<16xi1> -> vector<16xi32>
      %reduce_min3A_585 = arith.xori %reduce_min3A_584, %reduce_min3A_582 : vector<16xi32>
      %reduce_min3A_586 = vector.extract %reduce_min3A_585[15] : i32 from vector<16xi32>
      %reduce_sum3A_587 = arith.constant true
      %reduce_sum3A_588 = vector.broadcast %reduce_sum3A_587 : i1 to vector<16xi1>
      %reduce_sum3A_589 = tpu.scan <sum>, %convert_element_type3A_559 masked %reduce_sum3A_588 : vector<16xi32>, vector<16xi1> -> vector<16xi32>
      %reduce_sum3A_590 = vector.extract %reduce_sum3A_589[15] : i32 from vector<16xi32>
      %add3A_591 = arith.addi %while3A_508, %reduce_sum3A_590 : i32
      %min3A_592 = arith.minsi %while3A_511, %reduce_min3A_586 : i32
      %eq3A_593 = arith.constant 2 : i32
      %eq3A_594 = vector.broadcast %eq3A_593 : i32 to vector<16xi32>
      %eq3A_595 = arith.cmpi eq, %get3A_516, %eq3A_594 : vector<16xi32>
      %convert_element_type3A_596 = arith.extui %eq3A_595 : vector<16xi1> to vector<16xi32>
      %broadcast_in_dim3A_597 = arith.constant true
      %broadcast_in_dim3A_598 = vector.broadcast %broadcast_in_dim3A_597 : i1 to vector<16xi1>
      %masked_cumsum3A_599 = tpu.scan <sum>, %convert_element_type3A_596 masked %broadcast_in_dim3A_598 : vector<16xi32>, vector<16xi1> -> vector<16xi32>
      %add3A_600 = vector.broadcast %while3A_509 : i32 to vector<16xi32>
      %add3A_601 = arith.addi %add3A_600, %masked_cumsum3A_599 : vector<16xi32>
      %sub3A_602 = arith.constant 1 : i32
      %sub3A_603 = vector.broadcast %sub3A_602 : i32 to vector<16xi32>
      %sub3A_604 = arith.subi %add3A_601, %sub3A_603 : vector<16xi32>
      %broadcast_in_dim3A_605 = arith.constant 5 : i32
      %broadcast_in_dim3A_606 = vector.broadcast %broadcast_in_dim3A_605 : i32 to vector<16xi32>
      %div3A_607 = arith.constant 128 : i32
      %div3A_608 = vector.broadcast %div3A_607 : i32 to vector<16xi32>
      %div3A_609 = arith.divsi %sub3A_604, %div3A_608 : vector<16xi32>
      %rem3A_610 = arith.constant 128 : i32
      %rem3A_611 = vector.broadcast %rem3A_610 : i32 to vector<16xi32>
      %rem3A_612 = arith.remsi %sub3A_604, %rem3A_611 : vector<16xi32>
      tpu.vector_store_idx %arg7[%broadcast_in_dim3A_606, %div3A_609, %rem3A_612], %add3A_523 masked %eq3A_595 : memref<6x8x128xi32, #tpu.memory_space<vmem>>[vector<16xi32>, vector<16xi32>, vector<16xi32>], vector<16xi32>, vector<16xi1>
      %jit3A_613 = arith.constant 268435456 : i32
      %broadcast_in_dim3A_614 = vector.broadcast %jit3A_613 : i32 to vector<16xi32>
      %select_n3A_615 = arith.select %eq3A_595, %add3A_523, %broadcast_in_dim3A_614 : vector<16xi1>, vector<16xi32>
      %reduce_min3A_616 = arith.constant true
      %reduce_min3A_617 = vector.broadcast %reduce_min3A_616 : i1 to vector<16xi1>
      %reduce_min3A_618 = arith.constant -2147483648 : i32
      %reduce_min3A_619 = vector.broadcast %reduce_min3A_618 : i32 to vector<16xi32>
      %reduce_min3A_620 = arith.xori %select_n3A_615, %reduce_min3A_619 : vector<16xi32>
      %reduce_min3A_621 = tpu.scan <min>, %reduce_min3A_620 masked %reduce_min3A_617 : vector<16xi32>, vector<16xi1> -> vector<16xi32>
      %reduce_min3A_622 = arith.xori %reduce_min3A_621, %reduce_min3A_619 : vector<16xi32>
      %reduce_min3A_623 = vector.extract %reduce_min3A_622[15] : i32 from vector<16xi32>
      %reduce_sum3A_624 = arith.constant true
      %reduce_sum3A_625 = vector.broadcast %reduce_sum3A_624 : i1 to vector<16xi1>
      %reduce_sum3A_626 = tpu.scan <sum>, %convert_element_type3A_596 masked %reduce_sum3A_625 : vector<16xi32>, vector<16xi1> -> vector<16xi32>
      %reduce_sum3A_627 = vector.extract %reduce_sum3A_626[15] : i32 from vector<16xi32>
      %add3A_628 = arith.addi %while3A_509, %reduce_sum3A_627 : i32
      %min3A_629 = arith.minsi %while3A_512, %reduce_min3A_623 : i32
      scf.yield %add3A_554, %add3A_591, %add3A_628, %min3A_555, %min3A_592, %min3A_629 : i32, i32, i32, i32, i32, i32
    }
    %while3A_143 = arith.constant 1 : i32
    %while3A_144:6 = scf.for %while3A_506 = %while3A_140 to %while3A_136 step %while3A_143 iter_args(%while3A_507 = %while3A_142#0, %while3A_508 = %while3A_142#1, %while3A_509 = %while3A_142#2, %while3A_510 = %while3A_142#3, %while3A_511 = %while3A_142#4, %while3A_512 = %while3A_142#5) -> (i32, i32, i32, i32, i32, i32)  : i32 {
      %mul3A_513 = arith.constant 16 : i32
      %mul3A_514 = arith.muli %while3A_506, %mul3A_513 : i32
      %add3A_515 = arith.addi %sub3A_109, %mul3A_514 : i32
      %get3A = arith.index_cast %add3A_515 : i32 to index
      %get3A_516 = tpu.vector_load %arg5[%get3A] {strides = array<i32>} : memref<1024xi32, #tpu.memory_space<vmem>>, vector<16xi32>,
      %add3A_517 = arith.constant 1 : i32
      %add3A_518 = arith.addi %div3A_3, %add3A_517 : i32
      %mul3A_519 = arith.constant 1024 : i32
      %mul3A_520 = arith.muli %add3A_518, %mul3A_519 : i32
      %add3A_521 = arith.addi %mul3A_520, %add3A_515 : i32
      %add3A_522 = vector.broadcast %add3A_521 : i32 to vector<16xi32>
      %add3A_523 = arith.addi %add3A_522, %iota3A : vector<16xi32>
      %eq3A = arith.constant 0 : i32
      %eq3A_524 = vector.broadcast %eq3A : i32 to vector<16xi32>
      %eq3A_525 = arith.cmpi eq, %get3A_516, %eq3A_524 : vector<16xi32>
      %convert_element_type3A = arith.extui %eq3A_525 : vector<16xi1> to vector<16xi32>
      %broadcast_in_dim3A_526 = arith.constant true
      %broadcast_in_dim3A_527 = vector.broadcast %broadcast_in_dim3A_526 : i1 to vector<16xi1>
      %masked_cumsum3A = tpu.scan <sum>, %convert_element_type3A masked %broadcast_in_dim3A_527 : vector<16xi32>, vector<16xi1> -> vector<16xi32>
      %add3A_528 = vector.broadcast %while3A_507 : i32 to vector<16xi32>
      %add3A_529 = arith.addi %add3A_528, %masked_cumsum3A : vector<16xi32>
      %sub3A_530 = arith.constant 1 : i32
      %sub3A_531 = vector.broadcast %sub3A_530 : i32 to vector<16xi32>
      %sub3A_532 = arith.subi %add3A_529, %sub3A_531 : vector<16xi32>
      %broadcast_in_dim3A_533 = arith.constant 3 : i32
      %broadcast_in_dim3A_534 = vector.broadcast %broadcast_in_dim3A_533 : i32 to vector<16xi32>
      %div3A_535 = arith.constant 128 : i32
      %div3A_536 = vector.broadcast %div3A_535 : i32 to vector<16xi32>
      %div3A_537 = arith.divsi %sub3A_532, %div3A_536 : vector<16xi32>
      %rem3A_538 = arith.constant 128 : i32
      %rem3A_539 = vector.broadcast %rem3A_538 : i32 to vector<16xi32>
      %rem3A_540 = arith.remsi %sub3A_532, %rem3A_539 : vector<16xi32>
      tpu.vector_store_idx %arg7[%broadcast_in_dim3A_534, %div3A_537, %rem3A_540], %add3A_523 masked %eq3A_525 : memref<6x8x128xi32, #tpu.memory_space<vmem>>[vector<16xi32>, vector<16xi32>, vector<16xi32>], vector<16xi32>, vector<16xi1>
      %jit3A_541 = arith.constant 268435456 : i32
      %broadcast_in_dim3A_542 = vector.broadcast %jit3A_541 : i32 to vector<16xi32>
      %select_n3A_543 = arith.select %eq3A_525, %add3A_523, %broadcast_in_dim3A_542 : vector<16xi1>, vector<16xi32>
      %reduce_min3A = arith.constant true
      %reduce_min3A_544 = vector.broadcast %reduce_min3A : i1 to vector<16xi1>
      %reduce_min3A_545 = arith.constant -2147483648 : i32
      %reduce_min3A_546 = vector.broadcast %reduce_min3A_545 : i32 to vector<16xi32>
      %reduce_min3A_547 = arith.xori %select_n3A_543, %reduce_min3A_546 : vector<16xi32>
      %reduce_min3A_548 = tpu.scan <min>, %reduce_min3A_547 masked %reduce_min3A_544 : vector<16xi32>, vector<16xi1> -> vector<16xi32>
      %reduce_min3A_549 = arith.xori %reduce_min3A_548, %reduce_min3A_546 : vector<16xi32>
      %reduce_min3A_550 = vector.extract %reduce_min3A_549[15] : i32 from vector<16xi32>
      %reduce_sum3A = arith.constant true
      %reduce_sum3A_551 = vector.broadcast %reduce_sum3A : i1 to vector<16xi1>
      %reduce_sum3A_552 = tpu.scan <sum>, %convert_element_type3A masked %reduce_sum3A_551 : vector<16xi32>, vector<16xi1> -> vector<16xi32>
      %reduce_sum3A_553 = vector.extract %reduce_sum3A_552[15] : i32 from vector<16xi32>
      %add3A_554 = arith.addi %while3A_507, %reduce_sum3A_553 : i32
      %min3A_555 = arith.minsi %while3A_510, %reduce_min3A_550 : i32
      %eq3A_556 = arith.constant 1 : i32
      %eq3A_557 = vector.broadcast %eq3A_556 : i32 to vector<16xi32>
      %eq3A_558 = arith.cmpi eq, %get3A_516, %eq3A_557 : vector<16xi32>
      %convert_element_type3A_559 = arith.extui %eq3A_558 : vector<16xi1> to vector<16xi32>
      %broadcast_in_dim3A_560 = arith.constant true
      %broadcast_in_dim3A_561 = vector.broadcast %broadcast_in_dim3A_560 : i1 to vector<16xi1>
      %masked_cumsum3A_562 = tpu.scan <sum>, %convert_element_type3A_559 masked %broadcast_in_dim3A_561 : vector<16xi32>, vector<16xi1> -> vector<16xi32>
      %add3A_563 = vector.broadcast %while3A_508 : i32 to vector<16xi32>
      %add3A_564 = arith.addi %add3A_563, %masked_cumsum3A_562 : vector<16xi32>
      %sub3A_565 = arith.constant 1 : i32
      %sub3A_566 = vector.broadcast %sub3A_565 : i32 to vector<16xi32>
      %sub3A_567 = arith.subi %add3A_564, %sub3A_566 : vector<16xi32>
      %broadcast_in_dim3A_568 = arith.constant 4 : i32
      %broadcast_in_dim3A_569 = vector.broadcast %broadcast_in_dim3A_568 : i32 to vector<16xi32>
      %div3A_570 = arith.constant 128 : i32
      %div3A_571 = vector.broadcast %div3A_570 : i32 to vector<16xi32>
      %div3A_572 = arith.divsi %sub3A_567, %div3A_571 : vector<16xi32>
      %rem3A_573 = arith.constant 128 : i32
      %rem3A_574 = vector.broadcast %rem3A_573 : i32 to vector<16xi32>
      %rem3A_575 = arith.remsi %sub3A_567, %rem3A_574 : vector<16xi32>
      tpu.vector_store_idx %arg7[%broadcast_in_dim3A_569, %div3A_572, %rem3A_575], %add3A_523 masked %eq3A_558 : memref<6x8x128xi32, #tpu.memory_space<vmem>>[vector<16xi32>, vector<16xi32>, vector<16xi32>], vector<16xi32>, vector<16xi1>
      %jit3A_576 = arith.constant 268435456 : i32
      %broadcast_in_dim3A_577 = vector.broadcast %jit3A_576 : i32 to vector<16xi32>
      %select_n3A_578 = arith.select %eq3A_558, %add3A_523, %broadcast_in_dim3A_577 : vector<16xi1>, vector<16xi32>
      %reduce_min3A_579 = arith.constant true
      %reduce_min3A_580 = vector.broadcast %reduce_min3A_579 : i1 to vector<16xi1>
      %reduce_min3A_581 = arith.constant -2147483648 : i32
      %reduce_min3A_582 = vector.broadcast %reduce_min3A_581 : i32 to vector<16xi32>
      %reduce_min3A_583 = arith.xori %select_n3A_578, %reduce_min3A_582 : vector<16xi32>
      %reduce_min3A_584 = tpu.scan <min>, %reduce_min3A_583 masked %reduce_min3A_580 : vector<16xi32>, vector<16xi1> -> vector<16xi32>
      %reduce_min3A_585 = arith.xori %reduce_min3A_584, %reduce_min3A_582 : vector<16xi32>
      %reduce_min3A_586 = vector.extract %reduce_min3A_585[15] : i32 from vector<16xi32>
      %reduce_sum3A_587 = arith.constant true
      %reduce_sum3A_588 = vector.broadcast %reduce_sum3A_587 : i1 to vector<16xi1>
      %reduce_sum3A_589 = tpu.scan <sum>, %convert_element_type3A_559 masked %reduce_sum3A_588 : vector<16xi32>, vector<16xi1> -> vector<16xi32>
      %reduce_sum3A_590 = vector.extract %reduce_sum3A_589[15] : i32 from vector<16xi32>
      %add3A_591 = arith.addi %while3A_508, %reduce_sum3A_590 : i32
      %min3A_592 = arith.minsi %while3A_511, %reduce_min3A_586 : i32
      %eq3A_593 = arith.constant 2 : i32
      %eq3A_594 = vector.broadcast %eq3A_593 : i32 to vector<16xi32>
      %eq3A_595 = arith.cmpi eq, %get3A_516, %eq3A_594 : vector<16xi32>
      %convert_element_type3A_596 = arith.extui %eq3A_595 : vector<16xi1> to vector<16xi32>
      %broadcast_in_dim3A_597 = arith.constant true
      %broadcast_in_dim3A_598 = vector.broadcast %broadcast_in_dim3A_597 : i1 to vector<16xi1>
      %masked_cumsum3A_599 = tpu.scan <sum>, %convert_element_type3A_596 masked %broadcast_in_dim3A_598 : vector<16xi32>, vector<16xi1> -> vector<16xi32>
      %add3A_600 = vector.broadcast %while3A_509 : i32 to vector<16xi32>
      %add3A_601 = arith.addi %add3A_600, %masked_cumsum3A_599 : vector<16xi32>
      %sub3A_602 = arith.constant 1 : i32
      %sub3A_603 = vector.broadcast %sub3A_602 : i32 to vector<16xi32>
      %sub3A_604 = arith.subi %add3A_601, %sub3A_603 : vector<16xi32>
      %broadcast_in_dim3A_605 = arith.constant 5 : i32
      %broadcast_in_dim3A_606 = vector.broadcast %broadcast_in_dim3A_605 : i32 to vector<16xi32>
      %div3A_607 = arith.constant 128 : i32
      %div3A_608 = vector.broadcast %div3A_607 : i32 to vector<16xi32>
      %div3A_609 = arith.divsi %sub3A_604, %div3A_608 : vector<16xi32>
      %rem3A_610 = arith.constant 128 : i32
      %rem3A_611 = vector.broadcast %rem3A_610 : i32 to vector<16xi32>
      %rem3A_612 = arith.remsi %sub3A_604, %rem3A_611 : vector<16xi32>
      tpu.vector_store_idx %arg7[%broadcast_in_dim3A_606, %div3A_609, %rem3A_612], %add3A_523 masked %eq3A_595 : memref<6x8x128xi32, #tpu.memory_space<vmem>>[vector<16xi32>, vector<16xi32>, vector<16xi32>], vector<16xi32>, vector<16xi1>
      %jit3A_613 = arith.constant 268435456 : i32
      %broadcast_in_dim3A_614 = vector.broadcast %jit3A_613 : i32 to vector<16xi32>
      %select_n3A_615 = arith.select %eq3A_595, %add3A_523, %broadcast_in_dim3A_614 : vector<16xi1>, vector<16xi32>
      %reduce_min3A_616 = arith.constant true
      %reduce_min3A_617 = vector.broadcast %reduce_min3A_616 : i1 to vector<16xi1>
      %reduce_min3A_618 = arith.constant -2147483648 : i32
      %reduce_min3A_619 = vector.broadcast %reduce_min3A_618 : i32 to vector<16xi32>
      %reduce_min3A_620 = arith.xori %select_n3A_615, %reduce_min3A_619 : vector<16xi32>
      %reduce_min3A_621 = tpu.scan <min>, %reduce_min3A_620 masked %reduce_min3A_617 : vector<16xi32>, vector<16xi1> -> vector<16xi32>
      %reduce_min3A_622 = arith.xori %reduce_min3A_621, %reduce_min3A_619 : vector<16xi32>
      %reduce_min3A_623 = vector.extract %reduce_min3A_622[15] : i32 from vector<16xi32>
      %reduce_sum3A_624 = arith.constant true
      %reduce_sum3A_625 = vector.broadcast %reduce_sum3A_624 : i1 to vector<16xi1>
      %reduce_sum3A_626 = tpu.scan <sum>, %convert_element_type3A_596 masked %reduce_sum3A_625 : vector<16xi32>, vector<16xi1> -> vector<16xi32>
      %reduce_sum3A_627 = vector.extract %reduce_sum3A_626[15] : i32 from vector<16xi32>
      %add3A_628 = arith.addi %while3A_509, %reduce_sum3A_627 : i32
      %min3A_629 = arith.minsi %while3A_512, %reduce_min3A_623 : i32
      scf.yield %add3A_554, %add3A_591, %add3A_628, %min3A_555, %min3A_592, %min3A_629 : i32, i32, i32, i32, i32, i32
    }
    %add3A_145 = arith.constant 7 : i32
    %add3A_146 = arith.addi %while3A_101#0, %add3A_145 : i32
    %div3A_147 = arith.constant 8 : i32
    %div3A_148 = arith.divsi %add3A_146, %div3A_147 : i32
    %mul3A_149 = arith.constant 8 : i32
    %mul3A_150 = arith.muli %div3A_148, %mul3A_149 : i32
    %add3A_151 = vector.broadcast %while3A_101#0 : i32 to vector<16xi32>
    %add3A_152 = arith.addi %add3A_151, %iota3A : vector<16xi32>
    %sub3A_153 = arith.subi %mul3A_150, %while3A_101#0 : i32
    %lt3A = vector.broadcast %sub3A_153 : i32 to vector<16xi32>
    %lt3A_154 = arith.cmpi slt, %iota3A, %lt3A : vector<16xi32>
    %broadcast_in_dim3A = arith.constant 0 : i32
    %broadcast_in_dim3A_155 = vector.broadcast %broadcast_in_dim3A : i32 to vector<16xi32>
    %div3A_156 = arith.constant 128 : i32
    %div3A_157 = vector.broadcast %div3A_156 : i32 to vector<16xi32>
    %div3A_158 = arith.divsi %add3A_152, %div3A_157 : vector<16xi32>
    %rem3A_159 = arith.constant 128 : i32
    %rem3A_160 = vector.broadcast %rem3A_159 : i32 to vector<16xi32>
    %rem3A_161 = arith.remsi %add3A_152, %rem3A_160 : vector<16xi32>
    %broadcast_in_dim3A_162 = vector.broadcast %while3A_101#3 : i32 to vector<16xi32>
    tpu.vector_store_idx %arg7[%broadcast_in_dim3A_155, %div3A_158, %rem3A_161], %broadcast_in_dim3A_162 masked %lt3A_154 : memref<6x8x128xi32, #tpu.memory_space<vmem>>[vector<16xi32>, vector<16xi32>, vector<16xi32>], vector<16xi32>, vector<16xi1>
    %div3A_163 = arith.constant 8 : i32
    %div3A_164 = arith.divsi %mul3A_150, %div3A_163 : i32
    %add3A_165 = arith.constant 7 : i32
    %add3A_166 = arith.addi %while3A_101#1, %add3A_165 : i32
    %div3A_167 = arith.constant 8 : i32
    %div3A_168 = arith.divsi %add3A_166, %div3A_167 : i32
    %mul3A_169 = arith.constant 8 : i32
    %mul3A_170 = arith.muli %div3A_168, %mul3A_169 : i32
    %add3A_171 = vector.broadcast %while3A_101#1 : i32 to vector<16xi32>
    %add3A_172 = arith.addi %add3A_171, %iota3A : vector<16xi32>
    %sub3A_173 = arith.subi %mul3A_170, %while3A_101#1 : i32
    %lt3A_174 = vector.broadcast %sub3A_173 : i32 to vector<16xi32>
    %lt3A_175 = arith.cmpi slt, %iota3A, %lt3A_174 : vector<16xi32>
    %broadcast_in_dim3A_176 = arith.constant 1 : i32
    %broadcast_in_dim3A_177 = vector.broadcast %broadcast_in_dim3A_176 : i32 to vector<16xi32>
    %div3A_178 = arith.constant 128 : i32
    %div3A_179 = vector.broadcast %div3A_178 : i32 to vector<16xi32>
    %div3A_180 = arith.divsi %add3A_172, %div3A_179 : vector<16xi32>
    %rem3A_181 = arith.constant 128 : i32
    %rem3A_182 = vector.broadcast %rem3A_181 : i32 to vector<16xi32>
    %rem3A_183 = arith.remsi %add3A_172, %rem3A_182 : vector<16xi32>
    %broadcast_in_dim3A_184 = vector.broadcast %while3A_101#4 : i32 to vector<16xi32>
    tpu.vector_store_idx %arg7[%broadcast_in_dim3A_177, %div3A_180, %rem3A_183], %broadcast_in_dim3A_184 masked %lt3A_175 : memref<6x8x128xi32, #tpu.memory_space<vmem>>[vector<16xi32>, vector<16xi32>, vector<16xi32>], vector<16xi32>, vector<16xi1>
    %div3A_185 = arith.constant 8 : i32
    %div3A_186 = arith.divsi %mul3A_170, %div3A_185 : i32
    %add3A_187 = arith.constant 7 : i32
    %add3A_188 = arith.addi %while3A_101#2, %add3A_187 : i32
    %div3A_189 = arith.constant 8 : i32
    %div3A_190 = arith.divsi %add3A_188, %div3A_189 : i32
    %mul3A_191 = arith.constant 8 : i32
    %mul3A_192 = arith.muli %div3A_190, %mul3A_191 : i32
    %add3A_193 = vector.broadcast %while3A_101#2 : i32 to vector<16xi32>
    %add3A_194 = arith.addi %add3A_193, %iota3A : vector<16xi32>
    %sub3A_195 = arith.subi %mul3A_192, %while3A_101#2 : i32
    %lt3A_196 = vector.broadcast %sub3A_195 : i32 to vector<16xi32>
    %lt3A_197 = arith.cmpi slt, %iota3A, %lt3A_196 : vector<16xi32>
    %broadcast_in_dim3A_198 = arith.constant 2 : i32
    %broadcast_in_dim3A_199 = vector.broadcast %broadcast_in_dim3A_198 : i32 to vector<16xi32>
    %div3A_200 = arith.constant 128 : i32
    %div3A_201 = vector.broadcast %div3A_200 : i32 to vector<16xi32>
    %div3A_202 = arith.divsi %add3A_194, %div3A_201 : vector<16xi32>
    %rem3A_203 = arith.constant 128 : i32
    %rem3A_204 = vector.broadcast %rem3A_203 : i32 to vector<16xi32>
    %rem3A_205 = arith.remsi %add3A_194, %rem3A_204 : vector<16xi32>
    %broadcast_in_dim3A_206 = vector.broadcast %while3A_101#5 : i32 to vector<16xi32>
    tpu.vector_store_idx %arg7[%broadcast_in_dim3A_199, %div3A_202, %rem3A_205], %broadcast_in_dim3A_206 masked %lt3A_197 : memref<6x8x128xi32, #tpu.memory_space<vmem>>[vector<16xi32>, vector<16xi32>, vector<16xi32>], vector<16xi32>, vector<16xi1>
    %div3A_207 = arith.constant 8 : i32
    %div3A_208 = arith.divsi %mul3A_192, %div3A_207 : i32
    %add3A_209 = arith.constant 7 : i32
    %add3A_210 = arith.addi %while3A_144#0, %add3A_209 : i32
    %div3A_211 = arith.constant 8 : i32
    %div3A_212 = arith.divsi %add3A_210, %div3A_211 : i32
    %mul3A_213 = arith.constant 8 : i32
    %mul3A_214 = arith.muli %div3A_212, %mul3A_213 : i32
    %add3A_215 = vector.broadcast %while3A_144#0 : i32 to vector<16xi32>
    %add3A_216 = arith.addi %add3A_215, %iota3A : vector<16xi32>
    %sub3A_217 = arith.subi %mul3A_214, %while3A_144#0 : i32
    %lt3A_218 = vector.broadcast %sub3A_217 : i32 to vector<16xi32>
    %lt3A_219 = arith.cmpi slt, %iota3A, %lt3A_218 : vector<16xi32>
    %broadcast_in_dim3A_220 = arith.constant 3 : i32
    %broadcast_in_dim3A_221 = vector.broadcast %broadcast_in_dim3A_220 : i32 to vector<16xi32>
    %div3A_222 = arith.constant 128 : i32
    %div3A_223 = vector.broadcast %div3A_222 : i32 to vector<16xi32>
    %div3A_224 = arith.divsi %add3A_216, %div3A_223 : vector<16xi32>
    %rem3A_225 = arith.constant 128 : i32
    %rem3A_226 = vector.broadcast %rem3A_225 : i32 to vector<16xi32>
    %rem3A_227 = arith.remsi %add3A_216, %rem3A_226 : vector<16xi32>
    %broadcast_in_dim3A_228 = vector.broadcast %while3A_144#3 : i32 to vector<16xi32>
    tpu.vector_store_idx %arg7[%broadcast_in_dim3A_221, %div3A_224, %rem3A_227], %broadcast_in_dim3A_228 masked %lt3A_219 : memref<6x8x128xi32, #tpu.memory_space<vmem>>[vector<16xi32>, vector<16xi32>, vector<16xi32>], vector<16xi32>, vector<16xi1>
    %div3A_229 = arith.constant 8 : i32
    %div3A_230 = arith.divsi %mul3A_214, %div3A_229 : i32
    %add3A_231 = arith.constant 7 : i32
    %add3A_232 = arith.addi %while3A_144#1, %add3A_231 : i32
    %div3A_233 = arith.constant 8 : i32
    %div3A_234 = arith.divsi %add3A_232, %div3A_233 : i32
    %mul3A_235 = arith.constant 8 : i32
    %mul3A_236 = arith.muli %div3A_234, %mul3A_235 : i32
    %add3A_237 = vector.broadcast %while3A_144#1 : i32 to vector<16xi32>
    %add3A_238 = arith.addi %add3A_237, %iota3A : vector<16xi32>
    %sub3A_239 = arith.subi %mul3A_236, %while3A_144#1 : i32
    %lt3A_240 = vector.broadcast %sub3A_239 : i32 to vector<16xi32>
    %lt3A_241 = arith.cmpi slt, %iota3A, %lt3A_240 : vector<16xi32>
    %broadcast_in_dim3A_242 = arith.constant 4 : i32
    %broadcast_in_dim3A_243 = vector.broadcast %broadcast_in_dim3A_242 : i32 to vector<16xi32>
    %div3A_244 = arith.constant 128 : i32
    %div3A_245 = vector.broadcast %div3A_244 : i32 to vector<16xi32>
    %div3A_246 = arith.divsi %add3A_238, %div3A_245 : vector<16xi32>
    %rem3A_247 = arith.constant 128 : i32
    %rem3A_248 = vector.broadcast %rem3A_247 : i32 to vector<16xi32>
    %rem3A_249 = arith.remsi %add3A_238, %rem3A_248 : vector<16xi32>
    %broadcast_in_dim3A_250 = vector.broadcast %while3A_144#4 : i32 to vector<16xi32>
    tpu.vector_store_idx %arg7[%broadcast_in_dim3A_243, %div3A_246, %rem3A_249], %broadcast_in_dim3A_250 masked %lt3A_241 : memref<6x8x128xi32, #tpu.memory_space<vmem>>[vector<16xi32>, vector<16xi32>, vector<16xi32>], vector<16xi32>, vector<16xi1>
    %div3A_251 = arith.constant 8 : i32
    %div3A_252 = arith.divsi %mul3A_236, %div3A_251 : i32
    %add3A_253 = arith.constant 7 : i32
    %add3A_254 = arith.addi %while3A_144#2, %add3A_253 : i32
    %div3A_255 = arith.constant 8 : i32
    %div3A_256 = arith.divsi %add3A_254, %div3A_255 : i32
    %mul3A_257 = arith.constant 8 : i32
    %mul3A_258 = arith.muli %div3A_256, %mul3A_257 : i32
    %add3A_259 = vector.broadcast %while3A_144#2 : i32 to vector<16xi32>
    %add3A_260 = arith.addi %add3A_259, %iota3A : vector<16xi32>
    %sub3A_261 = arith.subi %mul3A_258, %while3A_144#2 : i32
    %lt3A_262 = vector.broadcast %sub3A_261 : i32 to vector<16xi32>
    %lt3A_263 = arith.cmpi slt, %iota3A, %lt3A_262 : vector<16xi32>
    %broadcast_in_dim3A_264 = arith.constant 5 : i32
    %broadcast_in_dim3A_265 = vector.broadcast %broadcast_in_dim3A_264 : i32 to vector<16xi32>
    %div3A_266 = arith.constant 128 : i32
    %div3A_267 = vector.broadcast %div3A_266 : i32 to vector<16xi32>
    %div3A_268 = arith.divsi %add3A_260, %div3A_267 : vector<16xi32>
    %rem3A_269 = arith.constant 128 : i32
    %rem3A_270 = vector.broadcast %rem3A_269 : i32 to vector<16xi32>
    %rem3A_271 = arith.remsi %add3A_260, %rem3A_270 : vector<16xi32>
    %broadcast_in_dim3A_272 = vector.broadcast %while3A_144#5 : i32 to vector<16xi32>
    tpu.vector_store_idx %arg7[%broadcast_in_dim3A_265, %div3A_268, %rem3A_271], %broadcast_in_dim3A_272 masked %lt3A_263 : memref<6x8x128xi32, #tpu.memory_space<vmem>>[vector<16xi32>, vector<16xi32>, vector<16xi32>], vector<16xi32>, vector<16xi1>
    %div3A_273 = arith.constant 8 : i32
    %div3A_274 = arith.divsi %mul3A_258, %div3A_273 : i32
    %dma_wait3A = arith.constant 0 : i32
    %dma_wait3A_275 = arith.constant 0 : i32
    %dma_wait3A_276 = arith.constant 0 : i32
    %dma_wait3A_277 = tpu.memref_slice %arg6[%dma_wait3A, %dma_wait3A_275, %dma_wait3A_276] : memref<3x8x4096xf32, #tpu.memory_space<vmem>> -> memref<1x8x4096xf32, #tpu.memory_space<vmem>>
    %dma_wait3A_278 = tpu.memref_squeeze %dma_wait3A_277 : memref<1x8x4096xf32, #tpu.memory_space<vmem>> -> memref<8x4096xf32, #tpu.memory_space<vmem>>
    %dma_wait3A_279 = arith.constant 0 : i32
    %dma_wait3A_280 = arith.constant 0 : i32
    %dma_wait3A_281 = tpu.memref_slice %arg2[%dma_wait3A_279, %dma_wait3A_280] : memref<480x4096xf32, #tpu.memory_space<hbm>> -> memref<8x4096xf32, #tpu.memory_space<hbm>>
    %dma_wait3A_282 = arith.constant 0 : i32
    %dma_wait3A_283 = arith.constant 0 : i32
    %dma_wait3A_284 = tpu.memref_slice %arg6[%dma_wait3A, %dma_wait3A_282, %dma_wait3A_283] : memref<3x8x4096xf32, #tpu.memory_space<vmem>> -> memref<1x8x4096xf32, #tpu.memory_space<vmem>>
    %dma_wait3A_285 = tpu.memref_squeeze %dma_wait3A_284 : memref<1x8x4096xf32, #tpu.memory_space<vmem>> -> memref<8x4096xf32, #tpu.memory_space<vmem>>
    %dma_wait3A_286 = arith.constant 0 : i32
    %dma_wait3A_287 = arith.constant 0 : i32
    %dma_wait3A_288 = tpu.memref_slice %arg2[%dma_wait3A_286, %dma_wait3A_287] : memref<480x4096xf32, #tpu.memory_space<hbm>> -> memref<8x4096xf32, #tpu.memory_space<hbm>>
    tpu.wait_dma2 semaphore(%arg9 : memref<!tpu.dma_semaphore, #tpu.memory_space<semaphore_mem>>) src(%dma_wait3A_288 : memref<8x4096xf32, #tpu.memory_space<hbm>>) dst(%dma_wait3A_285 : memref<8x4096xf32, #tpu.memory_space<vmem>>)
    %dma_wait3A_289 = arith.constant 1 : i32
    %dma_wait3A_290 = arith.constant 0 : i32
    %dma_wait3A_291 = arith.constant 0 : i32
    %dma_wait3A_292 = tpu.memref_slice %arg6[%dma_wait3A_289, %dma_wait3A_290, %dma_wait3A_291] : memref<3x8x4096xf32, #tpu.memory_space<vmem>> -> memref<1x8x4096xf32, #tpu.memory_space<vmem>>
    %dma_wait3A_293 = tpu.memref_squeeze %dma_wait3A_292 : memref<1x8x4096xf32, #tpu.memory_space<vmem>> -> memref<8x4096xf32, #tpu.memory_space<vmem>>
    %dma_wait3A_294 = arith.constant 0 : i32
    %dma_wait3A_295 = arith.constant 0 : i32
    %dma_wait3A_296 = tpu.memref_slice %arg2[%dma_wait3A_294, %dma_wait3A_295] : memref<480x4096xf32, #tpu.memory_space<hbm>> -> memref<8x4096xf32, #tpu.memory_space<hbm>>
    %dma_wait3A_297 = arith.constant 0 : i32
    %dma_wait3A_298 = arith.constant 0 : i32
    %dma_wait3A_299 = tpu.memref_slice %arg6[%dma_wait3A_289, %dma_wait3A_297, %dma_wait3A_298] : memref<3x8x4096xf32, #tpu.memory_space<vmem>> -> memref<1x8x4096xf32, #tpu.memory_space<vmem>>
    %dma_wait3A_300 = tpu.memref_squeeze %dma_wait3A_299 : memref<1x8x4096xf32, #tpu.memory_space<vmem>> -> memref<8x4096xf32, #tpu.memory_space<vmem>>
    %dma_wait3A_301 = arith.constant 0 : i32
    %dma_wait3A_302 = arith.constant 0 : i32
    %dma_wait3A_303 = tpu.memref_slice %arg2[%dma_wait3A_301, %dma_wait3A_302] : memref<480x4096xf32, #tpu.memory_space<hbm>> -> memref<8x4096xf32, #tpu.memory_space<hbm>>
    tpu.wait_dma2 semaphore(%arg9 : memref<!tpu.dma_semaphore, #tpu.memory_space<semaphore_mem>>) src(%dma_wait3A_303 : memref<8x4096xf32, #tpu.memory_space<hbm>>) dst(%dma_wait3A_300 : memref<8x4096xf32, #tpu.memory_space<vmem>>)
    %dma_wait3A_304 = arith.constant 2 : i32
    %dma_wait3A_305 = arith.constant 0 : i32
    %dma_wait3A_306 = arith.constant 0 : i32
    %dma_wait3A_307 = tpu.memref_slice %arg6[%dma_wait3A_304, %dma_wait3A_305, %dma_wait3A_306] : memref<3x8x4096xf32, #tpu.memory_space<vmem>> -> memref<1x8x4096xf32, #tpu.memory_space<vmem>>
    %dma_wait3A_308 = tpu.memref_squeeze %dma_wait3A_307 : memref<1x8x4096xf32, #tpu.memory_space<vmem>> -> memref<8x4096xf32, #tpu.memory_space<vmem>>
    %dma_wait3A_309 = arith.constant 0 : i32
    %dma_wait3A_310 = arith.constant 0 : i32
    %dma_wait3A_311 = tpu.memref_slice %arg2[%dma_wait3A_309, %dma_wait3A_310] : memref<480x4096xf32, #tpu.memory_space<hbm>> -> memref<8x4096xf32, #tpu.memory_space<hbm>>
    %dma_wait3A_312 = arith.constant 0 : i32
    %dma_wait3A_313 = arith.constant 0 : i32
    %dma_wait3A_314 = tpu.memref_slice %arg6[%dma_wait3A_304, %dma_wait3A_312, %dma_wait3A_313] : memref<3x8x4096xf32, #tpu.memory_space<vmem>> -> memref<1x8x4096xf32, #tpu.memory_space<vmem>>
    %dma_wait3A_315 = tpu.memref_squeeze %dma_wait3A_314 : memref<1x8x4096xf32, #tpu.memory_space<vmem>> -> memref<8x4096xf32, #tpu.memory_space<vmem>>
    %dma_wait3A_316 = arith.constant 0 : i32
    %dma_wait3A_317 = arith.constant 0 : i32
    %dma_wait3A_318 = tpu.memref_slice %arg2[%dma_wait3A_316, %dma_wait3A_317] : memref<480x4096xf32, #tpu.memory_space<hbm>> -> memref<8x4096xf32, #tpu.memory_space<hbm>>
    tpu.wait_dma2 semaphore(%arg9 : memref<!tpu.dma_semaphore, #tpu.memory_space<semaphore_mem>>) src(%dma_wait3A_318 : memref<8x4096xf32, #tpu.memory_space<hbm>>) dst(%dma_wait3A_315 : memref<8x4096xf32, #tpu.memory_space<vmem>>)
    %while3A_319 = arith.constant 0 : i32
    %while3A_320 = arith.constant 0 : i32
    %while3A_321 = arith.subi %div3A_164, %while3A_320 : i32
    %while3A_322 = arith.addi %while3A_320, %while3A_321 : i32
    %while3A_323 = arith.constant 1 : i32
    %while3A_324 = arith.divsi %while3A_321, %while3A_323 : i32
    %while3A_325 = arith.muli %while3A_324, %while3A_323 : i32
    %while3A_326 = arith.addi %while3A_320, %while3A_325 : i32
    %while3A_327 = arith.constant 1 : i32
    scf.for %while3A_506 = %while3A_320 to %while3A_326 step %while3A_327  : i32 {
      %div3A_507 = arith.constant 16 : i32
      %div3A_508 = arith.divsi %while3A_506, %div3A_507 : i32
      %rem3A_509 = arith.constant 16 : i32
      %rem3A_510 = arith.remsi %while3A_506, %rem3A_509 : i32
      %mul3A_511 = arith.constant 8 : i32
      %mul3A_512 = arith.muli %rem3A_510, %mul3A_511 : i32
      %dma_start3A_513 = arith.constant 0 : i32
      %dma_start3A_514 = arith.constant 0 : i32
      %dma_start3A_515 = arith.constant 0 : i32
      %dma_start3A_516 = arith.constant 0 : i32
      %dma_start3A_517 = tpu.memref_slice %arg6[%dma_start3A_513, %dma_start3A_515, %dma_start3A_516] : memref<3x8x4096xf32, #tpu.memory_space<vmem>> -> memref<1x8x4096xf32, #tpu.memory_space<vmem>>
      %dma_start3A_518 = tpu.memref_squeeze %dma_start3A_517 : memref<1x8x4096xf32, #tpu.memory_space<vmem>> -> memref<8x4096xf32, #tpu.memory_space<vmem>>
      %dma_start3A_519 = tpu.memref_slice %arg7[%dma_start3A_514, %div3A_508, %mul3A_512] : memref<6x8x128xi32, #tpu.memory_space<vmem>> -> memref<1x1x8xi32, #tpu.memory_space<vmem>>
      %dma_start3A_520 = tpu.memref_squeeze %dma_start3A_519 : memref<1x1x8xi32, #tpu.memory_space<vmem>> -> memref<8xi32, #tpu.memory_space<vmem>>
      %dma_start3A_521 = arith.constant 0 : i32
      %dma_start3A_522 = arith.constant 0 : i32
      %dma_start3A_523 = tpu.memref_slice %arg4[%dma_start3A_521, %dma_start3A_522] : memref<20480x4096xf32, #tpu.memory_space<hbm>> -> memref<20480x4096xf32, #tpu.memory_space<hbm>>
      tpu.enqueue_indirect_dma source(%dma_start3A_518 : memref<8x4096xf32, #tpu.memory_space<vmem>>) target(%dma_start3A_523 : memref<20480x4096xf32, #tpu.memory_space<hbm>>) offsets(%dma_start3A_520 : memref<8xi32, #tpu.memory_space<vmem>>) semaphore(%arg8 : memref<!tpu.dma_semaphore, #tpu.memory_space<semaphore_mem>>)
    }
    %while3A_328 = arith.constant 1 : i32
    scf.for %while3A_506 = %while3A_326 to %while3A_322 step %while3A_328  : i32 {
      %div3A_507 = arith.constant 16 : i32
      %div3A_508 = arith.divsi %while3A_506, %div3A_507 : i32
      %rem3A_509 = arith.constant 16 : i32
      %rem3A_510 = arith.remsi %while3A_506, %rem3A_509 : i32
      %mul3A_511 = arith.constant 8 : i32
      %mul3A_512 = arith.muli %rem3A_510, %mul3A_511 : i32
      %dma_start3A_513 = arith.constant 0 : i32
      %dma_start3A_514 = arith.constant 0 : i32
      %dma_start3A_515 = arith.constant 0 : i32
      %dma_start3A_516 = arith.constant 0 : i32
      %dma_start3A_517 = tpu.memref_slice %arg6[%dma_start3A_513, %dma_start3A_515, %dma_start3A_516] : memref<3x8x4096xf32, #tpu.memory_space<vmem>> -> memref<1x8x4096xf32, #tpu.memory_space<vmem>>
      %dma_start3A_518 = tpu.memref_squeeze %dma_start3A_517 : memref<1x8x4096xf32, #tpu.memory_space<vmem>> -> memref<8x4096xf32, #tpu.memory_space<vmem>>
      %dma_start3A_519 = tpu.memref_slice %arg7[%dma_start3A_514, %div3A_508, %mul3A_512] : memref<6x8x128xi32, #tpu.memory_space<vmem>> -> memref<1x1x8xi32, #tpu.memory_space<vmem>>
      %dma_start3A_520 = tpu.memref_squeeze %dma_start3A_519 : memref<1x1x8xi32, #tpu.memory_space<vmem>> -> memref<8xi32, #tpu.memory_space<vmem>>
      %dma_start3A_521 = arith.constant 0 : i32
      %dma_start3A_522 = arith.constant 0 : i32
      %dma_start3A_523 = tpu.memref_slice %arg4[%dma_start3A_521, %dma_start3A_522] : memref<20480x4096xf32, #tpu.memory_space<hbm>> -> memref<20480x4096xf32, #tpu.memory_space<hbm>>
      tpu.enqueue_indirect_dma source(%dma_start3A_518 : memref<8x4096xf32, #tpu.memory_space<vmem>>) target(%dma_start3A_523 : memref<20480x4096xf32, #tpu.memory_space<hbm>>) offsets(%dma_start3A_520 : memref<8xi32, #tpu.memory_space<vmem>>) semaphore(%arg8 : memref<!tpu.dma_semaphore, #tpu.memory_space<semaphore_mem>>)
    }
    %while3A_329 = arith.constant 0 : i32
    %while3A_330 = arith.constant 0 : i32
    %while3A_331 = arith.subi %div3A_186, %while3A_330 : i32
    %while3A_332 = arith.addi %while3A_330, %while3A_331 : i32
    %while3A_333 = arith.constant 1 : i32
    %while3A_334 = arith.divsi %while3A_331, %while3A_333 : i32
    %while3A_335 = arith.muli %while3A_334, %while3A_333 : i32
    %while3A_336 = arith.addi %while3A_330, %while3A_335 : i32
    %while3A_337 = arith.constant 1 : i32
    scf.for %while3A_506 = %while3A_330 to %while3A_336 step %while3A_337  : i32 {
      %div3A_507 = arith.constant 16 : i32
      %div3A_508 = arith.divsi %while3A_506, %div3A_507 : i32
      %rem3A_509 = arith.constant 16 : i32
      %rem3A_510 = arith.remsi %while3A_506, %rem3A_509 : i32
      %mul3A_511 = arith.constant 8 : i32
      %mul3A_512 = arith.muli %rem3A_510, %mul3A_511 : i32
      %dma_start3A_513 = arith.constant 1 : i32
      %dma_start3A_514 = arith.constant 1 : i32
      %dma_start3A_515 = arith.constant 0 : i32
      %dma_start3A_516 = arith.constant 0 : i32
      %dma_start3A_517 = tpu.memref_slice %arg6[%dma_start3A_513, %dma_start3A_515, %dma_start3A_516] : memref<3x8x4096xf32, #tpu.memory_space<vmem>> -> memref<1x8x4096xf32, #tpu.memory_space<vmem>>
      %dma_start3A_518 = tpu.memref_squeeze %dma_start3A_517 : memref<1x8x4096xf32, #tpu.memory_space<vmem>> -> memref<8x4096xf32, #tpu.memory_space<vmem>>
      %dma_start3A_519 = tpu.memref_slice %arg7[%dma_start3A_514, %div3A_508, %mul3A_512] : memref<6x8x128xi32, #tpu.memory_space<vmem>> -> memref<1x1x8xi32, #tpu.memory_space<vmem>>
      %dma_start3A_520 = tpu.memref_squeeze %dma_start3A_519 : memref<1x1x8xi32, #tpu.memory_space<vmem>> -> memref<8xi32, #tpu.memory_space<vmem>>
      %dma_start3A_521 = arith.constant 0 : i32
      %dma_start3A_522 = arith.constant 0 : i32
      %dma_start3A_523 = tpu.memref_slice %arg4[%dma_start3A_521, %dma_start3A_522] : memref<20480x4096xf32, #tpu.memory_space<hbm>> -> memref<20480x4096xf32, #tpu.memory_space<hbm>>
      tpu.enqueue_indirect_dma source(%dma_start3A_518 : memref<8x4096xf32, #tpu.memory_space<vmem>>) target(%dma_start3A_523 : memref<20480x4096xf32, #tpu.memory_space<hbm>>) offsets(%dma_start3A_520 : memref<8xi32, #tpu.memory_space<vmem>>) semaphore(%arg8 : memref<!tpu.dma_semaphore, #tpu.memory_space<semaphore_mem>>)
    }
    %while3A_338 = arith.constant 1 : i32
    scf.for %while3A_506 = %while3A_336 to %while3A_332 step %while3A_338  : i32 {
      %div3A_507 = arith.constant 16 : i32
      %div3A_508 = arith.divsi %while3A_506, %div3A_507 : i32
      %rem3A_509 = arith.constant 16 : i32
      %rem3A_510 = arith.remsi %while3A_506, %rem3A_509 : i32
      %mul3A_511 = arith.constant 8 : i32
      %mul3A_512 = arith.muli %rem3A_510, %mul3A_511 : i32
      %dma_start3A_513 = arith.constant 1 : i32
      %dma_start3A_514 = arith.constant 1 : i32
      %dma_start3A_515 = arith.constant 0 : i32
      %dma_start3A_516 = arith.constant 0 : i32
      %dma_start3A_517 = tpu.memref_slice %arg6[%dma_start3A_513, %dma_start3A_515, %dma_start3A_516] : memref<3x8x4096xf32, #tpu.memory_space<vmem>> -> memref<1x8x4096xf32, #tpu.memory_space<vmem>>
      %dma_start3A_518 = tpu.memref_squeeze %dma_start3A_517 : memref<1x8x4096xf32, #tpu.memory_space<vmem>> -> memref<8x4096xf32, #tpu.memory_space<vmem>>
      %dma_start3A_519 = tpu.memref_slice %arg7[%dma_start3A_514, %div3A_508, %mul3A_512] : memref<6x8x128xi32, #tpu.memory_space<vmem>> -> memref<1x1x8xi32, #tpu.memory_space<vmem>>
      %dma_start3A_520 = tpu.memref_squeeze %dma_start3A_519 : memref<1x1x8xi32, #tpu.memory_space<vmem>> -> memref<8xi32, #tpu.memory_space<vmem>>
      %dma_start3A_521 = arith.constant 0 : i32
      %dma_start3A_522 = arith.constant 0 : i32
      %dma_start3A_523 = tpu.memref_slice %arg4[%dma_start3A_521, %dma_start3A_522] : memref<20480x4096xf32, #tpu.memory_space<hbm>> -> memref<20480x4096xf32, #tpu.memory_space<hbm>>
      tpu.enqueue_indirect_dma source(%dma_start3A_518 : memref<8x4096xf32, #tpu.memory_space<vmem>>) target(%dma_start3A_523 : memref<20480x4096xf32, #tpu.memory_space<hbm>>) offsets(%dma_start3A_520 : memref<8xi32, #tpu.memory_space<vmem>>) semaphore(%arg8 : memref<!tpu.dma_semaphore, #tpu.memory_space<semaphore_mem>>)
    }
    %while3A_339 = arith.constant 0 : i32
    %while3A_340 = arith.constant 0 : i32
    %while3A_341 = arith.subi %div3A_208, %while3A_340 : i32
    %while3A_342 = arith.addi %while3A_340, %while3A_341 : i32
    %while3A_343 = arith.constant 1 : i32
    %while3A_344 = arith.divsi %while3A_341, %while3A_343 : i32
    %while3A_345 = arith.muli %while3A_344, %while3A_343 : i32
    %while3A_346 = arith.addi %while3A_340, %while3A_345 : i32
    %while3A_347 = arith.constant 1 : i32
    scf.for %while3A_506 = %while3A_340 to %while3A_346 step %while3A_347  : i32 {
      %div3A_507 = arith.constant 16 : i32
      %div3A_508 = arith.divsi %while3A_506, %div3A_507 : i32
      %rem3A_509 = arith.constant 16 : i32
      %rem3A_510 = arith.remsi %while3A_506, %rem3A_509 : i32
      %mul3A_511 = arith.constant 8 : i32
      %mul3A_512 = arith.muli %rem3A_510, %mul3A_511 : i32
      %dma_start3A_513 = arith.constant 2 : i32
      %dma_start3A_514 = arith.constant 2 : i32
      %dma_start3A_515 = arith.constant 0 : i32
      %dma_start3A_516 = arith.constant 0 : i32
      %dma_start3A_517 = tpu.memref_slice %arg6[%dma_start3A_513, %dma_start3A_515, %dma_start3A_516] : memref<3x8x4096xf32, #tpu.memory_space<vmem>> -> memref<1x8x4096xf32, #tpu.memory_space<vmem>>
      %dma_start3A_518 = tpu.memref_squeeze %dma_start3A_517 : memref<1x8x4096xf32, #tpu.memory_space<vmem>> -> memref<8x4096xf32, #tpu.memory_space<vmem>>
      %dma_start3A_519 = tpu.memref_slice %arg7[%dma_start3A_514, %div3A_508, %mul3A_512] : memref<6x8x128xi32, #tpu.memory_space<vmem>> -> memref<1x1x8xi32, #tpu.memory_space<vmem>>
      %dma_start3A_520 = tpu.memref_squeeze %dma_start3A_519 : memref<1x1x8xi32, #tpu.memory_space<vmem>> -> memref<8xi32, #tpu.memory_space<vmem>>
      %dma_start3A_521 = arith.constant 0 : i32
      %dma_start3A_522 = arith.constant 0 : i32
      %dma_start3A_523 = tpu.memref_slice %arg4[%dma_start3A_521, %dma_start3A_522] : memref<20480x4096xf32, #tpu.memory_space<hbm>> -> memref<20480x4096xf32, #tpu.memory_space<hbm>>
      tpu.enqueue_indirect_dma source(%dma_start3A_518 : memref<8x4096xf32, #tpu.memory_space<vmem>>) target(%dma_start3A_523 : memref<20480x4096xf32, #tpu.memory_space<hbm>>) offsets(%dma_start3A_520 : memref<8xi32, #tpu.memory_space<vmem>>) semaphore(%arg8 : memref<!tpu.dma_semaphore, #tpu.memory_space<semaphore_mem>>)
    }
    %while3A_348 = arith.constant 1 : i32
    scf.for %while3A_506 = %while3A_346 to %while3A_342 step %while3A_348  : i32 {
      %div3A_507 = arith.constant 16 : i32
      %div3A_508 = arith.divsi %while3A_506, %div3A_507 : i32
      %rem3A_509 = arith.constant 16 : i32
      %rem3A_510 = arith.remsi %while3A_506, %rem3A_509 : i32
      %mul3A_511 = arith.constant 8 : i32
      %mul3A_512 = arith.muli %rem3A_510, %mul3A_511 : i32
      %dma_start3A_513 = arith.constant 2 : i32
      %dma_start3A_514 = arith.constant 2 : i32
      %dma_start3A_515 = arith.constant 0 : i32
      %dma_start3A_516 = arith.constant 0 : i32
      %dma_start3A_517 = tpu.memref_slice %arg6[%dma_start3A_513, %dma_start3A_515, %dma_start3A_516] : memref<3x8x4096xf32, #tpu.memory_space<vmem>> -> memref<1x8x4096xf32, #tpu.memory_space<vmem>>
      %dma_start3A_518 = tpu.memref_squeeze %dma_start3A_517 : memref<1x8x4096xf32, #tpu.memory_space<vmem>> -> memref<8x4096xf32, #tpu.memory_space<vmem>>
      %dma_start3A_519 = tpu.memref_slice %arg7[%dma_start3A_514, %div3A_508, %mul3A_512] : memref<6x8x128xi32, #tpu.memory_space<vmem>> -> memref<1x1x8xi32, #tpu.memory_space<vmem>>
      %dma_start3A_520 = tpu.memref_squeeze %dma_start3A_519 : memref<1x1x8xi32, #tpu.memory_space<vmem>> -> memref<8xi32, #tpu.memory_space<vmem>>
      %dma_start3A_521 = arith.constant 0 : i32
      %dma_start3A_522 = arith.constant 0 : i32
      %dma_start3A_523 = tpu.memref_slice %arg4[%dma_start3A_521, %dma_start3A_522] : memref<20480x4096xf32, #tpu.memory_space<hbm>> -> memref<20480x4096xf32, #tpu.memory_space<hbm>>
      tpu.enqueue_indirect_dma source(%dma_start3A_518 : memref<8x4096xf32, #tpu.memory_space<vmem>>) target(%dma_start3A_523 : memref<20480x4096xf32, #tpu.memory_space<hbm>>) offsets(%dma_start3A_520 : memref<8xi32, #tpu.memory_space<vmem>>) semaphore(%arg8 : memref<!tpu.dma_semaphore, #tpu.memory_space<semaphore_mem>>)
    }
    %add3A_349 = arith.addi %div3A_164, %div3A_186 : i32
    %add3A_350 = arith.addi %add3A_349, %div3A_208 : i32
    %while3A_351 = arith.constant 0 : i32
    %while3A_352 = arith.constant 0 : i32
    %while3A_353 = arith.subi %add3A_350, %while3A_352 : i32
    %while3A_354 = arith.addi %while3A_352, %while3A_353 : i32
    %while3A_355 = arith.constant 1 : i32
    %while3A_356 = arith.divsi %while3A_353, %while3A_355 : i32
    %while3A_357 = arith.muli %while3A_356, %while3A_355 : i32
    %while3A_358 = arith.addi %while3A_352, %while3A_357 : i32
    %while3A_359 = arith.constant 1 : i32
    scf.for %while3A_506 = %while3A_352 to %while3A_358 step %while3A_359  : i32 {
      %dma_wait3A_507 = arith.constant 0 : i32
      %dma_wait3A_508 = arith.constant 0 : i32
      %dma_wait3A_509 = arith.constant 0 : i32
      %dma_wait3A_510 = arith.constant 0 : i32
      %dma_wait3A_511 = arith.constant 0 : i32
      %dma_wait3A_512 = tpu.memref_slice %arg6[%dma_wait3A_507, %dma_wait3A_510, %dma_wait3A_511] : memref<3x8x4096xf32, #tpu.memory_space<vmem>> -> memref<1x8x4096xf32, #tpu.memory_space<vmem>>
      %dma_wait3A_513 = tpu.memref_squeeze %dma_wait3A_512 : memref<1x8x4096xf32, #tpu.memory_space<vmem>> -> memref<8x4096xf32, #tpu.memory_space<vmem>>
      %dma_wait3A_514 = arith.constant 0 : i32
      %dma_wait3A_515 = tpu.memref_slice %arg7[%dma_wait3A_508, %dma_wait3A_509, %dma_wait3A_514] : memref<6x8x128xi32, #tpu.memory_space<vmem>> -> memref<1x1x8xi32, #tpu.memory_space<vmem>>
      %dma_wait3A_516 = tpu.memref_squeeze %dma_wait3A_515 : memref<1x1x8xi32, #tpu.memory_space<vmem>> -> memref<8xi32, #tpu.memory_space<vmem>>
      %dma_wait3A_517 = arith.constant 0 : i32
      %dma_wait3A_518 = arith.constant 0 : i32
      %dma_wait3A_519 = tpu.memref_slice %arg4[%dma_wait3A_517, %dma_wait3A_518] : memref<20480x4096xf32, #tpu.memory_space<hbm>> -> memref<20480x4096xf32, #tpu.memory_space<hbm>>
      tpu.wait_indirect_dma semaphore(%arg8 : memref<!tpu.dma_semaphore, #tpu.memory_space<semaphore_mem>>) src(%dma_wait3A_513 : memref<8x4096xf32, #tpu.memory_space<vmem>>) dst(%dma_wait3A_519 : memref<20480x4096xf32, #tpu.memory_space<hbm>>)
    }
    %while3A_360 = arith.constant 1 : i32
    scf.for %while3A_506 = %while3A_358 to %while3A_354 step %while3A_360  : i32 {
      %dma_wait3A_507 = arith.constant 0 : i32
      %dma_wait3A_508 = arith.constant 0 : i32
      %dma_wait3A_509 = arith.constant 0 : i32
      %dma_wait3A_510 = arith.constant 0 : i32
      %dma_wait3A_511 = arith.constant 0 : i32
      %dma_wait3A_512 = tpu.memref_slice %arg6[%dma_wait3A_507, %dma_wait3A_510, %dma_wait3A_511] : memref<3x8x4096xf32, #tpu.memory_space<vmem>> -> memref<1x8x4096xf32, #tpu.memory_space<vmem>>
      %dma_wait3A_513 = tpu.memref_squeeze %dma_wait3A_512 : memref<1x8x4096xf32, #tpu.memory_space<vmem>> -> memref<8x4096xf32, #tpu.memory_space<vmem>>
      %dma_wait3A_514 = arith.constant 0 : i32
      %dma_wait3A_515 = tpu.memref_slice %arg7[%dma_wait3A_508, %dma_wait3A_509, %dma_wait3A_514] : memref<6x8x128xi32, #tpu.memory_space<vmem>> -> memref<1x1x8xi32, #tpu.memory_space<vmem>>
      %dma_wait3A_516 = tpu.memref_squeeze %dma_wait3A_515 : memref<1x1x8xi32, #tpu.memory_space<vmem>> -> memref<8xi32, #tpu.memory_space<vmem>>
      %dma_wait3A_517 = arith.constant 0 : i32
      %dma_wait3A_518 = arith.constant 0 : i32
      %dma_wait3A_519 = tpu.memref_slice %arg4[%dma_wait3A_517, %dma_wait3A_518] : memref<20480x4096xf32, #tpu.memory_space<hbm>> -> memref<20480x4096xf32, #tpu.memory_space<hbm>>
      tpu.wait_indirect_dma semaphore(%arg8 : memref<!tpu.dma_semaphore, #tpu.memory_space<semaphore_mem>>) src(%dma_wait3A_513 : memref<8x4096xf32, #tpu.memory_space<vmem>>) dst(%dma_wait3A_519 : memref<20480x4096xf32, #tpu.memory_space<hbm>>)
    }
    %add3A_361 = arith.constant 1 : i32
    %add3A_362 = arith.addi %div3A_3, %add3A_361 : i32
    %min3A_363 = arith.constant 19 : i32
    %min3A_364 = arith.minsi %add3A_362, %min3A_363 : i32
    %add3A_365 = arith.constant 0 : i32
    %add3A_366 = arith.addi %add3A_365, %min3A_364 : i32
    %mul3A_367 = arith.constant 8 : i32
    %mul3A_368 = arith.muli %add3A_366, %mul3A_367 : i32
    %multiple_of3A_369 = tpu.assume_multiple %mul3A_368, 8 : i32
    %dma_start3A_370 = arith.constant 0 : i32
    %dma_start3A_371 = arith.constant 0 : i32
    %dma_start3A_372 = arith.constant 0 : i32
    %dma_start3A_373 = tpu.memref_slice %arg6[%dma_start3A_370, %dma_start3A_371, %dma_start3A_372] : memref<3x8x4096xf32, #tpu.memory_space<vmem>> -> memref<1x8x4096xf32, #tpu.memory_space<vmem>>
    %dma_start3A_374 = tpu.memref_squeeze %dma_start3A_373 : memref<1x8x4096xf32, #tpu.memory_space<vmem>> -> memref<8x4096xf32, #tpu.memory_space<vmem>>
    %dma_start3A_375 = arith.constant 0 : i32
    %dma_start3A_376 = tpu.memref_slice %arg2[%multiple_of3A_369, %dma_start3A_375] : memref<480x4096xf32, #tpu.memory_space<hbm>> -> memref<8x4096xf32, #tpu.memory_space<hbm>>
    %dma_start3A_377 = arith.constant 0 : i32
    %dma_start3A_378 = arith.constant 0 : i32
    %dma_start3A_379 = tpu.memref_slice %arg6[%dma_start3A_370, %dma_start3A_377, %dma_start3A_378] : memref<3x8x4096xf32, #tpu.memory_space<vmem>> -> memref<1x8x4096xf32, #tpu.memory_space<vmem>>
    %dma_start3A_380 = tpu.memref_squeeze %dma_start3A_379 : memref<1x8x4096xf32, #tpu.memory_space<vmem>> -> memref<8x4096xf32, #tpu.memory_space<vmem>>
    %dma_start3A_381 = arith.constant 0 : i32
    %dma_start3A_382 = tpu.memref_slice %arg2[%multiple_of3A_369, %dma_start3A_381] : memref<480x4096xf32, #tpu.memory_space<hbm>> -> memref<8x4096xf32, #tpu.memory_space<hbm>>
    tpu.enqueue_dma source(%dma_start3A_382 : memref<8x4096xf32, #tpu.memory_space<hbm>>) target(%dma_start3A_380 : memref<8x4096xf32, #tpu.memory_space<vmem>>) target_semaphore(%arg9 : memref<!tpu.dma_semaphore, #tpu.memory_space<semaphore_mem>>)
    %add3A_383 = arith.constant 20 : i32
    %add3A_384 = arith.addi %add3A_383, %min3A_364 : i32
    %mul3A_385 = arith.constant 8 : i32
    %mul3A_386 = arith.muli %add3A_384, %mul3A_385 : i32
    %multiple_of3A_387 = tpu.assume_multiple %mul3A_386, 8 : i32
    %dma_start3A_388 = arith.constant 1 : i32
    %dma_start3A_389 = arith.constant 0 : i32
    %dma_start3A_390 = arith.constant 0 : i32
    %dma_start3A_391 = tpu.memref_slice %arg6[%dma_start3A_388, %dma_start3A_389, %dma_start3A_390] : memref<3x8x4096xf32, #tpu.memory_space<vmem>> -> memref<1x8x4096xf32, #tpu.memory_space<vmem>>
    %dma_start3A_392 = tpu.memref_squeeze %dma_start3A_391 : memref<1x8x4096xf32, #tpu.memory_space<vmem>> -> memref<8x4096xf32, #tpu.memory_space<vmem>>
    %dma_start3A_393 = arith.constant 0 : i32
    %dma_start3A_394 = tpu.memref_slice %arg2[%multiple_of3A_387, %dma_start3A_393] : memref<480x4096xf32, #tpu.memory_space<hbm>> -> memref<8x4096xf32, #tpu.memory_space<hbm>>
    %dma_start3A_395 = arith.constant 0 : i32
    %dma_start3A_396 = arith.constant 0 : i32
    %dma_start3A_397 = tpu.memref_slice %arg6[%dma_start3A_388, %dma_start3A_395, %dma_start3A_396] : memref<3x8x4096xf32, #tpu.memory_space<vmem>> -> memref<1x8x4096xf32, #tpu.memory_space<vmem>>
    %dma_start3A_398 = tpu.memref_squeeze %dma_start3A_397 : memref<1x8x4096xf32, #tpu.memory_space<vmem>> -> memref<8x4096xf32, #tpu.memory_space<vmem>>
    %dma_start3A_399 = arith.constant 0 : i32
    %dma_start3A_400 = tpu.memref_slice %arg2[%multiple_of3A_387, %dma_start3A_399] : memref<480x4096xf32, #tpu.memory_space<hbm>> -> memref<8x4096xf32, #tpu.memory_space<hbm>>
    tpu.enqueue_dma source(%dma_start3A_400 : memref<8x4096xf32, #tpu.memory_space<hbm>>) target(%dma_start3A_398 : memref<8x4096xf32, #tpu.memory_space<vmem>>) target_semaphore(%arg9 : memref<!tpu.dma_semaphore, #tpu.memory_space<semaphore_mem>>)
    %add3A_401 = arith.constant 40 : i32
    %add3A_402 = arith.addi %add3A_401, %min3A_364 : i32
    %mul3A_403 = arith.constant 8 : i32
    %mul3A_404 = arith.muli %add3A_402, %mul3A_403 : i32
    %multiple_of3A_405 = tpu.assume_multiple %mul3A_404, 8 : i32
    %dma_start3A_406 = arith.constant 2 : i32
    %dma_start3A_407 = arith.constant 0 : i32
    %dma_start3A_408 = arith.constant 0 : i32
    %dma_start3A_409 = tpu.memref_slice %arg6[%dma_start3A_406, %dma_start3A_407, %dma_start3A_408] : memref<3x8x4096xf32, #tpu.memory_space<vmem>> -> memref<1x8x4096xf32, #tpu.memory_space<vmem>>
    %dma_start3A_410 = tpu.memref_squeeze %dma_start3A_409 : memref<1x8x4096xf32, #tpu.memory_space<vmem>> -> memref<8x4096xf32, #tpu.memory_space<vmem>>
    %dma_start3A_411 = arith.constant 0 : i32
    %dma_start3A_412 = tpu.memref_slice %arg2[%multiple_of3A_405, %dma_start3A_411] : memref<480x4096xf32, #tpu.memory_space<hbm>> -> memref<8x4096xf32, #tpu.memory_space<hbm>>
    %dma_start3A_413 = arith.constant 0 : i32
    %dma_start3A_414 = arith.constant 0 : i32
    %dma_start3A_415 = tpu.memref_slice %arg6[%dma_start3A_406, %dma_start3A_413, %dma_start3A_414] : memref<3x8x4096xf32, #tpu.memory_space<vmem>> -> memref<1x8x4096xf32, #tpu.memory_space<vmem>>
    %dma_start3A_416 = tpu.memref_squeeze %dma_start3A_415 : memref<1x8x4096xf32, #tpu.memory_space<vmem>> -> memref<8x4096xf32, #tpu.memory_space<vmem>>
    %dma_start3A_417 = arith.constant 0 : i32
    %dma_start3A_418 = tpu.memref_slice %arg2[%multiple_of3A_405, %dma_start3A_417] : memref<480x4096xf32, #tpu.memory_space<hbm>> -> memref<8x4096xf32, #tpu.memory_space<hbm>>
    tpu.enqueue_dma source(%dma_start3A_418 : memref<8x4096xf32, #tpu.memory_space<hbm>>) target(%dma_start3A_416 : memref<8x4096xf32, #tpu.memory_space<vmem>>) target_semaphore(%arg9 : memref<!tpu.dma_semaphore, #tpu.memory_space<semaphore_mem>>)
    %dma_wait3A_419 = arith.constant 0 : i32
    %dma_wait3A_420 = arith.constant 0 : i32
    %dma_wait3A_421 = arith.constant 0 : i32
    %dma_wait3A_422 = tpu.memref_slice %arg6[%dma_wait3A_419, %dma_wait3A_420, %dma_wait3A_421] : memref<3x8x4096xf32, #tpu.memory_space<vmem>> -> memref<1x8x4096xf32, #tpu.memory_space<vmem>>
    %dma_wait3A_423 = tpu.memref_squeeze %dma_wait3A_422 : memref<1x8x4096xf32, #tpu.memory_space<vmem>> -> memref<8x4096xf32, #tpu.memory_space<vmem>>
    %dma_wait3A_424 = arith.constant 0 : i32
    %dma_wait3A_425 = arith.constant 0 : i32
    %dma_wait3A_426 = tpu.memref_slice %arg2[%dma_wait3A_424, %dma_wait3A_425] : memref<480x4096xf32, #tpu.memory_space<hbm>> -> memref<8x4096xf32, #tpu.memory_space<hbm>>
    %dma_wait3A_427 = arith.constant 0 : i32
    %dma_wait3A_428 = arith.constant 0 : i32
    %dma_wait3A_429 = tpu.memref_slice %arg6[%dma_wait3A_419, %dma_wait3A_427, %dma_wait3A_428] : memref<3x8x4096xf32, #tpu.memory_space<vmem>> -> memref<1x8x4096xf32, #tpu.memory_space<vmem>>
    %dma_wait3A_430 = tpu.memref_squeeze %dma_wait3A_429 : memref<1x8x4096xf32, #tpu.memory_space<vmem>> -> memref<8x4096xf32, #tpu.memory_space<vmem>>
    %dma_wait3A_431 = arith.constant 0 : i32
    %dma_wait3A_432 = arith.constant 0 : i32
    %dma_wait3A_433 = tpu.memref_slice %arg2[%dma_wait3A_431, %dma_wait3A_432] : memref<480x4096xf32, #tpu.memory_space<hbm>> -> memref<8x4096xf32, #tpu.memory_space<hbm>>
    tpu.wait_dma2 semaphore(%arg9 : memref<!tpu.dma_semaphore, #tpu.memory_space<semaphore_mem>>) src(%dma_wait3A_433 : memref<8x4096xf32, #tpu.memory_space<hbm>>) dst(%dma_wait3A_430 : memref<8x4096xf32, #tpu.memory_space<vmem>>)
    %dma_wait3A_434 = arith.constant 1 : i32
    %dma_wait3A_435 = arith.constant 0 : i32
    %dma_wait3A_436 = arith.constant 0 : i32
    %dma_wait3A_437 = tpu.memref_slice %arg6[%dma_wait3A_434, %dma_wait3A_435, %dma_wait3A_436] : memref<3x8x4096xf32, #tpu.memory_space<vmem>> -> memref<1x8x4096xf32, #tpu.memory_space<vmem>>
    %dma_wait3A_438 = tpu.memref_squeeze %dma_wait3A_437 : memref<1x8x4096xf32, #tpu.memory_space<vmem>> -> memref<8x4096xf32, #tpu.memory_space<vmem>>
    %dma_wait3A_439 = arith.constant 0 : i32
    %dma_wait3A_440 = arith.constant 0 : i32
    %dma_wait3A_441 = tpu.memref_slice %arg2[%dma_wait3A_439, %dma_wait3A_440] : memref<480x4096xf32, #tpu.memory_space<hbm>> -> memref<8x4096xf32, #tpu.memory_space<hbm>>
    %dma_wait3A_442 = arith.constant 0 : i32
    %dma_wait3A_443 = arith.constant 0 : i32
    %dma_wait3A_444 = tpu.memref_slice %arg6[%dma_wait3A_434, %dma_wait3A_442, %dma_wait3A_443] : memref<3x8x4096xf32, #tpu.memory_space<vmem>> -> memref<1x8x4096xf32, #tpu.memory_space<vmem>>
    %dma_wait3A_445 = tpu.memref_squeeze %dma_wait3A_444 : memref<1x8x4096xf32, #tpu.memory_space<vmem>> -> memref<8x4096xf32, #tpu.memory_space<vmem>>
    %dma_wait3A_446 = arith.constant 0 : i32
    %dma_wait3A_447 = arith.constant 0 : i32
    %dma_wait3A_448 = tpu.memref_slice %arg2[%dma_wait3A_446, %dma_wait3A_447] : memref<480x4096xf32, #tpu.memory_space<hbm>> -> memref<8x4096xf32, #tpu.memory_space<hbm>>
    tpu.wait_dma2 semaphore(%arg9 : memref<!tpu.dma_semaphore, #tpu.memory_space<semaphore_mem>>) src(%dma_wait3A_448 : memref<8x4096xf32, #tpu.memory_space<hbm>>) dst(%dma_wait3A_445 : memref<8x4096xf32, #tpu.memory_space<vmem>>)
    %dma_wait3A_449 = arith.constant 2 : i32
    %dma_wait3A_450 = arith.constant 0 : i32
    %dma_wait3A_451 = arith.constant 0 : i32
    %dma_wait3A_452 = tpu.memref_slice %arg6[%dma_wait3A_449, %dma_wait3A_450, %dma_wait3A_451] : memref<3x8x4096xf32, #tpu.memory_space<vmem>> -> memref<1x8x4096xf32, #tpu.memory_space<vmem>>
    %dma_wait3A_453 = tpu.memref_squeeze %dma_wait3A_452 : memref<1x8x4096xf32, #tpu.memory_space<vmem>> -> memref<8x4096xf32, #tpu.memory_space<vmem>>
    %dma_wait3A_454 = arith.constant 0 : i32
    %dma_wait3A_455 = arith.constant 0 : i32
    %dma_wait3A_456 = tpu.memref_slice %arg2[%dma_wait3A_454, %dma_wait3A_455] : memref<480x4096xf32, #tpu.memory_space<hbm>> -> memref<8x4096xf32, #tpu.memory_space<hbm>>
    %dma_wait3A_457 = arith.constant 0 : i32
    %dma_wait3A_458 = arith.constant 0 : i32
    %dma_wait3A_459 = tpu.memref_slice %arg6[%dma_wait3A_449, %dma_wait3A_457, %dma_wait3A_458] : memref<3x8x4096xf32, #tpu.memory_space<vmem>> -> memref<1x8x4096xf32, #tpu.memory_space<vmem>>
    %dma_wait3A_460 = tpu.memref_squeeze %dma_wait3A_459 : memref<1x8x4096xf32, #tpu.memory_space<vmem>> -> memref<8x4096xf32, #tpu.memory_space<vmem>>
    %dma_wait3A_461 = arith.constant 0 : i32
    %dma_wait3A_462 = arith.constant 0 : i32
    %dma_wait3A_463 = tpu.memref_slice %arg2[%dma_wait3A_461, %dma_wait3A_462] : memref<480x4096xf32, #tpu.memory_space<hbm>> -> memref<8x4096xf32, #tpu.memory_space<hbm>>
    tpu.wait_dma2 semaphore(%arg9 : memref<!tpu.dma_semaphore, #tpu.memory_space<semaphore_mem>>) src(%dma_wait3A_463 : memref<8x4096xf32, #tpu.memory_space<hbm>>) dst(%dma_wait3A_460 : memref<8x4096xf32, #tpu.memory_space<vmem>>)
    %while3A_464 = arith.constant 0 : i32
    %while3A_465 = arith.constant 0 : i32
    %while3A_466 = arith.subi %div3A_230, %while3A_465 : i32
    %while3A_467 = arith.addi %while3A_465, %while3A_466 : i32
    %while3A_468 = arith.constant 1 : i32
    %while3A_469 = arith.divsi %while3A_466, %while3A_468 : i32
    %while3A_470 = arith.muli %while3A_469, %while3A_468 : i32
    %while3A_471 = arith.addi %while3A_465, %while3A_470 : i32
    %while3A_472 = arith.constant 1 : i32
    scf.for %while3A_506 = %while3A_465 to %while3A_471 step %while3A_472  : i32 {
      %div3A_507 = arith.constant 16 : i32
      %div3A_508 = arith.divsi %while3A_506, %div3A_507 : i32
      %rem3A_509 = arith.constant 16 : i32
      %rem3A_510 = arith.remsi %while3A_506, %rem3A_509 : i32
      %mul3A_511 = arith.constant 8 : i32
      %mul3A_512 = arith.muli %rem3A_510, %mul3A_511 : i32
      %dma_start3A_513 = arith.constant 0 : i32
      %dma_start3A_514 = arith.constant 3 : i32
      %dma_start3A_515 = arith.constant 0 : i32
      %dma_start3A_516 = arith.constant 0 : i32
      %dma_start3A_517 = tpu.memref_slice %arg6[%dma_start3A_513, %dma_start3A_515, %dma_start3A_516] : memref<3x8x4096xf32, #tpu.memory_space<vmem>> -> memref<1x8x4096xf32, #tpu.memory_space<vmem>>
      %dma_start3A_518 = tpu.memref_squeeze %dma_start3A_517 : memref<1x8x4096xf32, #tpu.memory_space<vmem>> -> memref<8x4096xf32, #tpu.memory_space<vmem>>
      %dma_start3A_519 = tpu.memref_slice %arg7[%dma_start3A_514, %div3A_508, %mul3A_512] : memref<6x8x128xi32, #tpu.memory_space<vmem>> -> memref<1x1x8xi32, #tpu.memory_space<vmem>>
      %dma_start3A_520 = tpu.memref_squeeze %dma_start3A_519 : memref<1x1x8xi32, #tpu.memory_space<vmem>> -> memref<8xi32, #tpu.memory_space<vmem>>
      %dma_start3A_521 = arith.constant 0 : i32
      %dma_start3A_522 = arith.constant 0 : i32
      %dma_start3A_523 = tpu.memref_slice %arg4[%dma_start3A_521, %dma_start3A_522] : memref<20480x4096xf32, #tpu.memory_space<hbm>> -> memref<20480x4096xf32, #tpu.memory_space<hbm>>
      tpu.enqueue_indirect_dma source(%dma_start3A_518 : memref<8x4096xf32, #tpu.memory_space<vmem>>) target(%dma_start3A_523 : memref<20480x4096xf32, #tpu.memory_space<hbm>>) offsets(%dma_start3A_520 : memref<8xi32, #tpu.memory_space<vmem>>) semaphore(%arg8 : memref<!tpu.dma_semaphore, #tpu.memory_space<semaphore_mem>>)
    }
    %while3A_473 = arith.constant 1 : i32
    scf.for %while3A_506 = %while3A_471 to %while3A_467 step %while3A_473  : i32 {
      %div3A_507 = arith.constant 16 : i32
      %div3A_508 = arith.divsi %while3A_506, %div3A_507 : i32
      %rem3A_509 = arith.constant 16 : i32
      %rem3A_510 = arith.remsi %while3A_506, %rem3A_509 : i32
      %mul3A_511 = arith.constant 8 : i32
      %mul3A_512 = arith.muli %rem3A_510, %mul3A_511 : i32
      %dma_start3A_513 = arith.constant 0 : i32
      %dma_start3A_514 = arith.constant 3 : i32
      %dma_start3A_515 = arith.constant 0 : i32
      %dma_start3A_516 = arith.constant 0 : i32
      %dma_start3A_517 = tpu.memref_slice %arg6[%dma_start3A_513, %dma_start3A_515, %dma_start3A_516] : memref<3x8x4096xf32, #tpu.memory_space<vmem>> -> memref<1x8x4096xf32, #tpu.memory_space<vmem>>
      %dma_start3A_518 = tpu.memref_squeeze %dma_start3A_517 : memref<1x8x4096xf32, #tpu.memory_space<vmem>> -> memref<8x4096xf32, #tpu.memory_space<vmem>>
      %dma_start3A_519 = tpu.memref_slice %arg7[%dma_start3A_514, %div3A_508, %mul3A_512] : memref<6x8x128xi32, #tpu.memory_space<vmem>> -> memref<1x1x8xi32, #tpu.memory_space<vmem>>
      %dma_start3A_520 = tpu.memref_squeeze %dma_start3A_519 : memref<1x1x8xi32, #tpu.memory_space<vmem>> -> memref<8xi32, #tpu.memory_space<vmem>>
      %dma_start3A_521 = arith.constant 0 : i32
      %dma_start3A_522 = arith.constant 0 : i32
      %dma_start3A_523 = tpu.memref_slice %arg4[%dma_start3A_521, %dma_start3A_522] : memref<20480x4096xf32, #tpu.memory_space<hbm>> -> memref<20480x4096xf32, #tpu.memory_space<hbm>>
      tpu.enqueue_indirect_dma source(%dma_start3A_518 : memref<8x4096xf32, #tpu.memory_space<vmem>>) target(%dma_start3A_523 : memref<20480x4096xf32, #tpu.memory_space<hbm>>) offsets(%dma_start3A_520 : memref<8xi32, #tpu.memory_space<vmem>>) semaphore(%arg8 : memref<!tpu.dma_semaphore, #tpu.memory_space<semaphore_mem>>)
    }
    %while3A_474 = arith.constant 0 : i32
    %while3A_475 = arith.constant 0 : i32
    %while3A_476 = arith.subi %div3A_252, %while3A_475 : i32
    %while3A_477 = arith.addi %while3A_475, %while3A_476 : i32
    %while3A_478 = arith.constant 1 : i32
    %while3A_479 = arith.divsi %while3A_476, %while3A_478 : i32
    %while3A_480 = arith.muli %while3A_479, %while3A_478 : i32
    %while3A_481 = arith.addi %while3A_475, %while3A_480 : i32
    %while3A_482 = arith.constant 1 : i32
    scf.for %while3A_506 = %while3A_475 to %while3A_481 step %while3A_482  : i32 {
      %div3A_507 = arith.constant 16 : i32
      %div3A_508 = arith.divsi %while3A_506, %div3A_507 : i32
      %rem3A_509 = arith.constant 16 : i32
      %rem3A_510 = arith.remsi %while3A_506, %rem3A_509 : i32
      %mul3A_511 = arith.constant 8 : i32
      %mul3A_512 = arith.muli %rem3A_510, %mul3A_511 : i32
      %dma_start3A_513 = arith.constant 1 : i32
      %dma_start3A_514 = arith.constant 4 : i32
      %dma_start3A_515 = arith.constant 0 : i32
      %dma_start3A_516 = arith.constant 0 : i32
      %dma_start3A_517 = tpu.memref_slice %arg6[%dma_start3A_513, %dma_start3A_515, %dma_start3A_516] : memref<3x8x4096xf32, #tpu.memory_space<vmem>> -> memref<1x8x4096xf32, #tpu.memory_space<vmem>>
      %dma_start3A_518 = tpu.memref_squeeze %dma_start3A_517 : memref<1x8x4096xf32, #tpu.memory_space<vmem>> -> memref<8x4096xf32, #tpu.memory_space<vmem>>
      %dma_start3A_519 = tpu.memref_slice %arg7[%dma_start3A_514, %div3A_508, %mul3A_512] : memref<6x8x128xi32, #tpu.memory_space<vmem>> -> memref<1x1x8xi32, #tpu.memory_space<vmem>>
      %dma_start3A_520 = tpu.memref_squeeze %dma_start3A_519 : memref<1x1x8xi32, #tpu.memory_space<vmem>> -> memref<8xi32, #tpu.memory_space<vmem>>
      %dma_start3A_521 = arith.constant 0 : i32
      %dma_start3A_522 = arith.constant 0 : i32
      %dma_start3A_523 = tpu.memref_slice %arg4[%dma_start3A_521, %dma_start3A_522] : memref<20480x4096xf32, #tpu.memory_space<hbm>> -> memref<20480x4096xf32, #tpu.memory_space<hbm>>
      tpu.enqueue_indirect_dma source(%dma_start3A_518 : memref<8x4096xf32, #tpu.memory_space<vmem>>) target(%dma_start3A_523 : memref<20480x4096xf32, #tpu.memory_space<hbm>>) offsets(%dma_start3A_520 : memref<8xi32, #tpu.memory_space<vmem>>) semaphore(%arg8 : memref<!tpu.dma_semaphore, #tpu.memory_space<semaphore_mem>>)
    }
    %while3A_483 = arith.constant 1 : i32
    scf.for %while3A_506 = %while3A_481 to %while3A_477 step %while3A_483  : i32 {
      %div3A_507 = arith.constant 16 : i32
      %div3A_508 = arith.divsi %while3A_506, %div3A_507 : i32
      %rem3A_509 = arith.constant 16 : i32
      %rem3A_510 = arith.remsi %while3A_506, %rem3A_509 : i32
      %mul3A_511 = arith.constant 8 : i32
      %mul3A_512 = arith.muli %rem3A_510, %mul3A_511 : i32
      %dma_start3A_513 = arith.constant 1 : i32
      %dma_start3A_514 = arith.constant 4 : i32
      %dma_start3A_515 = arith.constant 0 : i32
      %dma_start3A_516 = arith.constant 0 : i32
      %dma_start3A_517 = tpu.memref_slice %arg6[%dma_start3A_513, %dma_start3A_515, %dma_start3A_516] : memref<3x8x4096xf32, #tpu.memory_space<vmem>> -> memref<1x8x4096xf32, #tpu.memory_space<vmem>>
      %dma_start3A_518 = tpu.memref_squeeze %dma_start3A_517 : memref<1x8x4096xf32, #tpu.memory_space<vmem>> -> memref<8x4096xf32, #tpu.memory_space<vmem>>
      %dma_start3A_519 = tpu.memref_slice %arg7[%dma_start3A_514, %div3A_508, %mul3A_512] : memref<6x8x128xi32, #tpu.memory_space<vmem>> -> memref<1x1x8xi32, #tpu.memory_space<vmem>>
      %dma_start3A_520 = tpu.memref_squeeze %dma_start3A_519 : memref<1x1x8xi32, #tpu.memory_space<vmem>> -> memref<8xi32, #tpu.memory_space<vmem>>
      %dma_start3A_521 = arith.constant 0 : i32
      %dma_start3A_522 = arith.constant 0 : i32
      %dma_start3A_523 = tpu.memref_slice %arg4[%dma_start3A_521, %dma_start3A_522] : memref<20480x4096xf32, #tpu.memory_space<hbm>> -> memref<20480x4096xf32, #tpu.memory_space<hbm>>
      tpu.enqueue_indirect_dma source(%dma_start3A_518 : memref<8x4096xf32, #tpu.memory_space<vmem>>) target(%dma_start3A_523 : memref<20480x4096xf32, #tpu.memory_space<hbm>>) offsets(%dma_start3A_520 : memref<8xi32, #tpu.memory_space<vmem>>) semaphore(%arg8 : memref<!tpu.dma_semaphore, #tpu.memory_space<semaphore_mem>>)
    }
    %while3A_484 = arith.constant 0 : i32
    %while3A_485 = arith.constant 0 : i32
    %while3A_486 = arith.subi %div3A_274, %while3A_485 : i32
    %while3A_487 = arith.addi %while3A_485, %while3A_486 : i32
    %while3A_488 = arith.constant 1 : i32
    %while3A_489 = arith.divsi %while3A_486, %while3A_488 : i32
    %while3A_490 = arith.muli %while3A_489, %while3A_488 : i32
    %while3A_491 = arith.addi %while3A_485, %while3A_490 : i32
    %while3A_492 = arith.constant 1 : i32
    scf.for %while3A_506 = %while3A_485 to %while3A_491 step %while3A_492  : i32 {
      %div3A_507 = arith.constant 16 : i32
      %div3A_508 = arith.divsi %while3A_506, %div3A_507 : i32
      %rem3A_509 = arith.constant 16 : i32
      %rem3A_510 = arith.remsi %while3A_506, %rem3A_509 : i32
      %mul3A_511 = arith.constant 8 : i32
      %mul3A_512 = arith.muli %rem3A_510, %mul3A_511 : i32
      %dma_start3A_513 = arith.constant 2 : i32
      %dma_start3A_514 = arith.constant 5 : i32
      %dma_start3A_515 = arith.constant 0 : i32
      %dma_start3A_516 = arith.constant 0 : i32
      %dma_start3A_517 = tpu.memref_slice %arg6[%dma_start3A_513, %dma_start3A_515, %dma_start3A_516] : memref<3x8x4096xf32, #tpu.memory_space<vmem>> -> memref<1x8x4096xf32, #tpu.memory_space<vmem>>
      %dma_start3A_518 = tpu.memref_squeeze %dma_start3A_517 : memref<1x8x4096xf32, #tpu.memory_space<vmem>> -> memref<8x4096xf32, #tpu.memory_space<vmem>>
      %dma_start3A_519 = tpu.memref_slice %arg7[%dma_start3A_514, %div3A_508, %mul3A_512] : memref<6x8x128xi32, #tpu.memory_space<vmem>> -> memref<1x1x8xi32, #tpu.memory_space<vmem>>
      %dma_start3A_520 = tpu.memref_squeeze %dma_start3A_519 : memref<1x1x8xi32, #tpu.memory_space<vmem>> -> memref<8xi32, #tpu.memory_space<vmem>>
      %dma_start3A_521 = arith.constant 0 : i32
      %dma_start3A_522 = arith.constant 0 : i32
      %dma_start3A_523 = tpu.memref_slice %arg4[%dma_start3A_521, %dma_start3A_522] : memref<20480x4096xf32, #tpu.memory_space<hbm>> -> memref<20480x4096xf32, #tpu.memory_space<hbm>>
      tpu.enqueue_indirect_dma source(%dma_start3A_518 : memref<8x4096xf32, #tpu.memory_space<vmem>>) target(%dma_start3A_523 : memref<20480x4096xf32, #tpu.memory_space<hbm>>) offsets(%dma_start3A_520 : memref<8xi32, #tpu.memory_space<vmem>>) semaphore(%arg8 : memref<!tpu.dma_semaphore, #tpu.memory_space<semaphore_mem>>)
    }
    %while3A_493 = arith.constant 1 : i32
    scf.for %while3A_506 = %while3A_491 to %while3A_487 step %while3A_493  : i32 {
      %div3A_507 = arith.constant 16 : i32
      %div3A_508 = arith.divsi %while3A_506, %div3A_507 : i32
      %rem3A_509 = arith.constant 16 : i32
      %rem3A_510 = arith.remsi %while3A_506, %rem3A_509 : i32
      %mul3A_511 = arith.constant 8 : i32
      %mul3A_512 = arith.muli %rem3A_510, %mul3A_511 : i32
      %dma_start3A_513 = arith.constant 2 : i32
      %dma_start3A_514 = arith.constant 5 : i32
      %dma_start3A_515 = arith.constant 0 : i32
      %dma_start3A_516 = arith.constant 0 : i32
      %dma_start3A_517 = tpu.memref_slice %arg6[%dma_start3A_513, %dma_start3A_515, %dma_start3A_516] : memref<3x8x4096xf32, #tpu.memory_space<vmem>> -> memref<1x8x4096xf32, #tpu.memory_space<vmem>>
      %dma_start3A_518 = tpu.memref_squeeze %dma_start3A_517 : memref<1x8x4096xf32, #tpu.memory_space<vmem>> -> memref<8x4096xf32, #tpu.memory_space<vmem>>
      %dma_start3A_519 = tpu.memref_slice %arg7[%dma_start3A_514, %div3A_508, %mul3A_512] : memref<6x8x128xi32, #tpu.memory_space<vmem>> -> memref<1x1x8xi32, #tpu.memory_space<vmem>>
      %dma_start3A_520 = tpu.memref_squeeze %dma_start3A_519 : memref<1x1x8xi32, #tpu.memory_space<vmem>> -> memref<8xi32, #tpu.memory_space<vmem>>
      %dma_start3A_521 = arith.constant 0 : i32
      %dma_start3A_522 = arith.constant 0 : i32
      %dma_start3A_523 = tpu.memref_slice %arg4[%dma_start3A_521, %dma_start3A_522] : memref<20480x4096xf32, #tpu.memory_space<hbm>> -> memref<20480x4096xf32, #tpu.memory_space<hbm>>
      tpu.enqueue_indirect_dma source(%dma_start3A_518 : memref<8x4096xf32, #tpu.memory_space<vmem>>) target(%dma_start3A_523 : memref<20480x4096xf32, #tpu.memory_space<hbm>>) offsets(%dma_start3A_520 : memref<8xi32, #tpu.memory_space<vmem>>) semaphore(%arg8 : memref<!tpu.dma_semaphore, #tpu.memory_space<semaphore_mem>>)
    }
    %add3A_494 = arith.addi %div3A_230, %div3A_252 : i32
    %add3A_495 = arith.addi %add3A_494, %div3A_274 : i32
    %while3A_496 = arith.constant 0 : i32
    %while3A_497 = arith.constant 0 : i32
    %while3A_498 = arith.subi %add3A_495, %while3A_497 : i32
    %while3A_499 = arith.addi %while3A_497, %while3A_498 : i32
    %while3A_500 = arith.constant 1 : i32
    %while3A_501 = arith.divsi %while3A_498, %while3A_500 : i32
    %while3A_502 = arith.muli %while3A_501, %while3A_500 : i32
    %while3A_503 = arith.addi %while3A_497, %while3A_502 : i32
    %while3A_504 = arith.constant 1 : i32
    scf.for %while3A_506 = %while3A_497 to %while3A_503 step %while3A_504  : i32 {
      %dma_wait3A_507 = arith.constant 0 : i32
      %dma_wait3A_508 = arith.constant 0 : i32
      %dma_wait3A_509 = arith.constant 0 : i32
      %dma_wait3A_510 = arith.constant 0 : i32
      %dma_wait3A_511 = arith.constant 0 : i32
      %dma_wait3A_512 = tpu.memref_slice %arg6[%dma_wait3A_507, %dma_wait3A_510, %dma_wait3A_511] : memref<3x8x4096xf32, #tpu.memory_space<vmem>> -> memref<1x8x4096xf32, #tpu.memory_space<vmem>>
      %dma_wait3A_513 = tpu.memref_squeeze %dma_wait3A_512 : memref<1x8x4096xf32, #tpu.memory_space<vmem>> -> memref<8x4096xf32, #tpu.memory_space<vmem>>
      %dma_wait3A_514 = arith.constant 0 : i32
      %dma_wait3A_515 = tpu.memref_slice %arg7[%dma_wait3A_508, %dma_wait3A_509, %dma_wait3A_514] : memref<6x8x128xi32, #tpu.memory_space<vmem>> -> memref<1x1x8xi32, #tpu.memory_space<vmem>>
      %dma_wait3A_516 = tpu.memref_squeeze %dma_wait3A_515 : memref<1x1x8xi32, #tpu.memory_space<vmem>> -> memref<8xi32, #tpu.memory_space<vmem>>
      %dma_wait3A_517 = arith.constant 0 : i32
      %dma_wait3A_518 = arith.constant 0 : i32
      %dma_wait3A_519 = tpu.memref_slice %arg4[%dma_wait3A_517, %dma_wait3A_518] : memref<20480x4096xf32, #tpu.memory_space<hbm>> -> memref<20480x4096xf32, #tpu.memory_space<hbm>>
      tpu.wait_indirect_dma semaphore(%arg8 : memref<!tpu.dma_semaphore, #tpu.memory_space<semaphore_mem>>) src(%dma_wait3A_513 : memref<8x4096xf32, #tpu.memory_space<vmem>>) dst(%dma_wait3A_519 : memref<20480x4096xf32, #tpu.memory_space<hbm>>)
    }
    %while3A_505 = arith.constant 1 : i32
    scf.for %while3A_506 = %while3A_503 to %while3A_499 step %while3A_505  : i32 {
      %dma_wait3A_507 = arith.constant 0 : i32
      %dma_wait3A_508 = arith.constant 0 : i32
      %dma_wait3A_509 = arith.constant 0 : i32
      %dma_wait3A_510 = arith.constant 0 : i32
      %dma_wait3A_511 = arith.constant 0 : i32
      %dma_wait3A_512 = tpu.memref_slice %arg6[%dma_wait3A_507, %dma_wait3A_510, %dma_wait3A_511] : memref<3x8x4096xf32, #tpu.memory_space<vmem>> -> memref<1x8x4096xf32, #tpu.memory_space<vmem>>
      %dma_wait3A_513 = tpu.memref_squeeze %dma_wait3A_512 : memref<1x8x4096xf32, #tpu.memory_space<vmem>> -> memref<8x4096xf32, #tpu.memory_space<vmem>>
      %dma_wait3A_514 = arith.constant 0 : i32
      %dma_wait3A_515 = tpu.memref_slice %arg7[%dma_wait3A_508, %dma_wait3A_509, %dma_wait3A_514] : memref<6x8x128xi32, #tpu.memory_space<vmem>> -> memref<1x1x8xi32, #tpu.memory_space<vmem>>
      %dma_wait3A_516 = tpu.memref_squeeze %dma_wait3A_515 : memref<1x1x8xi32, #tpu.memory_space<vmem>> -> memref<8xi32, #tpu.memory_space<vmem>>
      %dma_wait3A_517 = arith.constant 0 : i32
      %dma_wait3A_518 = arith.constant 0 : i32
      %dma_wait3A_519 = tpu.memref_slice %arg4[%dma_wait3A_517, %dma_wait3A_518] : memref<20480x4096xf32, #tpu.memory_space<hbm>> -> memref<20480x4096xf32, #tpu.memory_space<hbm>>
      tpu.wait_indirect_dma semaphore(%arg8 : memref<!tpu.dma_semaphore, #tpu.memory_space<semaphore_mem>>) src(%dma_wait3A_513 : memref<8x4096xf32, #tpu.memory_space<vmem>>) dst(%dma_wait3A_519 : memref<20480x4096xf32, #tpu.memory_space<hbm>>)
    }
    return
  }
}

</mosaic_0001>

<sc_bundles>
// kernel: kernel.3.cloned.1.call-start
scs
__scs_entry_jumppad:
0x0: {  	(pc) =	sbr.rel $0x88, $3  }
0x1: {  	(tag) =	ssettag $0x0;
	lr =	simm.s32 $0x1  }
0x2: {  	[smem:$0x3F9F] =	sst lr;
	_ =	strace $0xD0000000  }
0x3: {  	_ = 	snop  }
0x4: {  	_ = 	snop  }
0x5: {  	_ = 	snop  }
0x6: {  	_ = 	snop  }
0x7: {  	_ = 	snop  }
__scs_overlays_trampoline_lowered:
0x8: {  	[smem:$0x3FAE] =	sst s0  }
0x9: {  	[smem:$0x3FAF] =	sst s1  }
0xa: {  	[smem:$0x3FB0] =	sst s2  }
0xb: {  	[smem:$0x3FB1] =	sst s3  }
0xc: {  	[smem:$0x3FB2] =	sst s4  }
0xd: {  	[smem:$0x3FB3] =	sst s5  }
0xe: {  	[smem:$0x3FB4] =	sst s6  }
0xf: {  	[smem:$0x3FB5] =	sst s7  }
0x10: {  	[smem:$0x3FB6] =	sst s8  }
0x11: {  	[smem:$0x3FB7] =	sst s9;
	s0 =	simm.s32 @!p0 $0x0  }
0x12: {  	s1 =	sld [smem:$0x3F9D];
	s0 =	simm.s32 @p0 $0x1  }
0x13: {  	[smem:$0x3FB8] =	sst s0;
	s0 =	simm.s32 @!p1 $0x0  }
0x14: {  	s2 =	sld [smem:$0x3F9C];
	s0 =	simm.s32 @p1 $0x1  }
0x15: {  	[smem:$0x3FB9] =	sst s0;
	s0 =	simm.s32 @!p2 $0x0  }
0x16: {  	s3 =	sld [smem:$0x3FDB];
	s0 =	simm.s32 @p2 $0x1  }
0x17: {  	s4 =	simm.s32 $0x1BF5;
	[smem:$0x3FBB] =	sst s0  }
0x18: {  	s0 =	sld [smem:$0x3F9E];
	_ =	swait.ge [sflag:s4], $0x0  }
0x19: {  	s7 =	sld [smem:$0x3F9F]  }
0x1a: {  	s8 =	sadd.s32 $0xFFFFE003, lr  }
0x1b: {  	s9 =	sadd.s32 $0xFFFFFEF7, lr;
	s5 =	simm.s32 $0xFFFFFFFF;
	p2 =	slt.u32 s8, $0xFFFFF086  }
0x1c: {  	p1 =	slt.u32 s9, $0xF7A;
	s5 =	simm.s32 @!p2 $0x0  }
0x1d: {  	s5 =	simm.s32 @p1 $0x1;
	p0 =	seq.s32 s7, s2  }
0x1e: {  	s7 =	smul.u32 @!p0 $0xF7A, s2;
	p2 =	seq.s32 @!p0 s5, $0x0  }
0x1f: {  	s9 =	smul.u32 $0xF7A, s1;
	s8 =	simm.s32 @!p0 $0x1BF5;
	p2 =	por !p2, p0  }
0x20: {  	[sflag:s8] =	ssyncset.s32 @!p0 $0xFFFFF086;
	s6 =	sadd.s32 @!p0 s3, s7;
	s7 =	simm.s32 @!p0 $0x108  }
0x21: {  	s3 =	sadd.s32 s3, s9;
	s6 =	sadd.s32 @!p0 $0x88, s6;
	s7 =	simm.s32 @p2 $0x1082  }
0x22: {  	[simem:s7], [sflag:s8] =	dma.local @!p0 [hbm:s6], $0xF7A  }
0x23: {  	s9 =	sor.u32 $0xD0000000, s2;
	s6 =	simm.s32 $0x108;
	_ =	swait.ge @!p0 [sflag:s8], $0x0  }
0x24: {  	s3 =	sadd.s32 $0x88, s3;
	s6 =	simm.s32 @!p1 $0x1082;
	[sflag:s4] =	ssyncset.s32 $0xFFFFF086  }
0x25: {  	[simem:s6], [sflag:s4] =	dma.local [hbm:s3], $0xF7A  }
0x26: {  	[smem:$0x3F9F] =	sst s1;
	(tag) =	ssettag s2;
	_ =	strace s9  }
0x27: {  	s1 =	sld [smem:$0x3FAF]  }
0x28: {  	s2 =	sld [smem:$0x3FB0]  }
0x29: {  	s4 =	sld [smem:$0x3FB2]  }
0x2a: {  	p0 =	seq.s32 s5, $0x0;
	s5 =	sld [smem:$0x3FB3]  }
0x2b: {  	s6 =	sld [smem:$0x3FB4]  }
0x2c: {  	s7 =	sld [smem:$0x3FB5]  }
0x2d: {  	s3 =	simm.s32 $0x108;
	s8 =	sld [smem:$0x3FB6]  }
0x2e: {  	s3 =	simm.s32 @!p0 $0x1082;
	s9 =	sld [smem:$0x3FB7]  }
0x2f: {  	lr =	sadd.s32 s0, s3;
	s0 =	sld [smem:$0x3FAE]  }
0x30: {  	s3 =	sld [smem:$0x3FB1]  }
0x31: {  	[smem:$0x3FBA] =	sst s10  }
0x32: {  	s10 =	sld [smem:$0x3FB8];
	_ =	sdelay $0x3  }
0x33: {  	p0 =	seq.s32 s10, $0x1;
	s10 =	sld [smem:$0x3FBA];
	_ =	sdelay $0x3  }
0x34: {  	[smem:$0x3FBA] =	sst s10  }
0x35: {  	s10 =	sld [smem:$0x3FB9];
	_ =	sdelay $0x3  }
0x36: {  	p1 =	seq.s32 s10, $0x1;
	s10 =	sld [smem:$0x3FBA];
	_ =	sdelay $0x3  }
0x37: {  	[smem:$0x3FBA] =	sst s10  }
0x38: {  	s10 =	sld [smem:$0x3FBB]  }
0x39: {  	_ = 	snop;
	(pc) =	sbr.ind lr, $3  }
0x3a: {  	_ = 	snop  }
0x3b: {  	_ = 	snop  }
0x3c: {  	p2 =	seq.s32 s10, $0x1;
	s10 =	sld [smem:$0x3FBA]  }
0x3d: {  	_ =	shalt  }
0x3e: {  	_ =	shalt  }
0x3f: {  	_ =	shalt  }
0x40: {  	_ =	shalt  }
0x41: {  	_ =	shalt  }
0x42: {  	_ =	shalt  }
0x43: {  	_ =	shalt  }
0x44: {  	_ =	shalt  }
0x45: {  	_ =	shalt  }
0x46: {  	_ =	shalt  }
0x47: {  	_ =	shalt  }
0x48: {  	_ =	shalt  }
0x49: {  	_ =	shalt  }
0x4a: {  	_ =	shalt  }
0x4b: {  	_ =	shalt  }
0x4c: {  	_ =	shalt  }
0x4d: {  	_ =	shalt  }
0x4e: {  	_ =	shalt  }
0x4f: {  	_ =	shalt  }
0x50: {  	_ =	shalt  }
0x51: {  	_ =	shalt  }
0x52: {  	_ =	shalt  }
0x53: {  	_ =	shalt  }
0x54: {  	_ =	shalt  }
0x55: {  	_ =	shalt  }
0x56: {  	_ =	shalt  }
0x57: {  	_ =	shalt  }
0x58: {  	_ =	shalt  }
0x59: {  	_ =	shalt  }
0x5a: {  	_ =	shalt  }
0x5b: {  	_ =	shalt  }
0x5c: {  	_ =	shalt  }
0x5d: {  	_ =	shalt  }
0x5e: {  	_ =	shalt  }
0x5f: {  	_ =	shalt  }
0x60: {  	_ =	shalt  }
0x61: {  	_ =	shalt  }
0x62: {  	_ =	shalt  }
0x63: {  	_ =	shalt  }
0x64: {  	_ =	shalt  }
0x65: {  	_ =	shalt  }
0x66: {  	_ =	shalt  }
0x67: {  	_ =	shalt  }
0x68: {  	_ =	shalt  }
0x69: {  	_ =	shalt  }
0x6a: {  	_ =	shalt  }
0x6b: {  	_ =	shalt  }
0x6c: {  	_ =	shalt  }
0x6d: {  	_ =	shalt  }
0x6e: {  	_ =	shalt  }
0x6f: {  	_ =	shalt  }
0x70: {  	_ =	shalt  }
0x71: {  	_ =	shalt  }
0x72: {  	_ =	shalt  }
0x73: {  	_ =	shalt  }
0x74: {  	_ =	shalt  }
0x75: {  	_ =	shalt  }
0x76: {  	_ =	shalt  }
0x77: {  	_ =	shalt  }
0x78: {  	_ =	shalt  }
0x79: {  	_ =	shalt  }
0x7a: {  	_ =	shalt  }
0x7b: {  	_ =	shalt  }
0x7c: {  	_ =	shalt  }
0x7d: {  	_ =	shalt  }
0x7e: {  	_ =	shalt  }
0x7f: {  	_ =	shalt  }
0x80: {  	_ =	shalt  }
0x81: {  	_ =	shalt  }
0x82: {  	_ =	shalt  }
0x83: {  	_ =	shalt  }
0x84: {  	_ =	shalt  }
0x85: {  	_ =	shalt  }
0x86: {  	_ =	shalt  }
0x87: {  	_ =	shalt  }
.Lfunc_end0:
.L_simem_size_0:
called_computation_lowered:
.L_overlay_start_0:
0x88: {  	s2 =	sld [smem:$0x3FD9]  }
0x89: {  	s3 =	sld [smem:$0x3FFE];
	_ =	sdelay $0x1  }
0x8a: {  	s1 =	srdreg.scid  }
0x8b: {  	s0 =	sand.u32 $0x1, s1  }
0x8c: {  	s17 =	sshll.u32 s0, $0xA;
	s2 =	sadd.s32 s3, s2  }
0x8d: {  	s2 =	sadd.s32 s2, s17  }
0x8e: {  	[smem:$0x3FC6] =	sst s2  }
0x8f: {  	_ = 	snop  }
0x90: {  	s2 =	sld [smem:$0x3FC9]  }
0x91: {  	s18 =	sld [smem:$0x3FD0];
	(tm) =	ssettm $0x1  }
0x92: {  	s4 =	sld [smem:$0x3FFB];
	_ =	sdelay $0x3  }
0x93: {  	_ =	strace s4  }
0x94: {  	s4 =	sld [smem:$0x3FFC];
	_ =	sdelay $0x3  }
0x95: {  	_ =	strace s4  }
0x96: {  	s4 =	sld [smem:$0x3FFD];
	_ =	sdelay $0x3  }
0x97: {  	_ =	strace s4  }
0x98: {  	_ =	strace $0x8FFFFFFF  }
0x99: {  	s19 =	sld [smem:$0x3FDB];
	_ =	sdelay $0x1  }
0x9a: {  	s5 =	simm.s32 $_scs_section_size  }
0x9b: {  	s6 =	simm.s32 $_size__tile_overlayer_lowered;
	s7 =	simm.s32 $_tile_overlayer_lowered  }
0x9c: {  	s22 =	simm.s32 $0x1BFF;
	s21 =	sshll.u32 s7, $0x1;
	s4 =	sadd.s32 s5, s19  }
0x9d: {  	s8 =	simm.s32 $0x0;
	s20 =	sshll.u32 s6, $0x1;
	s6 =	sadd.s32 s21, s4  }
0x9e: {  	[timem:s8], [sflag:s22] =	dma.local [hbm:s6], s20  }
0x9f: {  	_ =	swait.ge [sflag:s22], s20  }
0xa0: {  	s5 =	ssub.s32 $0x0, s20;
	[sflag:s22] =	ssyncset.done $0x0  }
0xa1: {  	[sflag:s22] =	ssyncadd.s32 s5;
	_ =	sdelay $0x1  }
0xa2: {  	s23 =	simm.s32 $0x1B8B  }
0xa3: {  	_ =	swait.ge [sflag:s23], $0x1  }
0xa4: {  	[sflag:s23] =	ssyncset.done $0x0  }
0xa5: {  	s25 =	simm.s32 $0x1B8E;
	s24 =	sld [smem:$0x3FFE];
	[sflag:s23] =	ssyncadd.s32 $0xFFFFFFFF  }
0xa6: {  	s26 =	simm.s32 $execute0_lowered;
	[smem:$0x3FD2] =	sst s25  }
0xa7: {  	s6 =	sshll.u32 s26, $0x1;
	_ =	strace $0x80000046;
	[dreg:$0x1] =	wrdreg $0xFFFFFFFF  }
0xa8: {  	s28 =	simm.s32 $_size_execute0_lowered;
	s4 =	sadd.s32 s4, s6;
	[dreg:$0x0] =	wrdreg $0x0  }
0xa9: {  	s6 =	sshll.u32 s28, $0x1;
	[dreg:$0x2] =	wrdreg s4  }
0xaa: {  	[dreg:$0x3] =	wrdreg s6  }
0xab: {  	[dreg:$0x4] =	wrdreg $0xC0  }
0xac: {  	_ =	task [dreg:s8], $0x5FFFF  }
0xad: {  	[dreg:$0x1] =	wrdreg $0xFFFFFFFF  }
0xae: {  	[dreg:$0x0] =	wrdreg $0x60  }
0xaf: {  	[dreg:$0x2] =	wrdreg s24  }
0xb0: {  	[dreg:$0x3] =	wrdreg s2  }
0xb1: {  	[dreg:$0x4] =	wrdreg s18  }
0xb2: {  	[dreg:$0x5] =	wrdreg $0x9  }
0xb3: {  	_ =	task.clear_ibuf [dreg:s8], $0x6FFFF;
	_ =	strace $0x90000046  }
0xb4: {  	s29 =	simm.s32 $0x9;
	_ =	strace $0x80000048  }
0xb5: {  	_ =	swait.ge [sflag:s29], $0x1  }
0xb6: {  	[sflag:s29] =	ssyncadd.s32 $0xFFFFFFFF  }
0xb7: {  	_ =	strace $0x90000048  }
0xb8: {  	_ =	sfence  }
0xb9: {  	s30 =	sld [smem:$0x0];
	_ =	sdelay $0x2  }
0xba: {  	s31 =	sshll.u32 s1, $0xD;
	s1 =	sshrl.u32 s1, $0x2  }
0xbb: {  	s3 =	sand.u32 $0x4000, s31;
	s1 =	sadd.s32 s1, s30  }
0xbc: {  	s0 =	sor.u32 s3, s0;
	s1 =	sshll.u32 s1, $0x11  }
0xbd: {  	s0 =	sor.u32 s1, s0  }
0xbe: {  	s0 =	sadd.s32 $0x8F2B, s0  }
0xbf: {  	[sflag:s0] =	ssyncadd.remote.s32 $0x1  }
0xc0: {  	_ =	sfence.sel $0xFFFF  }
0xc1: {  	[dreg:$0x0] =	wrdreg $0xFFFFFFFF;
	(pc) =	sbr.abs _section_cstart, $3  }
0xc2: {  	[dreg:$0x1] =	wrdreg $0xFFFFFFFF  }
0xc3: {  	_ =	task.clear_ibuf [dreg:s8], $0x2FFFF;
	_ =	strace $0x9FFFFFFF  }
0xc4: {  	(tm) =	ssettm $0x7FFFFFFF  }
0xc5: {  	_ =	shalt  }
tec
execute0_lowered:
.L_overlay_start_1:
0x0: {  	(tag) =	ssettag $0x1  }
0x1: {  	s0 =	srdreg.scid  }
0x2: {  	s16 =	stileid.u32;
	s2 =	rddreg [dreg:$0x0]  }
0x3: {  	s25 =	rddreg [dreg:$0x2];
	s4 =	simm.s32 $0x0;
	s0 =	sand.u32 $0x1, s0  }
0x4: {  	s1 =	sshll.u32 s16, $0x1;
	[smem:$0x7FF] =	sst s4;
	s24 =	sadd.s32 $0x400, s2  }
0x5: {  	s12 =	sadd.s32 $0x14400, s2;
	s13 =	smul.u32 $0x500, s16;
	s11 =	sadd.s32 $0x600, s25  }
0x6: {  	s23 =	sadd.s32 $0x500, s25;
	_ =	strace $0x80000047;
	[smem:$0x7F7] =	sst s11  }
0x7: {  	s2 =	sadd.s32 $0x28400, s2;
	s20 =	sadd.s32 $0x300, s25;
	[dreg:$0x16] =	wrdreg s23  }
0x8: {  	s26 =	sadd.s32 $0x400, s25;
	s16 =	smul.u32 $0x1400, s16;
	[dreg:$0x1f] =	wrdreg s20  }
0x9: {  	s29 =	sadd.s32 $0x700, s25;
	s30 =	sadd.s32 $0x800, s25;
	[smem:$0x7F9] =	sst s26  }
0xa: {  	s31 =	sadd.s32 $0x900, s25;
	s1 =	sor.u32 s0, s1;
	[smem:$0x7FA] =	sst s29  }
0xb: {  	s8 =	ssub.s32 $0x2, s0;
	s14 =	smul.u32 $0x280, s0;
	[smem:$0x7FB] =	sst s30  }
0xc: {  	s0 =	smul.u32 $0xA00, s0;
	s11 =	sadd.s32 $0xD00, s25;
	[smem:$0x7FC] =	sst s31  }
0xd: {  	s1 =	smul.u32 $0x280, s1;
	s9 =	sshrl.u32 s8, $0x1;
	[smem:$0x7FD] =	sst s11  }
0xe: {  	s8 =	ssub.s32 s8, s9;
	s9 =	sadd.s32 $0x200, s25;
	s18 =	sadd.s32 s14, s13  }
0xf: {  	s0 =	sadd.s32 s0, s16;
	s5 =	sshrl.u32 s1, $0xA;
	[dreg:$0x1e] =	wrdreg s9  }
0x10: {  	s21 =	smax.u32 s8, $0x1;
	[dreg:$0x8] =	wrdreg s18;
	s6 =	sadd.s32 $0x1, s5  }
0x11: {  	s5 =	sshll.u32 s5, $0xC;
	[dreg:$0xc] =	wrdreg s21;
	s21 =	sadd.s32 $0xA00, s25  }
0x12: {  	s14 =	sshll.u32 s18, $0x2;
	s28 =	sadd.s32 s24, s5;
	[dreg:$0x1d] =	wrdreg s21  }
0x13: {  	s15 =	sand.u32 $0x3F000, s14;
	s3 =	sadd.s32 s5, s12;
	[dreg:$0x4] =	wrdreg s28  }
0x14: {  	s7 =	sshll.u32 s6, $0xA;
	s5 =	sadd.s32 s5, s2;
	[dreg:$0x5] =	wrdreg s3  }
0x15: {  	s6 =	smin.u32 s6, $0x13;
	s1 =	ssub.s32 s7, s1;
	[dreg:$0x6] =	wrdreg s5  }
0x16: {  	s3 =	sadd.s32 $0x100, s25;
	s6 =	sshll.u32 s6, $0xC;
	s28 =	sadd.s32 $0xE00, s25  }
0x17: {  	p0 =	slt.s32 s1, $0x280;
	s10 =	smov.u32 s1;
	[smem:$0x7F8] =	sst s28  }
0x18: {  	s7 =	sadd.s32 s24, s6;
	s12 =	sadd.s32 s6, s12;
	[dreg:$0x12] =	wrdreg s3  }
0x19: {  	s2 =	sadd.s32 s6, s2;
	s10 =	simm.s32 @!p0 $0x280;
	[dreg:$0x9] =	wrdreg s7  }
0x1a: {  	[dreg:$0xa] =	wrdreg s12;
	s17 =	sshra.s32 s10, $0x4;
	s10 =	sand.u32 $0xFC00, s18  }
0x1b: {  	s24 =	sadd.s32 $0xB00, s25;
	[dreg:$0xb] =	wrdreg s2;
	s5 =	ssub.s32 s10, s18  }
0x1c: {  	s28 =	sadd.s32 $0xF00, s25;
	[dreg:$0x13] =	wrdreg s24;
	s5 =	sadd.s32 $0x400, s5  }
0x1d: {  	s7 =	simm.s32 $0x8400;
	[dreg:$0x15] =	wrdreg s28;
	p0 =	slt.s32 s5, $0x280  }
0x1e: {  	s2 =	simm.s32 $0x0;
	[dreg:$0x7] =	wrdreg s17;
	s5 =	simm.s32 @!p0 $0x280  }
0x1f: {  	p0 =	sgt.s32 s1, $0x27F;
	s13 =	sshll.u32 s5, $0x2;
	s16 =	ssub.s32 $0x280, s5  }
0x20: {  	s22 =	sadd.s32 s5, s18;
	s0 =	sadd.s32 s13, s0;
	s19 =	sshrl.u32 s16, $0x4  }
.Ltmp0:
0x21: {  	[dreg:$0xf] =	wrdreg s22;
	s16 =	sand.u32 $0x380, s18;
	(pc) =	sbr.rel .LBB2_1-.Ltmp0, $4  }
0x22: {  	s0 =	ssub.s32 s0, s15;
	s1 =	smax.u32 s19, $0x1;
	[dreg:$0x10] =	wrdreg s16  }
0x23: {  	v0 =	vlaneseq.u32;
	s19 =	sadd.s32 $0xC00, s25;
	[dreg:$0xd] =	wrdreg s1;
	s0 =	sadd.s32 $0xFFFFF000, s0  }
0x24: {  	v1 =	vimm.s32 $0x0;
	v3 =	vshrl.u32 v0, $0x3;
	p1 =	slt.s32 s17, $0x1;
	[dreg:$0x14] =	wrdreg s19;
	s0 =	sshra.s32 s0, $0x2  }
0x25: {  	vm0 =	vmmov $0xffff;
	v2 =	vand.u32 $0x7, v0;
	v3 =	vmul.u32 $0x8, v3;
	s13 =	simm.s32 $0x1;
	s15 =	simm.s32 $0x10400;
	[dreg:$0xe] =	wrdreg s0  }
.LBB2_68:
0x26: {  	[sflag:s13] =	ssyncadd.s32 $0xFFFF8000  }
.LBB2_69:
0x27: {  	s2 =	sadd.s32 $0x1, s2;
	s0 =	rddreg [dreg:$0xc]  }
0x28: {  	p2 =	sne.s32 s2, s0  }
.Ltmp1:
0x29: {  	_ = 	snop;
	(pc) =	sbr.rel @!p2 .LBB2_70-.Ltmp1, $1  }
0x2a: {  	_ =	sdelay $0x3  }
.LBB2_1:
0x2b: {  	[dreg:$0x11] =	wrdreg s2  }
0x2c: {  	s0 =	rddreg [dreg:$0x1];
	s22 =	simm.s32 $0x3  }
0x2d: {  	[tilespmem:s4], [sflag:$0x3] =	stream.linear.gather [hbm4b:s0+s4], $0x400, $0x38;
	[tilespmem:$0x19C00] =	vst v63  }
0x2e: {  	_ =	swait.ge [sflag:s22], $0x400  }
0x2f: {  	s24 =	simm.s32 $0x400;
	[sflag:s22] =	ssyncset.done $0x0  }
0x30: {  	s1 =	simm.s32 $0x0;
	s23 =	rddreg [dreg:$0x4];
	[sflag:s22] =	ssyncadd.s32 $0xFFFFFC00  }
0x31: {  	[tilespmem:s24], [sflag:$0x2] =	stream.linear.gather [hbm4b:s23+s4], $0x8000, $0x38;
	[tilespmem:$0x19C00] =	vst v63  }
.Ltmp2:
0x32: {  	s9 =	simm.s32 $0x10000000;
	s25 =	rddreg [dreg:$0x5];
	(pc) =	sbr.rel @p1 .LBB2_8-.Ltmp2, $4  }
0x33: {  	[tilespmem:s7], [sflag:$0x2] =	stream.linear.gather [hbm4b:s25+s4], $0x8000, $0x38;
	[tilespmem:$0x19C00] =	vst v63  }
0x34: {  	s3 =	simm.s32 $0x10000000;
	s11 =	simm.s32 $0x10000000;
	s28 =	rddreg [dreg:$0x6]  }
0x35: {  	[tilespmem:s15], [sflag:$0x2] =	stream.linear.gather [hbm4b:s28+s4], $0x8000, $0x38;
	[tilespmem:$0x19C00] =	vst v63  }
0x36: {  	s22 =	simm.s32 $0x0;
	s23 =	simm.s32 $0x10000000;
	s15 =	simm.s32 $0x0  }
0x37: {  	s0 =	rddreg [dreg:$0x7]  }
0x38: {  	p3 =	sne.s32 s0, $0x1  }
.Ltmp3:
0x39: {  	_ = 	snop;
	(pc) =	sbr.rel @!p3 .LBB2_3-.Ltmp3, $3  }
0x3a: {  	_ =	sdelay $0x1  }
0x3b: {  	s28 =	sadd.s32 s4, s16;
	p2 =	por $0x0, $0x0  }
0x3c: {  	s5 =	sadd.s32 $0xFFFFFFFF, s0;
	s12 =	sand.u32 $0xFFFFFF80, s28;
	s0 =	sand.u32 $0x70, s4  }
0x3d: {  	s0 =	sor.u32 s0, s12  }
0x3e: {  	v4 =	vld [tilespmem:s0+$0x0];
	_ =	sdelay $0x4  }
0x3f: {  	vm2 =	veq.s32 v4, $0x0  }
0x40: {  	vm1 =	veq.s32 v4, $0x1;
	v5 =	vsel vm2, $0x1, v1  }
0x41: {  	s3 =	rddreg [dreg:$0x8];
	vm3 =	veq.s32 v4, $0x2;
	v6 =	vsel vm1, $0x1, v1;
	(xrf0) =	vadd.scan.msk.s32 $0xffff, v5  }
0x42: {  	s25 =	sadd.s32 s4, s3;
	v5 =	vsel vm3, $0x1, v1;
	(xrf0) =	vadd.scan.msk.s32 $0xffff, v6  }
0x43: {  	v4 =	vor.u32 s25, v0;
	(xrf0) =	vadd.scan.msk.s32 $0xffff, v5;
	v5 =	vmov s4  }
0x44: {  	v9 =	vmov s4;
	v6 =	vxor.u32 $0x80000000, v4;
	v5 =	vadd.s32 $0xFFFFFFFF, v5  }
0x45: {  	v7 =	vnsel vm3, $0x90000000, v6;
	v5 =	vbroadcast v5, $0x0  }
0x46: {  	(xrf0) =	vmin.scan.msk.u32 $0xffff, v7  }
0x47: {  	v8 =	vmov s4;
	v10 =	vnsel vm2, $0x90000000, v6;
	v7 =	vadd.s32 $0xFFFFFFFF, v9;
	v9, _, _ =	vpop (xrf0)  }
0x48: {  	v6 =	vnsel vm1, $0x90000000, v6;
	v7 =	vbroadcast v7, $0x0;
	v13 =	vadd.s32 v9, v5  }
0x49: {  	v8 =	vadd.s32 $0xFFFFFFFF, v8;
	(xrf0) =	vmin.scan.msk.u32 $0xffff, v6;
	(v2sf) =	vpush v9, $0xF;
	v5, _, _ =	vpop (xrf0);
	v9 =	vshra.s32 v13, $0x1F  }
0x4a: {  	v8 =	vbroadcast v8, $0x0;
	(xrf0) =	vmin.scan.msk.u32 $0xffff, v10;
	v7 =	vadd.s32 v5, v7;
	v9 =	vshrl.u32 v9, $0x19  }
0x4b: {  	p3 =	sne.s32 s5, $0x1;
	v6 =	vand.u32 $0x7F, v13;
	v10, _, _ =	vpop (xrf0);
	v11 =	vshra.s32 v7, $0x1F;
	v9 =	vadd.s32 v9, v13  }
.Ltmp4:
0x4c: {  	s2 =	sadd.s32 $0x10, s4;
	v8 =	vadd.s32 v10, v8;
	v12, _, _ =	vpop (xrf0);
	v11 =	vshrl.u32 v11, $0x19;
	v9 =	vshrl.u32 v9, $0x7;
	(pc) =	sbr.rel @!p3 .LBB2_5-.Ltmp4, $4  }
0x4d: {  	s18 =	sadd.s32 $0xFFFFFFFF, s5;
	p2 =	por $0x1, $0x1;
	s8 =	simm.s32 $0x0;
	v14 =	vshra.s32 v8, $0x1F;
	(v2sf) =	vpush v12, $0xF;
	v15 =	vadd.s32 v11, v7  }
0x4e: {  	s24 =	simm.s32 $0x10000000;
	s5 =	simm.s32 $0x0;
	s17 =	simm.s32 $0x10000000;
	v11 =	vshll.u32 v9, $0x7;
	v14 =	vshrl.u32 v14, $0x19;
	v12 =	vand.u32 $0xFFFFFF80, v15  }
0x4f: {  	s6 =	simm.s32 $0x10000000;
	s22 =	simm.s32 $0x18400;
	s28 =	sadd.s32 s2, s16;
	(v2sf) =	vpush v10, $0xF;
	v17 =	vadd.s32 v14, v8;
	v9, _, _ =	vpop (xrf0);
	v16 =	vsub.s32 v7, v12  }
0x50: {  	s0 =	sand.u32 $0x70, s2;
	s12 =	sand.u32 $0xFFFFFF80, s28;
	s25 =	simm.s32 $0x0;
	v15 =	vsub.s32 v13, v11;
	v13 =	vand.u32 $0xFFFFFF80, v17;
	v14 =	vand.u32 $0xFFFFFF80, v16;
	v10, _, _ =	vpop (xrf0)  }
.LBB2_6:
0x51: {  	s7 =	smov.u32 s6;
	s6 =	smov.u32 s17;
	s17 =	smov.u32 s24  }
0x52: {  	p3 =	sne.s32 s18, $0x1;
	s18 =	sadd.s32 $0xFFFFFFFF, s18;
	s0 =	sor.u32 s0, s12;
	v7 =	vand.u32 $0x7F, v7;
	v16 =	vand.u32 $0x7F, v8;
	(v2sf) =	vpush v9, $0xF  }
0x53: {  	v8 =	vsub.s32 v8, v13;
	v9 =	vand.u32 $0xFFFFFF80, v15;
	(v2sf) =	vpush v5, $0xF  }
0x54: {  	v8 =	vand.u32 $0xFFFFFF80, v8;
	v5 =	vadd.s32 v9, v11;
	v9 =	vadd.s32 v14, v12  }
0x55: {  	v5 =	vor.u32 v6, v5;
	v6 =	vor.u32 v7, v9;
	v7 =	vadd.s32 v8, v13  }
0x56: {  	v6 =	vadd.s32 $0x400, v6;
	v7 =	vor.u32 v16, v7;
	(v2sf) =	vpush v10, $0xF  }
0x57: {  	v7 =	vadd.s32 $0x800, v7;
	_ =	sdelay $0x1  }
0x58: {  	s12 =	spop (v2sf)  }
0x59: {  	[tilespmem:v5+s22+$0x0] =	vst.idx.msk vm2, v4;
	s8 =	sadd.s32 s8, s12  }
0x5a: {  	v5 =	vmov s8;
	[tilespmem:v6+s22+$0x0] =	vst.idx.msk vm1, v4  }
0x5b: {  	v5 =	vadd.s32 $0xFFFFFFFF, v5;
	[tilespmem:v7+s22+$0x0] =	vst.idx.msk vm3, v4  }
0x5c: {  	v6 =	vld [tilespmem:s0+$0x0];
	s0 =	spop (v2sf)  }
0x5d: {  	s24 =	sxor.u32 $0x80000000, s0  }
0x5e: {  	p4 =	slt.s32 s17, s24;
	s0 =	spop (v2sf)  }
0x5f: {  	s12 =	sadd.s32 s2, s3;
	s25 =	sadd.s32 s25, s0;
	s24 =	smov.u32 @p4 s17  }
0x60: {  	v4 =	vor.u32 s12, v0;
	v7 =	vmov s25;
	s0 =	spop (v2sf)  }
0x61: {  	v8 =	vxor.u32 $0x80000000, v4;
	vm2 =	veq.s32 v6, $0x0;
	vm1 =	veq.s32 v6, $0x1;
	s17 =	sxor.u32 $0x80000000, s0;
	s0 =	spop (v2sf)  }
0x62: {  	v9 =	vsel vm2, $0x1, v1;
	v10 =	vnsel vm2, $0x90000000, v8;
	v11 =	vsel vm1, $0x1, v1;
	s5 =	sadd.s32 s5, s0;
	p4 =	slt.s32 s6, s17  }
0x63: {  	vm3 =	veq.s32 v6, $0x2;
	v12 =	vnsel vm1, $0x90000000, v8;
	(xrf0) =	vadd.scan.msk.s32 $0xffff, v9;
	s17 =	smov.u32 @p4 s6  }
0x64: {  	v6 =	vsel vm3, $0x1, v1;
	v8 =	vnsel vm3, $0x90000000, v8;
	(xrf0) =	vadd.scan.msk.s32 $0xffff, v11;
	s0 =	spop (v2sf)  }
0x65: {  	v9 =	vmov s5;
	(xrf0) =	vadd.scan.msk.s32 $0xffff, v6;
	s6 =	sxor.u32 $0x80000000, s0  }
0x66: {  	v6 =	vadd.s32 $0xFFFFFFFF, v9;
	(xrf0) =	vmin.scan.msk.u32 $0xffff, v8;
	p4 =	slt.s32 s7, s6  }
0x67: {  	v8 =	vbroadcast v6, $0x0;
	(xrf0) =	vmin.scan.msk.u32 $0xffff, v12;
	s6 =	smov.u32 @p4 s7  }
0x68: {  	v7 =	vadd.s32 $0xFFFFFFFF, v7;
	v11 =	vbroadcast v5, $0x0  }
0x69: {  	v9 =	vbroadcast v7, $0x0;
	v6, _, _ =	vpop (xrf0)  }
0x6a: {  	v13 =	vadd.s32 v6, v11;
	(v2sf) =	vpush v6, $0xF;
	v5, _, _ =	vpop (xrf0)  }
0x6b: {  	v11 =	vshra.s32 v13, $0x1F;
	v6 =	vand.u32 $0x7F, v13;
	v7 =	vadd.s32 v5, v8;
	(xrf0) =	vmin.scan.msk.u32 $0xffff, v10;
	v10, _, _ =	vpop (xrf0)  }
0x6c: {  	v11 =	vshrl.u32 v11, $0x19;
	v12 =	vshra.s32 v7, $0x1F;
	v8 =	vadd.s32 v10, v9;
	v14, _, _ =	vpop (xrf0)  }
.Ltmp5:
0x6d: {  	v11 =	vadd.s32 v11, v13;
	v12 =	vshrl.u32 v12, $0x19;
	v15 =	vshra.s32 v8, $0x1F;
	v9, _, _ =	vpop (xrf0);
	(pc) =	sbr.rel @p3 .LBB2_6-.Ltmp5, $4  }
0x6e: {  	v11 =	vshrl.u32 v11, $0x7;
	v12 =	vadd.s32 v12, v7;
	(v2sf) =	vpush v14, $0xF  }
0x6f: {  	s2 =	sadd.s32 $0x10, s2;
	v14 =	vshrl.u32 v15, $0x19;
	v11 =	vshll.u32 v11, $0x7;
	v12 =	vand.u32 $0xFFFFFF80, v12  }
0x70: {  	s0 =	sadd.s32 s2, s16;
	v17 =	vadd.s32 v14, v8;
	v16 =	vsub.s32 v7, v12;
	(v2sf) =	vpush v10, $0xF  }
0x71: {  	s12 =	sand.u32 $0xFFFFFF80, s0;
	s0 =	sand.u32 $0x70, s2;
	v15 =	vsub.s32 v13, v11;
	v13 =	vand.u32 $0xFFFFFF80, v17;
	v14 =	vand.u32 $0xFFFFFF80, v16;
	v10, _, _ =	vpop (xrf0)  }
.LBB2_7:
0x72: {  	v7 =	vand.u32 @p2 $0x7F, v7  }
0x73: {  	v16 =	vand.u32 @p2 $0x7F, v8;
	v15 =	vand.u32 @p2 $0xFFFFFF80, v15;
	v8 =	vsub.s32 @p2 v8, v13  }
0x74: {  	v12 =	vadd.s32 @p2 v14, v12;
	v11 =	vadd.s32 @p2 v15, v11;
	v8 =	vand.u32 @p2 $0xFFFFFF80, v8  }
0x75: {  	v7 =	vor.u32 @p2 v7, v12;
	v6 =	vor.u32 @p2 v6, v11;
	v8 =	vadd.s32 @p2 v8, v13  }
0x76: {  	v7 =	vadd.s32 @p2 $0x400, v7;
	v8 =	vor.u32 @p2 v16, v8  }
0x77: {  	v8 =	vadd.s32 @p2 $0x800, v8;
	_ =	sdelay $0x1  }
0x78: {  	s16 =	simm.s32 $0x18400  }
0x79: {  	[tilespmem:v6+s16+$0x0] =	vst.idx.msk @p2 vm2, v4  }
0x7a: {  	[tilespmem:v7+s16+$0x0] =	vst.idx.msk @p2 vm1, v4  }
0x7b: {  	s0 =	sor.u32 s0, s12;
	[tilespmem:v8+s16+$0x0] =	vst.idx.msk @p2 vm3, v4  }
0x7c: {  	(v2sf) =	vpush @p2 v9, $0xF;
	v4 =	vld [tilespmem:s0+$0x0]  }
0x7d: {  	(v2sf) =	vpush @p2 v5, $0xF;
	_ =	sdelay $0x3  }
0x7e: {  	vm3 =	veq.s32 v4, $0x0  }
0x7f: {  	s11 =	sadd.s32 s2, s3;
	vm1 =	veq.s32 v4, $0x1;
	v5 =	vsel vm3, $0x1, v1  }
0x80: {  	v42 =	vor.u32 s11, v0;
	vm2 =	veq.s32 v4, $0x2;
	v43 =	vsel vm1, $0x1, v1;
	(xrf0) =	vadd.scan.msk.s32 $0xffff, v5  }
0x81: {  	v4 =	vxor.u32 $0x80000000, v42;
	v5 =	vsel vm2, $0x1, v1;
	(xrf0) =	vadd.scan.msk.s32 $0xffff, v43  }
0x82: {  	v44 =	vnsel vm2, $0x90000000, v4;
	(xrf0) =	vadd.scan.msk.s32 $0xffff, v5  }
0x83: {  	v5 =	vnsel vm1, $0x90000000, v4;
	(xrf0) =	vmin.scan.msk.u32 $0xffff, v44;
	_ =	sdelay $0x1  }
0x84: {  	s0 =	spop @p2 (v2sf);
	v4 =	vnsel vm3, $0x90000000, v4;
	(xrf0) =	vmin.scan.msk.u32 $0xffff, v5  }
0x85: {  	s7 =	spop @p2 (v2sf);
	v5, _, _ =	vpop (xrf0)  }
0x86: {  	(v2sf) =	vpush @p2 v10, $0xF;
	s12 =	spop @p2 (v2sf);
	(xrf0) =	vmin.scan.msk.u32 $0xffff, v4;
	v45, _, _ =	vpop (xrf0)  }
0x87: {  	s18 =	spop @p2 (v2sf);
	v4, _, _ =	vpop (xrf0)  }
0x88: {  	s2 =	sadd.s32 @p2 s8, s0;
	s0 =	simm.s32 $0x0;
	s8 =	spop @p2 (v2sf);
	(v2sf) =	vpush v5, $0xF;
	v46, _, _ =	vpop (xrf0)  }
0x89: {  	s0 =	smov.u32 @p2 s2;
	s2 =	simm.s32 $0x0;
	s5 =	sadd.s32 @p2 s5, s8;
	(v2sf) =	vpush v46, $0xF  }
0x8a: {  	v47 =	vmov s0;
	s2 =	smov.u32 @p2 s5;
	v48, _, _ =	vpop (xrf0);
	(v2sf) =	vpush v4, $0xF  }
0x8b: {  	v8 =	vadd.s32 $0xFFFFFFFF, v47;
	s8 =	sadd.s32 @p2 s25, s12;
	s5 =	simm.s32 $0x0;
	v49 =	vmov s2;
	(v2sf) =	vpush v48, $0xF  }
0x8c: {  	v8 =	vbroadcast v8, $0x0;
	s5 =	smov.u32 @p2 s8;
	v50 =	vadd.s32 $0xFFFFFFFF, v49;
	v51, _, _ =	vpop (xrf0);
	(v2sf) =	vpush v45, $0xF  }
0x8d: {  	v52 =	vmov s5;
	v9 =	vbroadcast v50, $0x0;
	(v2sf) =	vpush v51, $0xF  }
0x8e: {  	v53 =	vadd.s32 $0xFFFFFFFF, v52;
	v5 =	vadd.s32 v5, v8  }
0x8f: {  	v54 =	vbroadcast v53, $0x0;
	v55 =	vshra.s32 v5, $0x1F;
	v7 =	vadd.s32 v45, v9  }
0x90: {  	v56 =	vand.u32 $0x7F, v5;
	v10 =	vshrl.u32 v55, $0x19;
	v57 =	vshra.s32 v7, $0x1F  }
0x91: {  	v58 =	vadd.s32 v10, v5;
	v59 =	vshrl.u32 v57, $0x19;
	v4 =	vadd.s32 v4, v54  }
0x92: {  	s7 =	sxor.u32 @p2 $0x80000000, s7;
	v8 =	vshrl.u32 v58, $0x7;
	v10 =	vadd.s32 v59, v7;
	v60 =	vshra.s32 v4, $0x1F  }
0x93: {  	p3 =	slt.s32 @p2 s24, s7;
	v8 =	vshll.u32 v8, $0x7;
	v10 =	vand.u32 $0xFFFFFF80, v10;
	v11 =	vshrl.u32 v60, $0x19  }
0x94: {  	p3 =	por !p3, !p2;
	s12 =	sxor.u32 @p2 $0x80000000, s18;
	v62 =	vand.u32 $0x7F, v4;
	v61 =	vsub.s32 v7, v10;
	v11 =	vadd.s32 v11, v4  }
0x95: {  	s24 =	smov.u32 @p3 s7;
	p4 =	slt.s32 @p2 s17, s12;
	s8 =	spop @p2 (v2sf);
	v5 =	vsub.s32 v5, v8;
	v7 =	vand.u32 $0x7F, v7;
	v11 =	vand.u32 $0xFFFFFF80, v11  }
0x96: {  	s18 =	simm.s32 $0x10000000;
	p3 =	por !p4, !p2;
	s8 =	sxor.u32 @p2 $0x80000000, s8;
	v12 =	vand.u32 $0xFFFFFF80, v61;
	v5 =	vand.u32 $0xFFFFFF80, v5;
	v4 =	vsub.s32 v4, v11  }
0x97: {  	s17 =	smov.u32 @p3 s12;
	p4 =	slt.s32 @p2 s6, s8;
	v5 =	vadd.s32 v5, v8;
	v63 =	vadd.s32 v12, v10;
	v4 =	vand.u32 $0xFFFFFF80, v4;
	s12 =	spop (v2sf)  }
0x98: {  	s18 =	smov.u32 @p2 s17;
	p3 =	por !p4, !p2;
	v5 =	vor.u32 v56, v5;
	v7 =	vor.u32 v7, v63;
	v4 =	vadd.s32 v4, v11;
	s14 =	spop (v2sf)  }
0x99: {  	s6 =	smov.u32 @p3 s8;
	s8 =	simm.s32 $0x10000000;
	v7 =	vadd.s32 $0x400, v7;
	v4 =	vor.u32 v62, v4;
	s15 =	spop (v2sf)  }
0x9a: {  	s17 =	simm.s32 $0x10000000;
	s8 =	smov.u32 @p2 s24;
	v4 =	vadd.s32 $0x800, v4;
	s19 =	spop (v2sf)  }
0x9b: {  	s17 =	smov.u32 @p2 s6;
	s22 =	sadd.s32 s0, s12;
	s21 =	spop (v2sf)  }
0x9c: {  	s11 =	sxor.u32 $0x80000000, s14;
	s15 =	sadd.s32 s5, s15;
	s28 =	spop (v2sf)  }
0x9d: {  	[tilespmem:v5+s16+$0x0] =	vst.idx.msk vm3, v42;
	p2 =	slt.s32 s8, s11;
	s3 =	sxor.u32 $0x80000000, s19;
	s9 =	sxor.u32 $0x80000000, s28  }
0x9e: {  	[tilespmem:v7+s16+$0x0] =	vst.idx.msk vm1, v42;
	s11 =	smov.u32 @p2 s8;
	p2 =	slt.s32 s18, s3;
	p3 =	slt.s32 s17, s9  }
0x9f: {  	[tilespmem:v4+s16+$0x0] =	vst.idx.msk vm2, v42;
	s1 =	sadd.s32 s2, s21;
	s3 =	smov.u32 @p2 s18;
	s9 =	smov.u32 @p3 s17  }
.LBB2_8:
.Ltmp6:
0xa0: {  	(pc) =	sbr.rel @!p0 .LBB2_10-.Ltmp6, $2  }
0xa1: {  	_ =	sdelay $0x2  }
0xa2: {  	s24 =	simm.s32 $0x0  }
.Ltmp7:
0xa3: {  	(pc) =	sbr.rel .LBB2_13-.Ltmp7, $4  }
0xa4: {  	_ = 	snop  }
0xa5: {  	s19 =	smov.u32 s3  }
0xa6: {  	s12 =	simm.s32 $0x0;
	s0 =	simm.s32 $0x0;
	s17 =	simm.s32 $0x0  }
0xa7: {  	s10 =	simm.s32 $0x10000000;
	s28 =	simm.s32 $0x10000000;
	s16 =	simm.s32 $0x18400  }
.LBB2_10:
0xa8: {  	s17 =	rddreg [dreg:$0xe]  }
0xa9: {  	v5 =	vld [tilespmem:s17+$0x0];
	_ =	sdelay $0x4  }
0xaa: {  	vm2 =	veq.s32 v5, $0x1  }
0xab: {  	s18 =	rddreg [dreg:$0xf];
	vm3 =	veq.s32 v5, $0x0;
	v6 =	vsel vm2, $0x1, v1  }
0xac: {  	v4 =	vor.u32 s18, v0;
	v7 =	vsel vm3, $0x1, v1;
	(xrf0) =	vadd.scan.msk.s32 $0xffff, v6  }
0xad: {  	v6 =	vxor.u32 $0x80000000, v4;
	(xrf0) =	vadd.scan.msk.s32 $0xffff, v7  }
0xae: {  	vm1 =	veq.s32 v5, $0x2;
	v5 =	vnsel vm3, $0x90000000, v6  }
0xaf: {  	v7 =	vmov s24;
	v8 =	vnsel vm1, $0x90000000, v6;
	(xrf0) =	vmin.scan.msk.u32 $0xffff, v5  }
0xb0: {  	v9 =	vsel vm1, $0x1, v1;
	v5 =	vmov s24;
	v7 =	vadd.s32 $0xFFFFFFFF, v7;
	(xrf0) =	vmin.scan.msk.u32 $0xffff, v8  }
0xb1: {  	v5 =	vadd.s32 $0xFFFFFFFF, v5;
	v7 =	vbroadcast v7, $0x0;
	v8 =	vmov s24;
	(xrf0) =	vadd.scan.msk.s32 $0xffff, v9  }
0xb2: {  	v5 =	vbroadcast v5, $0x0;
	v8 =	vadd.s32 $0xFFFFFFFF, v8;
	v56, _, _ =	vpop (xrf0)  }
0xb3: {  	v6 =	vnsel vm2, $0x90000000, v6;
	v8 =	vbroadcast v8, $0x0;
	v7 =	vadd.s32 v56, v7;
	v10, _, _ =	vpop (xrf0)  }
0xb4: {  	(xrf0) =	vmin.scan.msk.u32 $0xffff, v6;
	(v2sf) =	vpush v56, $0xF;
	v5 =	vadd.s32 v10, v5;
	v6 =	vshra.s32 v7, $0x1F  }
0xb5: {  	v57, _, _ =	vpop (xrf0);
	(v2sf) =	vpush v10, $0xF;
	v61 =	vand.u32 $0x7F, v7;
	v58 =	vshra.s32 v5, $0x1F  }
0xb6: {  	v11 =	vand.u32 $0x7F, v5;
	(v2sf) =	vpush v57, $0xF;
	v59, _, _ =	vpop (xrf0);
	v6 =	vshrl.u32 v6, $0x19  }
0xb7: {  	v10 =	vshrl.u32 v58, $0x19;
	v12, _, _ =	vpop (xrf0);
	(v2sf) =	vpush v59, $0xF;
	v6 =	vadd.s32 v6, v7  }
0xb8: {  	v60 =	vadd.s32 v10, v5;
	v8 =	vadd.s32 v12, v8;
	v6 =	vand.u32 $0xFFFFFF80, v6  }
0xb9: {  	v9 =	vshrl.u32 v60, $0x7;
	v13 =	vshra.s32 v8, $0x1F;
	v7 =	vsub.s32 v7, v6  }
0xba: {  	s0 =	rddreg [dreg:$0xd];
	v14, _, _ =	vpop (xrf0);
	v9 =	vshll.u32 v9, $0x7;
	v13 =	vshrl.u32 v13, $0x19;
	v7 =	vand.u32 $0xFFFFFF80, v7  }
0xbb: {  	p2 =	sne.s32 s0, $0x1;
	(v2sf) =	vpush v14, $0xF;
	v5 =	vsub.s32 v5, v9;
	v13 =	vadd.s32 v13, v8  }
.Ltmp8:
0xbc: {  	(v2sf) =	vpush v12, $0xF;
	v5 =	vand.u32 $0xFFFFFF80, v5;
	v13 =	vand.u32 $0xFFFFFF80, v13;
	(pc) =	sbr.rel @!p2 .LBB2_12-.Ltmp8, $4  }
0xbd: {  	v6 =	vadd.s32 v7, v6;
	v5 =	vadd.s32 v5, v9;
	v62 =	vsub.s32 v8, v13  }
0xbe: {  	s6 =	simm.s32 $0x0;
	v63 =	vor.u32 v61, v6;
	v5 =	vor.u32 v11, v5;
	v7 =	vand.u32 $0xFFFFFF80, v62  }
0xbf: {  	s5 =	simm.s32 $0x0;
	s25 =	simm.s32 $0x10000000;
	s7 =	simm.s32 $0x10000000;
	v8 =	vand.u32 $0x7F, v8;
	v7 =	vadd.s32 v7, v13;
	v6 =	vadd.s32 $0xC00, v5  }
0xc0: {  	s2 =	simm.s32 $0x0;
	s16 =	simm.s32 $0x18400;
	s8 =	sadd.s32 $0xFFFFFFFF, s0;
	v5 =	vadd.s32 $0x1000, v63;
	v7 =	vor.u32 v8, v7  }
.LBB2_11:
0xc1: {  	s0 =	smov.u32 s7;
	s7 =	smov.u32 s25;
	s12 =	smov.u32 s23  }
0xc2: {  	p2 =	sne.s32 s8, $0x1;
	v7 =	vadd.s32 $0x1400, v7;
	s17 =	sadd.s32 $0x10, s17;
	s18 =	sadd.s32 $0x10, s18  }
0xc3: {  	s8 =	sadd.s32 $0xFFFFFFFF, s8;
	s23 =	spop (v2sf)  }
0xc4: {  	[tilespmem:v6+s16+$0x0] =	vst.idx.msk vm3, v4;
	s6 =	sadd.s32 s6, s23;
	s23 =	spop (v2sf)  }
0xc5: {  	v6 =	vmov s6;
	s5 =	sadd.s32 s5, s23;
	s23 =	spop (v2sf)  }
0xc6: {  	v8 =	vmov s5;
	v6 =	vadd.s32 $0xFFFFFFFF, v6;
	s23 =	sxor.u32 $0x80000000, s23;
	[tilespmem:v5+s16+$0x0] =	vst.idx.msk vm2, v4;
	s25 =	spop (v2sf)  }
0xc7: {  	v5 =	vadd.s32 $0xFFFFFFFF, v8;
	p3 =	slt.s32 s12, s23;
	[tilespmem:v7+s16+$0x0] =	vst.idx.msk vm1, v4;
	s25 =	sxor.u32 $0x80000000, s25  }
0xc8: {  	v7 =	vld [tilespmem:s17+$0x0];
	s23 =	smov.u32 @p3 s12;
	p3 =	slt.s32 s7, s25  }
0xc9: {  	s25 =	smov.u32 @p3 s7;
	_ =	sdelay $0x1  }
0xca: {  	s7 =	spop (v2sf)  }
0xcb: {  	v4 =	vor.u32 s18, v0;
	s7 =	sxor.u32 $0x80000000, s7;
	s12 =	spop (v2sf)  }
0xcc: {  	vm3 =	veq.s32 v7, $0x0;
	vm2 =	veq.s32 v7, $0x1;
	vm1 =	veq.s32 v7, $0x2;
	p3 =	slt.s32 s0, s7;
	s2 =	sadd.s32 s2, s12  }
0xcd: {  	v8 =	vxor.u32 $0x80000000, v4;
	v7 =	vsel vm3, $0x1, v1;
	v9 =	vsel vm2, $0x1, v1;
	s7 =	smov.u32 @p3 s0  }
0xce: {  	v10 =	vnsel vm3, $0x90000000, v8;
	v11 =	vnsel vm2, $0x90000000, v8;
	v12 =	vmov s2;
	(xrf0) =	vadd.scan.msk.s32 $0xffff, v9  }
0xcf: {  	v8 =	vnsel vm1, $0x90000000, v8;
	v9 =	vadd.s32 $0xFFFFFFFF, v12;
	(xrf0) =	vadd.scan.msk.s32 $0xffff, v7  }
0xd0: {  	(xrf0) =	vmin.scan.msk.u32 $0xffff, v10  }
0xd1: {  	v7 =	vsel vm1, $0x1, v1;
	(xrf0) =	vmin.scan.msk.u32 $0xffff, v8  }
0xd2: {  	(xrf0) =	vadd.scan.msk.s32 $0xffff, v7  }
0xd3: {  	v6 =	vbroadcast v6, $0x0;
	(xrf0) =	vmin.scan.msk.u32 $0xffff, v11  }
0xd4: {  	v5 =	vbroadcast v5, $0x0;
	v7, _, _ =	vpop (xrf0)  }
0xd5: {  	v8 =	vbroadcast v9, $0x0;
	v6 =	vadd.s32 v7, v6;
	v9, _, _ =	vpop (xrf0);
	(v2sf) =	vpush v7, $0xF  }
0xd6: {  	v5 =	vadd.s32 v9, v5;
	v7 =	vshra.s32 v6, $0x1F;
	v10, _, _ =	vpop (xrf0);
	(v2sf) =	vpush v9, $0xF  }
0xd7: {  	v9 =	vshra.s32 v5, $0x1F;
	v11 =	vand.u32 $0x7F, v5;
	(v2sf) =	vpush v10, $0xF;
	v10, _, _ =	vpop (xrf0)  }
0xd8: {  	v7 =	vshrl.u32 v7, $0x19;
	v9 =	vshrl.u32 v9, $0x19;
	v12, _, _ =	vpop (xrf0);
	(v2sf) =	vpush v10, $0xF  }
0xd9: {  	v7 =	vadd.s32 v7, v6;
	v10 =	vand.u32 $0x7F, v6;
	v9 =	vadd.s32 v9, v5;
	v13, _, _ =	vpop (xrf0)  }
0xda: {  	v7 =	vand.u32 $0xFFFFFF80, v7;
	v8 =	vadd.s32 v12, v8;
	v9 =	vshrl.u32 v9, $0x7  }
0xdb: {  	v6 =	vsub.s32 v6, v7;
	v14 =	vshra.s32 v8, $0x1F;
	v9 =	vshll.u32 v9, $0x7  }
0xdc: {  	v6 =	vand.u32 $0xFFFFFF80, v6;
	v14 =	vshrl.u32 v14, $0x19;
	v5 =	vsub.s32 v5, v9  }
0xdd: {  	v14 =	vadd.s32 v14, v8;
	v5 =	vand.u32 $0xFFFFFF80, v5;
	(v2sf) =	vpush v13, $0xF  }
.Ltmp9:
0xde: {  	v5 =	vadd.s32 v5, v9;
	v9 =	vand.u32 $0xFFFFFF80, v14;
	(v2sf) =	vpush v12, $0xF;
	(pc) =	sbr.rel @p2 .LBB2_11-.Ltmp9, $4  }
0xdf: {  	v7 =	vadd.s32 v6, v7;
	v5 =	vor.u32 v11, v5;
	v11 =	vsub.s32 v8, v9  }
0xe0: {  	v8 =	vand.u32 $0x7F, v8;
	v6 =	vadd.s32 $0xC00, v5;
	v5 =	vand.u32 $0xFFFFFF80, v11  }
0xe1: {  	v7 =	vor.u32 v10, v7;
	v9 =	vadd.s32 v5, v9  }
0xe2: {  	v5 =	vadd.s32 $0x1000, v7;
	v7 =	vor.u32 v8, v9  }
.LBB2_12:
0xe3: {  	_ =	sdelay $0x4  }
0xe4: {  	s0 =	spop (v2sf)  }
0xe5: {  	s8 =	spop (v2sf)  }
0xe6: {  	s19 =	smov.u32 s3;
	v7 =	vadd.s32 $0x1400, v7;
	s0 =	sadd.s32 s6, s0;
	s12 =	spop (v2sf)  }
0xe7: {  	s18 =	sxor.u32 $0x80000000, s12;
	s17 =	spop (v2sf);
	s12 =	sadd.s32 s5, s8  }
0xe8: {  	p2 =	slt.s32 s23, s18;
	s28 =	sxor.u32 $0x80000000, s17;
	s21 =	spop (v2sf)  }
0xe9: {  	[tilespmem:v6+s16+$0x0] =	vst.idx.msk vm3, v4;
	s18 =	smov.u32 @p2 s23;
	p2 =	slt.s32 s25, s28;
	s10 =	sxor.u32 $0x80000000, s21  }
0xea: {  	[tilespmem:v5+s16+$0x0] =	vst.idx.msk vm2, v4;
	s28 =	smov.u32 @p2 s25;
	s23 =	spop (v2sf);
	p3 =	slt.s32 s7, s10  }
0xeb: {  	[tilespmem:v7+s16+$0x0] =	vst.idx.msk vm1, v4;
	s17 =	sadd.s32 s2, s23;
	s23 =	smov.u32 s18;
	s10 =	smov.u32 @p3 s7  }
.LBB2_13:
0xec: {  	s2 =	sadd.s32 $0x7, s22;
	s21 =	smov.u32 s1  }
0xed: {  	s3 =	sadd.s32 $0x7, s1;
	s1 =	sadd.s32 $0x7, s15;
	s7 =	sshra.s32 s2, $0x1F  }
0xee: {  	s18 =	sshra.s32 s3, $0x1F;
	s5 =	sshra.s32 s1, $0x1F;
	[smem:$0x7F2] =	sst s3  }
0xef: {  	[smem:$0x7F4] =	sst s1;
	s7 =	sshrl.u32 s7, $0x1D;
	s18 =	sshrl.u32 s18, $0x1D  }
0xf0: {  	s6 =	sshrl.u32 s5, $0x1D;
	s8 =	sadd.s32 s7, s2;
	s3 =	sadd.s32 s18, s3  }
0xf1: {  	v6 =	vmov s9;
	v12 =	vadd.s32 s12, v0;
	v14 =	vadd.s32 s0, v0;
	s1 =	sadd.s32 s6, s1;
	s25 =	sand.u32 $0xFFFFFFF8, s8;
	[smem:$0x7F3] =	sst s3  }
0xf2: {  	v16 =	vadd.s32 s17, v0;
	v7 =	vadd.s32 s21, v0;
	v49 =	vshra.s32 v12, $0x1F;
	s14 =	sand.u32 $0xFFFFFFF8, s3;
	[smem:$0x7F5] =	sst s1;
	s3 =	sand.u32 $0xFFFFFFF8, s1  }
0xf3: {  	v54 =	vshra.s32 v14, $0x1F;
	v55 =	vand.u32 $0x7F, v12;
	v57 =	vshra.s32 v16, $0x1F;
	s1 =	smov.u32 s15;
	s18 =	ssub.s32 s25, s22;
	s7 =	ssub.s32 s14, s21  }
0xf4: {  	v59 =	vand.u32 $0x7F, v14;
	v61 =	vand.u32 $0x7F, v16;
	v18 =	vshra.s32 v7, $0x1F;
	s14 =	smov.u32 s22;
	s22 =	sadd.s32 $0x7, s12;
	s25 =	ssub.s32 s3, s15  }
0xf5: {  	v51 =	vshrl.u32 v49, $0x19;
	v18 =	vshrl.u32 v18, $0x19;
	s3 =	sadd.s32 $0x7, s0;
	s15 =	sadd.s32 $0x7, s17;
	v4 =	vadd.s32 s14, v0;
	[dreg:$0x1b] =	wrdreg s22  }
0xf6: {  	v44 =	vadd.s32 v18, v7;
	v10 =	vadd.s32 s1, v0;
	s5 =	sshra.s32 s22, $0x1F;
	s6 =	sshra.s32 s3, $0x1F;
	[dreg:$0x19] =	wrdreg s3;
	v8 =	vshra.s32 v4, $0x1F  }
0xf7: {  	v5 =	vmov s18;
	s14 =	sshra.s32 s15, $0x1F;
	v9 =	vmov s7;
	[dreg:$0x17] =	wrdreg s15;
	s5 =	sshrl.u32 s5, $0x1D;
	v8 =	vshrl.u32 v8, $0x19  }
0xf8: {  	v11 =	vmov s25;
	v45 =	vshra.s32 v10, $0x1F;
	s9 =	sshrl.u32 s6, $0x1D;
	s6 =	sshrl.u32 s14, $0x1D;
	s5 =	sadd.s32 s5, s22;
	v8 =	vadd.s32 v8, v4  }
0xf9: {  	v52 =	vand.u32 $0x7F, v10;
	vm1 =	vgt.s32 v5, v0;
	s3 =	sadd.s32 s9, s3;
	s15 =	sadd.s32 s6, s15;
	s22 =	sand.u32 $0xFFFFFFF8, s5;
	v8 =	vshrl.u32 v8, $0x7  }
0xfa: {  	v46 =	vshrl.u32 v45, $0x19;
	vm2 =	vgt.s32 v9, v0;
	s14 =	sand.u32 $0xFFFFFFF8, s3;
	s21 =	sand.u32 $0xFFFFFFF8, s15;
	s9 =	ssub.s32 s22, s12;
	v8 =	vshll.u32 v8, $0x7  }
0xfb: {  	vm3 =	vgt.s32 v11, v0;
	s18 =	ssub.s32 s14, s0;
	s22 =	ssub.s32 s21, s17;
	v13 =	vmov s9;
	v5 =	vsub.s32 v4, v8  }
0xfc: {  	v15 =	vmov s18;
	v17 =	vmov s22;
	v5 =	vand.u32 $0xFFFFFF80, v5  }
0xfd: {  	v4 =	vand.u32 $0x7F, v4;
	vm4 =	vgt.s32 v13, v0;
	v5 =	vadd.s32 v5, v8  }
0xfe: {  	v8 =	vadd.s32 v46, v10;
	v4 =	vor.u32 v4, v5;
	v5 =	vand.u32 $0xFFFFFF80, v44  }
0xff: {  	vm5 =	vgt.s32 v15, v0;
	v8 =	vand.u32 $0xFFFFFF80, v8;
	v47 =	vsub.s32 v7, v5  }
0x100: {  	v7 =	vand.u32 $0x7F, v7;
	v48 =	vsub.s32 v10, v8;
	v9 =	vand.u32 $0xFFFFFF80, v47  }
0x101: {  	v10 =	vshrl.u32 v54, $0x19;
	v5 =	vadd.s32 v9, v5;
	v9 =	vadd.s32 v51, v12  }
0x102: {  	v56 =	vadd.s32 v10, v14;
	v10 =	vshrl.u32 v57, $0x19;
	v53 =	vand.u32 $0xFFFFFF80, v9  }
0x103: {  	v50 =	vand.u32 $0xFFFFFF80, v48;
	v10 =	vadd.s32 v10, v16;
	v9 =	vsub.s32 v12, v53  }
0x104: {  	v5 =	vor.u32 v7, v5;
	v7 =	vadd.s32 v50, v8;
	v9 =	vand.u32 $0xFFFFFF80, v9  }
0x105: {  	v10 =	vand.u32 $0xFFFFFF80, v10;
	v8 =	vadd.s32 v9, v53;
	v9 =	vand.u32 $0xFFFFFF80, v56  }
0x106: {  	v7 =	vor.u32 v52, v7;
	v5 =	vadd.s32 $0x400, v5;
	v58 =	vsub.s32 v14, v9  }
0x107: {  	v60 =	vsub.s32 v16, v10;
	v7 =	vadd.s32 $0x800, v7;
	v11 =	vand.u32 $0xFFFFFF80, v58  }
0x108: {  	v8 =	vor.u32 v55, v8;
	v9 =	vadd.s32 v11, v9;
	v11 =	vand.u32 $0xFFFFFF80, v60  }
0x109: {  	v8 =	vadd.s32 $0xC00, v8;
	v9 =	vor.u32 v59, v9;
	v10 =	vadd.s32 v11, v10  }
0x10a: {  	vm6 =	vgt.s32 v17, v0;
	v9 =	vadd.s32 $0x1000, v9;
	v10 =	vor.u32 v61, v10  }
0x10b: {  	v62 =	vmov s19;
	[tilespmem:v4+s16+$0x0] =	vst.idx.msk vm1, v6;
	v4 =	vadd.s32 $0x1400, v10  }
0x10c: {  	v63 =	vmov s11;
	[tilespmem:v5+s16+$0x0] =	vst.idx.msk vm2, v62  }
0x10d: {  	v5 =	vmov s23;
	[tilespmem:v7+s16+$0x0] =	vst.idx.msk vm3, v63  }
0x10e: {  	[dreg:$0x1c] =	wrdreg s5;
	[tilespmem:v8+s16+$0x0] =	vst.idx.msk vm4, v5;
	v5 =	vmov s10  }
0x10f: {  	[dreg:$0x1a] =	wrdreg s3;
	[tilespmem:v9+s16+$0x0] =	vst.idx.msk vm5, v5;
	v5 =	vmov s28  }
0x110: {  	[dreg:$0x18] =	wrdreg s15;
	s23 =	simm.s32 $0x2;
	[tilespmem:v4+s16+$0x0] =	vst.idx.msk vm6, v5  }
0x111: {  	_ =	swait.ge [sflag:s23], $0x8000  }
0x112: {  	[sflag:s23] =	ssyncset.done $0x0  }
0x113: {  	[sflag:s23] =	ssyncadd.s32 $0xFFFF8000  }
0x114: {  	_ =	swait.ge [sflag:s23], $0x8000  }
0x115: {  	[sflag:s23] =	ssyncset.done $0x0  }
0x116: {  	[sflag:s23] =	ssyncadd.s32 $0xFFFF8000  }
0x117: {  	s25 =	sshra.s32 s8, $0x3;
	_ =	swait.ge [sflag:s23], $0x8000  }
0x118: {  	[smem:$0x7F6] =	sst s25  }
0x119: {  	s8 =	rddreg [dreg:$0x13]  }
0x11a: {  	p2 =	sgt.s32 s2, $0x7;
	s9 =	rddreg [dreg:$0x12]  }
0x11b: {  	s1 =	simm.s32 $0x9400;
	s7 =	simm.s32 $0x8400;
	s19 =	rddreg [dreg:$0x14]  }
.Ltmp10:
0x11c: {  	s6 =	simm.s32 $0x1400;
	s28 =	rddreg [dreg:$0x15];
	(pc) =	sbr.rel @!p2 .LBB2_14-.Ltmp10, $4  }
0x11d: {  	s15 =	simm.s32 $0x10400;
	s17 =	simm.s32 $0x9C00;
	s21 =	sld [smem:$0x7F7]  }
0x11e: {  	s14 =	simm.s32 $0x12400;
	[sflag:s23] =	ssyncset.done $0x0;
	s11 =	sld [smem:$0x7FD]  }
0x11f: {  	s12 =	simm.s32 $0x17400;
	[sflag:s23] =	ssyncadd.s32 $0xFFFF8000;
	s23 =	rddreg [dreg:$0x16]  }
0x120: {  	s22 =	simm.s32 $0x2C00;
	s16 =	simm.s32 $0xC00;
	s25 =	rddreg [dreg:$0x2]  }
0x121: {  	s0 =	sld [smem:$0x7F6];
	_ =	sdelay $0x2  }
0x122: {  	p3 =	seq.s32 s0, $0x1  }
.Ltmp11:
0x123: {  	_ = 	snop;
	(pc) =	sbr.rel @p3 .LBB2_19-.Ltmp11, $2  }
0x124: {  	_ =	sdelay $0x2  }
0x125: {  	s5 =	sand.u32 $0xFFFFFE00, s24;
	p2 =	por $0x0, $0x0;
	s0 =	sadd.s32 $0xFFFFFFFF, s0  }
0x126: {  	s2 =	sand.u32 $0x78, s24;
	s5 =	sshra.s32 s5, $0x2  }
0x127: {  	s2 =	sor.u32 s2, s5  }
0x128: {  	v4 =	vld.msk [tilespmem:s2+$0x18400], $0xff;
	_ =	sdelay $0x4  }
0x129: {  	v5 =	vshll.u32 v4, $0x5  }
0x12a: {  	v4 =	vand.u32 $0x7, v4;
	v5 =	vand.u32 $0xFFFFFF00, v5  }
0x12b: {  	v4 =	vor.u32 v4, v5  }
0x12c: {  	v4 =	vperm.xlane v4, v2;
	_ =	sdelay $0x1  }
0x12d: {  	v4 =	vadd.s32 v3, v4;
	_ =	sdelay $0x3  }
0x12e: {  	s15 =	simm.s32 $0x400  }
0x12f: {  	[hbm4b:s25+s4] =	stream.indirect_vreg.scatter [tilespmem:s15], [sflag:$0x1], $0x80, v4, vm0, $0xb8;
	[tilespmem:$0x19C00] =	vst v63  }
0x130: {  	s10 =	rddreg [dreg:$0x1e];
	s7 =	simm.s32 $0x1C00  }
0x131: {  	[hbm4b:s9+s4] =	stream.indirect_vreg.scatter [tilespmem:s16], [sflag:$0x1], $0x80, v4, vm0, $0xb8;
	[tilespmem:$0x19C00] =	vst v63  }
0x132: {  	s18 =	simm.s32 $0x2400;
	s17 =	simm.s32 $0x2C00;
	s1 =	simm.s32 $0x3400  }
0x133: {  	[hbm4b:s10+s4] =	stream.indirect_vreg.scatter [tilespmem:s6], [sflag:$0x1], $0x80, v4, vm0, $0xb8;
	[tilespmem:$0x19C00] =	vst v63  }
0x134: {  	s22 =	simm.s32 $0x3C00;
	s3 =	simm.s32 $0x5400;
	s13 =	smov.u32 s26  }
0x135: {  	[hbm4b:s20+s4] =	stream.indirect_vreg.scatter [tilespmem:s7], [sflag:$0x1], $0x80, v4, vm0, $0xb8;
	[tilespmem:$0x19C00] =	vst v63  }
0x136: {  	s14 =	smov.u32 s23;
	s12 =	simm.s32 $0xC00;
	p3 =	seq.s32 s0, $0x1  }
0x137: {  	[hbm4b:s26+s4] =	stream.indirect_vreg.scatter [tilespmem:s18], [sflag:$0x1], $0x80, v4, vm0, $0xb8;
	[tilespmem:$0x19C00] =	vst v63  }
0x138: {  	s0 =	sadd.s32 $0xFFFFFFFF, s0;
	p2 =	por $0x1, $0x1;
	s5 =	rddreg [dreg:$0x1d]  }
0x139: {  	[hbm4b:s23+s4] =	stream.indirect_vreg.scatter [tilespmem:s17], [sflag:$0x1], $0x80, v4, vm0, $0xb8;
	[tilespmem:$0x19C00] =	vst v63  }
0x13a: {  	s2 =	simm.s32 $0x4C00;
	s15 =	smov.u32 s21;
	s16 =	simm.s32 $0x4400  }
0x13b: {  	[hbm4b:s21+s4] =	stream.indirect_vreg.scatter [tilespmem:s1], [sflag:$0x1], $0x80, v4, vm0, $0xb8;
	[tilespmem:$0x19C00] =	vst v63  }
0x13c: {  	s6 =	smov.u32 s28;
	s28 =	smov.u32 s8;
	s26 =	smov.u32 s5  }
0x13d: {  	[hbm4b:s29+s4] =	stream.indirect_vreg.scatter [tilespmem:s22], [sflag:$0x1], $0x80, v4, vm0, $0xb8;
	[tilespmem:$0x19C00] =	vst v63  }
0x13e: {  	s23 =	smov.u32 s25;
	s25 =	simm.s32 $0x5C00;
	s21 =	smov.u32 s31  }
0x13f: {  	[hbm4b:s30+s4] =	stream.indirect_vreg.scatter [tilespmem:s16], [sflag:$0x1], $0x80, v4, vm0, $0xb8;
	[tilespmem:$0x19C00] =	vst v63  }
0x140: {  	s1 =	smov.u32 s6;
	s22 =	simm.s32 $0x6400;
	s16 =	simm.s32 $0x400  }
0x141: {  	[hbm4b:s31+s4] =	stream.indirect_vreg.scatter [tilespmem:s2], [sflag:$0x1], $0x80, v4, vm0, $0xb8;
	[tilespmem:$0x19C00] =	vst v63  }
0x142: {  	s2 =	smov.u32 s19;
	s19 =	smov.u32 s29;
	s31 =	sld [smem:$0x7F8]  }
0x143: {  	[hbm4b:s5+s4] =	stream.indirect_vreg.scatter [tilespmem:s3], [sflag:$0x1], $0x80, v4, vm0, $0xb8;
	[tilespmem:$0x19C00] =	vst v63  }
0x144: {  	s29 =	smov.u32 s2;
	s3 =	smov.u32 s11;
	s11 =	smov.u32 s20  }
0x145: {  	[hbm4b:s8+s4] =	stream.indirect_vreg.scatter [tilespmem:s25], [sflag:$0x1], $0x80, v4, vm0, $0xb8;
	[tilespmem:$0x19C00] =	vst v63  }
.Ltmp12:
0x146: {  	s20 =	smov.u32 s30;
	s30 =	smov.u32 s3;
	(pc) =	sbr.rel @p3 .LBB2_21-.Ltmp12, $4  }
0x147: {  	[hbm4b:s2+s4] =	stream.indirect_vreg.scatter [tilespmem:s22], [sflag:$0x1], $0x80, v4, vm0, $0xb8;
	[tilespmem:$0x19C00] =	vst v63  }
0x148: {  	s8 =	simm.s32 $0x6C00;
	s2 =	sadd.s32 $0x20, s24;
	s24 =	sadd.s32 $0x8, s24  }
0x149: {  	[hbm4b:s3+s4] =	stream.indirect_vreg.scatter [tilespmem:s8], [sflag:$0x1], $0x80, v4, vm0, $0xb8;
	[tilespmem:$0x19C00] =	vst v63  }
0x14a: {  	s5 =	sand.u32 $0xFFFFFE00, s2;
	s3 =	simm.s32 $0x7400;
	s8 =	simm.s32 $0x7C00  }
.LBB2_22:
0x14b: {  	[hbm4b:s31+s4] =	stream.indirect_vreg.scatter [tilespmem:s3], [sflag:$0x1], $0x80, v4, vm0, $0xb8;
	[tilespmem:$0x19C00] =	vst v63  }
0x14c: {  	p3 =	seq.s32 s0, $0x1;
	s6 =	sand.u32 $0x78, s24;
	s5 =	sshra.s32 s5, $0x2  }
0x14d: {  	s0 =	sadd.s32 $0xFFFFFFFF, s0;
	s5 =	sor.u32 s6, s5  }
0x14e: {  	[hbm4b:s1+s4] =	stream.indirect_vreg.scatter [tilespmem:s8], [sflag:$0x1], $0x80, v4, vm0, $0xb8;
	[tilespmem:$0x19C00] =	vst v63  }
0x14f: {  	v4 =	vld.msk [tilespmem:s5+$0x18400], $0xff;
	_ =	sdelay $0x4  }
0x150: {  	v5 =	vand.u32 $0x7, v4;
	v4 =	vshll.u32 v4, $0x5  }
0x151: {  	v4 =	vand.u32 $0xFFFFFF00, v4  }
0x152: {  	v4 =	vor.u32 v5, v4  }
0x153: {  	v4 =	vperm.xlane v4, v2;
	_ =	sdelay $0x1  }
0x154: {  	v4 =	vadd.s32 v3, v4;
	_ =	sdelay $0x4  }
0x155: {  	[hbm4b:s23+s4] =	stream.indirect_vreg.scatter [tilespmem:s16], [sflag:$0x1], $0x80, v4, vm0, $0xb8;
	[tilespmem:$0x19C00] =	vst v63  }
0x156: {  	_ = 	snop  }
0x157: {  	[hbm4b:s9+s4] =	stream.indirect_vreg.scatter [tilespmem:s12], [sflag:$0x1], $0x80, v4, vm0, $0xb8;
	[tilespmem:$0x19C00] =	vst v63  }
0x158: {  	s5 =	simm.s32 $0x1400  }
0x159: {  	[hbm4b:s10+s4] =	stream.indirect_vreg.scatter [tilespmem:s5], [sflag:$0x1], $0x80, v4, vm0, $0xb8;
	[tilespmem:$0x19C00] =	vst v63  }
0x15a: {  	_ = 	snop  }
0x15b: {  	[hbm4b:s11+s4] =	stream.indirect_vreg.scatter [tilespmem:s7], [sflag:$0x1], $0x80, v4, vm0, $0xb8;
	[tilespmem:$0x19C00] =	vst v63  }
0x15c: {  	_ = 	snop  }
0x15d: {  	[hbm4b:s13+s4] =	stream.indirect_vreg.scatter [tilespmem:s18], [sflag:$0x1], $0x80, v4, vm0, $0xb8;
	[tilespmem:$0x19C00] =	vst v63  }
0x15e: {  	_ = 	snop  }
0x15f: {  	[hbm4b:s14+s4] =	stream.indirect_vreg.scatter [tilespmem:s17], [sflag:$0x1], $0x80, v4, vm0, $0xb8;
	[tilespmem:$0x19C00] =	vst v63  }
0x160: {  	s5 =	simm.s32 $0x3400  }
0x161: {  	[hbm4b:s15+s4] =	stream.indirect_vreg.scatter [tilespmem:s5], [sflag:$0x1], $0x80, v4, vm0, $0xb8;
	[tilespmem:$0x19C00] =	vst v63  }
0x162: {  	s5 =	simm.s32 $0x3C00  }
0x163: {  	[hbm4b:s19+s4] =	stream.indirect_vreg.scatter [tilespmem:s5], [sflag:$0x1], $0x80, v4, vm0, $0xb8;
	[tilespmem:$0x19C00] =	vst v63  }
0x164: {  	s5 =	simm.s32 $0x4400  }
0x165: {  	[hbm4b:s20+s4] =	stream.indirect_vreg.scatter [tilespmem:s5], [sflag:$0x1], $0x80, v4, vm0, $0xb8;
	[tilespmem:$0x19C00] =	vst v63  }
0x166: {  	s5 =	simm.s32 $0x4C00  }
0x167: {  	[hbm4b:s21+s4] =	stream.indirect_vreg.scatter [tilespmem:s5], [sflag:$0x1], $0x80, v4, vm0, $0xb8;
	[tilespmem:$0x19C00] =	vst v63  }
0x168: {  	s5 =	simm.s32 $0x5400  }
0x169: {  	[hbm4b:s26+s4] =	stream.indirect_vreg.scatter [tilespmem:s5], [sflag:$0x1], $0x80, v4, vm0, $0xb8;
	[tilespmem:$0x19C00] =	vst v63  }
0x16a: {  	_ = 	snop  }
0x16b: {  	[hbm4b:s28+s4] =	stream.indirect_vreg.scatter [tilespmem:s25], [sflag:$0x1], $0x80, v4, vm0, $0xb8;
	[tilespmem:$0x19C00] =	vst v63  }
.Ltmp13:
0x16c: {  	(pc) =	sbr.rel @!p3 .LBB2_22-.Ltmp13, $4  }
0x16d: {  	[hbm4b:s29+s4] =	stream.indirect_vreg.scatter [tilespmem:s22], [sflag:$0x1], $0x80, v4, vm0, $0xb8;
	[tilespmem:$0x19C00] =	vst v63  }
0x16e: {  	s2 =	sadd.s32 $0x20, s2;
	s5 =	simm.s32 $0x6C00  }
0x16f: {  	[hbm4b:s30+s4] =	stream.indirect_vreg.scatter [tilespmem:s5], [sflag:$0x1], $0x80, v4, vm0, $0xb8;
	[tilespmem:$0x19C00] =	vst v63  }
0x170: {  	s24 =	sadd.s32 $0x8, s24;
	s5 =	sand.u32 $0xFFFFFE00, s2  }
0x171: {  	s22 =	simm.s32 $0x2C00  }
0x172: {  	s12 =	simm.s32 $0x4400;
	s16 =	smov.u32 s9;
	s10 =	smov.u32 s14  }
0x173: {  	s0 =	smov.u32 s19;
	s3 =	smov.u32 s20;
	s20 =	smov.u32 s11  }
0x174: {  	s6 =	smov.u32 s21;
	s21 =	smov.u32 s15;
	s2 =	smov.u32 s26  }
0x175: {  	s26 =	smov.u32 s13;
	s8 =	smov.u32 s28;
	s19 =	smov.u32 s29  }
0x176: {  	s11 =	smov.u32 s30;
	s28 =	smov.u32 s1;
	s17 =	simm.s32 $0x9C00  }
0x177: {  	s14 =	simm.s32 $0x12400;
	s13 =	simm.s32 $0x1;
	s25 =	smov.u32 s23  }
0x178: {  	s15 =	simm.s32 $0x10400;
	s29 =	smov.u32 s0;
	s30 =	smov.u32 s3  }
0x179: {  	s31 =	smov.u32 s6;
	s1 =	smov.u32 s2;
	s23 =	smov.u32 s10  }
0x17a: {  	s9 =	smov.u32 s16;
	s6 =	simm.s32 $0x400;
	s16 =	simm.s32 $0xC00  }
.LBB2_24:
0x17b: {  	_ = 	snop  }
0x17c: {  	s10 =	sld [smem:$0x7F8];
	_ =	sdelay $0x1  }
0x17d: {  	s3 =	simm.s32 $0x7400;
	s0 =	sand.u32 $0x78, s24;
	s2 =	sshra.s32 s5, $0x2  }
0x17e: {  	[hbm4b:s10+s4] =	stream.indirect_vreg.scatter @p2 [tilespmem:s3], [sflag:$0x1], $0x80, v4, vm0, $0xb8;
	[tilespmem:$0x19C00] =	vst v63  }
0x17f: {  	s0 =	sor.u32 s0, s2;
	s2 =	simm.s32 $0x7C00  }
0x180: {  	[hbm4b:s28+s4] =	stream.indirect_vreg.scatter @p2 [tilespmem:s2], [sflag:$0x1], $0x80, v4, vm0, $0xb8;
	[tilespmem:$0x19C00] =	vst v63  }
0x181: {  	v4 =	vld.msk [tilespmem:s0+$0x18400], $0xff;
	_ =	sdelay $0x4  }
0x182: {  	v5 =	vshll.u32 v4, $0x5  }
0x183: {  	v4 =	vand.u32 $0x7, v4;
	v5 =	vand.u32 $0xFFFFFF00, v5  }
0x184: {  	v4 =	vor.u32 v4, v5  }
0x185: {  	v4 =	vperm.xlane v4, v2;
	_ =	sdelay $0x1  }
0x186: {  	v4 =	vadd.s32 v3, v4;
	_ =	sdelay $0x4  }
0x187: {  	[hbm4b:s25+s4] =	stream.indirect_vreg.scatter [tilespmem:s6], [sflag:$0x1], $0x80, v4, vm0, $0xb8;
	[tilespmem:$0x19C00] =	vst v63  }
0x188: {  	_ = 	snop  }
0x189: {  	[hbm4b:s9+s4] =	stream.indirect_vreg.scatter [tilespmem:s16], [sflag:$0x1], $0x80, v4, vm0, $0xb8;
	[tilespmem:$0x19C00] =	vst v63  }
0x18a: {  	s24 =	rddreg [dreg:$0x1e];
	s16 =	simm.s32 $0x1400  }
0x18b: {  	[hbm4b:s24+s4] =	stream.indirect_vreg.scatter [tilespmem:s16], [sflag:$0x1], $0x80, v4, vm0, $0xb8;
	[tilespmem:$0x19C00] =	vst v63  }
0x18c: {  	_ = 	snop  }
0x18d: {  	[hbm4b:s20+s4] =	stream.indirect_vreg.scatter [tilespmem:s7], [sflag:$0x1], $0x80, v4, vm0, $0xb8;
	[tilespmem:$0x19C00] =	vst v63  }
0x18e: {  	_ = 	snop  }
0x18f: {  	[hbm4b:s26+s4] =	stream.indirect_vreg.scatter [tilespmem:s18], [sflag:$0x1], $0x80, v4, vm0, $0xb8;
	[tilespmem:$0x19C00] =	vst v63  }
0x190: {  	_ = 	snop  }
0x191: {  	[hbm4b:s23+s4] =	stream.indirect_vreg.scatter [tilespmem:s22], [sflag:$0x1], $0x80, v4, vm0, $0xb8;
	[tilespmem:$0x19C00] =	vst v63  }
0x192: {  	s5 =	simm.s32 $0x3400  }
0x193: {  	[hbm4b:s21+s4] =	stream.indirect_vreg.scatter [tilespmem:s5], [sflag:$0x1], $0x80, v4, vm0, $0xb8;
	[tilespmem:$0x19C00] =	vst v63  }
0x194: {  	s6 =	simm.s32 $0x3C00  }
0x195: {  	[hbm4b:s29+s4] =	stream.indirect_vreg.scatter [tilespmem:s6], [sflag:$0x1], $0x80, v4, vm0, $0xb8;
	[tilespmem:$0x19C00] =	vst v63  }
0x196: {  	_ = 	snop  }
0x197: {  	[hbm4b:s30+s4] =	stream.indirect_vreg.scatter [tilespmem:s12], [sflag:$0x1], $0x80, v4, vm0, $0xb8;
	[tilespmem:$0x19C00] =	vst v63  }
0x198: {  	s7 =	simm.s32 $0x4C00  }
0x199: {  	[hbm4b:s31+s4] =	stream.indirect_vreg.scatter [tilespmem:s7], [sflag:$0x1], $0x80, v4, vm0, $0xb8;
	[tilespmem:$0x19C00] =	vst v63  }
0x19a: {  	s12 =	simm.s32 $0x5400  }
0x19b: {  	[hbm4b:s1+s4] =	stream.indirect_vreg.scatter [tilespmem:s12], [sflag:$0x1], $0x80, v4, vm0, $0xb8;
	[tilespmem:$0x19C00] =	vst v63  }
0x19c: {  	s16 =	simm.s32 $0x5C00  }
0x19d: {  	[hbm4b:s8+s4] =	stream.indirect_vreg.scatter [tilespmem:s16], [sflag:$0x1], $0x80, v4, vm0, $0xb8;
	[tilespmem:$0x19C00] =	vst v63  }
0x19e: {  	s18 =	simm.s32 $0x6400  }
0x19f: {  	[hbm4b:s19+s4] =	stream.indirect_vreg.scatter [tilespmem:s18], [sflag:$0x1], $0x80, v4, vm0, $0xb8;
	[tilespmem:$0x19C00] =	vst v63  }
0x1a0: {  	s22 =	simm.s32 $0x6C00  }
0x1a1: {  	[hbm4b:s11+s4] =	stream.indirect_vreg.scatter [tilespmem:s22], [sflag:$0x1], $0x80, v4, vm0, $0xb8;
	[tilespmem:$0x19C00] =	vst v63  }
0x1a2: {  	s24 =	simm.s32 $0x7C00  }
0x1a3: {  	[hbm4b:s10+s4] =	stream.indirect_vreg.scatter [tilespmem:s3], [sflag:$0x1], $0x80, v4, vm0, $0xb8;
	[tilespmem:$0x19C00] =	vst v63  }
0x1a4: {  	s7 =	simm.s32 $0x8400;
	s1 =	simm.s32 $0x9400;
	s12 =	simm.s32 $0x17400  }
0x1a5: {  	[hbm4b:s28+s4] =	stream.indirect_vreg.scatter [tilespmem:s24], [sflag:$0x1], $0x80, v4, vm0, $0xb8;
	[tilespmem:$0x19C00] =	vst v63  }
.LBB2_14:
0x1a6: {  	s0 =	sld [smem:$0x7F2];
	_ =	sdelay $0x2  }
0x1a7: {  	p2 =	sgt.s32 s0, $0x7  }
.Ltmp14:
0x1a8: {  	s24 =	sld [smem:$0x7F3];
	(pc) =	sbr.rel @!p2 .LBB2_15-.Ltmp14, $4  }
0x1a9: {  	_ = 	snop  }
0x1aa: {  	s10 =	smov.u32 s19;
	s19 =	simm.s32 $0x8C00;
	s2 =	simm.s32 $0x0  }
0x1ab: {  	s3 =	simm.s32 $0x11C00;
	s16 =	simm.s32 $0x12C00;
	s22 =	sshra.s32 s24, $0x3  }
0x1ac: {  	s18 =	simm.s32 $0x13400;
	s24 =	simm.s32 $0xE400;
	[smem:$0x7F1] =	sst s22  }
0x1ad: {  	p3 =	seq.s32 s22, $0x1  }
.Ltmp15:
0x1ae: {  	_ = 	snop;
	(pc) =	sbr.rel @p3 .LBB2_26-.Ltmp15, $2  }
0x1af: {  	_ =	sdelay $0x2  }
0x1b0: {  	s0 =	sadd.s32 $0xFFFFFFFF, s22;
	s6 =	sand.u32 $0xFFFFFE00, s2;
	p2 =	por $0x0, $0x0  }
0x1b1: {  	s5 =	sand.u32 $0x78, s2;
	s6 =	sshra.s32 s6, $0x2  }
0x1b2: {  	s5 =	sor.u32 s5, s6  }
0x1b3: {  	v4 =	vld.msk [tilespmem:s5+$0x18800], $0xff;
	_ =	sdelay $0x4  }
0x1b4: {  	v5 =	vshll.u32 v4, $0x5  }
0x1b5: {  	v4 =	vand.u32 $0x7, v4;
	v5 =	vand.u32 $0xFFFFFF00, v5  }
0x1b6: {  	v4 =	vor.u32 v4, v5  }
0x1b7: {  	v4 =	vperm.xlane v4, v2;
	_ =	sdelay $0x1  }
0x1b8: {  	v4 =	vadd.s32 v3, v4;
	_ =	sdelay $0x4  }
0x1b9: {  	[hbm4b:s25+s4] =	stream.indirect_vreg.scatter [tilespmem:s7], [sflag:$0x1], $0x80, v4, vm0, $0xb8;
	[tilespmem:$0x19C00] =	vst v63  }
0x1ba: {  	_ = 	snop  }
0x1bb: {  	[hbm4b:s9+s4] =	stream.indirect_vreg.scatter [tilespmem:s19], [sflag:$0x1], $0x80, v4, vm0, $0xb8;
	[tilespmem:$0x19C00] =	vst v63  }
0x1bc: {  	s19 =	rddreg [dreg:$0x1e]  }
0x1bd: {  	[hbm4b:s19+s4] =	stream.indirect_vreg.scatter [tilespmem:s1], [sflag:$0x1], $0x80, v4, vm0, $0xb8;
	[tilespmem:$0x19C00] =	vst v63  }
0x1be: {  	_ = 	snop  }
0x1bf: {  	[hbm4b:s20+s4] =	stream.indirect_vreg.scatter [tilespmem:s17], [sflag:$0x1], $0x80, v4, vm0, $0xb8;
	[tilespmem:$0x19C00] =	vst v63  }
0x1c0: {  	s15 =	simm.s32 $0xA400  }
0x1c1: {  	[hbm4b:s26+s4] =	stream.indirect_vreg.scatter [tilespmem:s15], [sflag:$0x1], $0x80, v4, vm0, $0xb8;
	[tilespmem:$0x19C00] =	vst v63  }
0x1c2: {  	s16 =	simm.s32 $0xAC00  }
0x1c3: {  	[hbm4b:s23+s4] =	stream.indirect_vreg.scatter [tilespmem:s16], [sflag:$0x1], $0x80, v4, vm0, $0xb8;
	[tilespmem:$0x19C00] =	vst v63  }
0x1c4: {  	s18 =	simm.s32 $0xB400  }
0x1c5: {  	[hbm4b:s21+s4] =	stream.indirect_vreg.scatter [tilespmem:s18], [sflag:$0x1], $0x80, v4, vm0, $0xb8;
	[tilespmem:$0x19C00] =	vst v63  }
0x1c6: {  	s3 =	simm.s32 $0xBC00;
	s22 =	simm.s32 $0xC400;
	s24 =	simm.s32 $0xD400  }
0x1c7: {  	[hbm4b:s29+s4] =	stream.indirect_vreg.scatter [tilespmem:s3], [sflag:$0x1], $0x80, v4, vm0, $0xb8;
	[tilespmem:$0x19C00] =	vst v63  }
0x1c8: {  	s14 =	smov.u32 s11;
	s11 =	smov.u32 s28;
	s12 =	simm.s32 $0xFC00  }
0x1c9: {  	[hbm4b:s30+s4] =	stream.indirect_vreg.scatter [tilespmem:s22], [sflag:$0x1], $0x80, v4, vm0, $0xb8;
	[tilespmem:$0x19C00] =	vst v63  }
0x1ca: {  	s28 =	sld [smem:$0x7F8];
	p3 =	seq.s32 s0, $0x1;
	s17 =	simm.s32 $0xCC00  }
0x1cb: {  	[hbm4b:s31+s4] =	stream.indirect_vreg.scatter [tilespmem:s17], [sflag:$0x1], $0x80, v4, vm0, $0xb8;
	[tilespmem:$0x19C00] =	vst v63  }
0x1cc: {  	s0 =	sadd.s32 $0xFFFFFFFF, s0;
	p2 =	por $0x1, $0x1;
	s1 =	rddreg [dreg:$0x1d]  }
0x1cd: {  	[hbm4b:s1+s4] =	stream.indirect_vreg.scatter [tilespmem:s24], [sflag:$0x1], $0x80, v4, vm0, $0xb8;
	[tilespmem:$0x19C00] =	vst v63  }
0x1ce: {  	s5 =	sadd.s32 $0x20, s2;
	s2 =	sadd.s32 $0x8, s2;
	s3 =	simm.s32 $0xDC00  }
0x1cf: {  	[hbm4b:s8+s4] =	stream.indirect_vreg.scatter [tilespmem:s3], [sflag:$0x1], $0x80, v4, vm0, $0xb8;
	[tilespmem:$0x19C00] =	vst v63  }
.Ltmp16:
0x1d0: {  	s6 =	sand.u32 $0xFFFFFE00, s5;
	s15 =	simm.s32 $0xE400;
	(pc) =	sbr.rel @p3 .LBB2_28-.Ltmp16, $4  }
0x1d1: {  	s16 =	simm.s32 $0x9C00;
	s18 =	simm.s32 $0x9400;
	s22 =	simm.s32 $0xF400  }
0x1d2: {  	[hbm4b:s10+s4] =	stream.indirect_vreg.scatter [tilespmem:s15], [sflag:$0x1], $0x80, v4, vm0, $0xb8;
	[tilespmem:$0x19C00] =	vst v63  }
0x1d3: {  	s17 =	smov.u32 s9;
	s9 =	simm.s32 $0xEC00;
	s24 =	simm.s32 $0x8C00  }
0x1d4: {  	[hbm4b:s14+s4] =	stream.indirect_vreg.scatter [tilespmem:s9], [sflag:$0x1], $0x80, v4, vm0, $0xb8;
	[tilespmem:$0x19C00] =	vst v63  }
.LBB2_29:
0x1d5: {  	[hbm4b:s28+s4] =	stream.indirect_vreg.scatter [tilespmem:s22], [sflag:$0x1], $0x80, v4, vm0, $0xb8;
	[tilespmem:$0x19C00] =	vst v63  }
0x1d6: {  	p3 =	seq.s32 s0, $0x1;
	s7 =	sand.u32 $0x78, s2;
	s6 =	sshra.s32 s6, $0x2  }
0x1d7: {  	s0 =	sadd.s32 $0xFFFFFFFF, s0;
	s6 =	sor.u32 s7, s6;
	s7 =	simm.s32 $0x8400  }
0x1d8: {  	[hbm4b:s11+s4] =	stream.indirect_vreg.scatter [tilespmem:s12], [sflag:$0x1], $0x80, v4, vm0, $0xb8;
	[tilespmem:$0x19C00] =	vst v63  }
0x1d9: {  	v4 =	vld.msk [tilespmem:s6+$0x18800], $0xff;
	_ =	sdelay $0x4  }
0x1da: {  	v5 =	vand.u32 $0x7, v4;
	v4 =	vshll.u32 v4, $0x5  }
0x1db: {  	v4 =	vand.u32 $0xFFFFFF00, v4  }
0x1dc: {  	v4 =	vor.u32 v5, v4  }
0x1dd: {  	v4 =	vperm.xlane v4, v2;
	_ =	sdelay $0x1  }
0x1de: {  	v4 =	vadd.s32 v3, v4;
	_ =	sdelay $0x4  }
0x1df: {  	[hbm4b:s25+s4] =	stream.indirect_vreg.scatter [tilespmem:s7], [sflag:$0x1], $0x80, v4, vm0, $0xb8;
	[tilespmem:$0x19C00] =	vst v63  }
0x1e0: {  	_ = 	snop  }
0x1e1: {  	[hbm4b:s17+s4] =	stream.indirect_vreg.scatter [tilespmem:s24], [sflag:$0x1], $0x80, v4, vm0, $0xb8;
	[tilespmem:$0x19C00] =	vst v63  }
0x1e2: {  	_ = 	snop  }
0x1e3: {  	[hbm4b:s19+s4] =	stream.indirect_vreg.scatter [tilespmem:s18], [sflag:$0x1], $0x80, v4, vm0, $0xb8;
	[tilespmem:$0x19C00] =	vst v63  }
0x1e4: {  	_ = 	snop  }
0x1e5: {  	[hbm4b:s20+s4] =	stream.indirect_vreg.scatter [tilespmem:s16], [sflag:$0x1], $0x80, v4, vm0, $0xb8;
	[tilespmem:$0x19C00] =	vst v63  }
0x1e6: {  	s6 =	simm.s32 $0xA400  }
0x1e7: {  	[hbm4b:s26+s4] =	stream.indirect_vreg.scatter [tilespmem:s6], [sflag:$0x1], $0x80, v4, vm0, $0xb8;
	[tilespmem:$0x19C00] =	vst v63  }
0x1e8: {  	s6 =	simm.s32 $0xAC00  }
0x1e9: {  	[hbm4b:s23+s4] =	stream.indirect_vreg.scatter [tilespmem:s6], [sflag:$0x1], $0x80, v4, vm0, $0xb8;
	[tilespmem:$0x19C00] =	vst v63  }
0x1ea: {  	s6 =	simm.s32 $0xB400  }
0x1eb: {  	[hbm4b:s21+s4] =	stream.indirect_vreg.scatter [tilespmem:s6], [sflag:$0x1], $0x80, v4, vm0, $0xb8;
	[tilespmem:$0x19C00] =	vst v63  }
0x1ec: {  	s6 =	simm.s32 $0xBC00  }
0x1ed: {  	[hbm4b:s29+s4] =	stream.indirect_vreg.scatter [tilespmem:s6], [sflag:$0x1], $0x80, v4, vm0, $0xb8;
	[tilespmem:$0x19C00] =	vst v63  }
0x1ee: {  	s6 =	simm.s32 $0xC400  }
0x1ef: {  	[hbm4b:s30+s4] =	stream.indirect_vreg.scatter [tilespmem:s6], [sflag:$0x1], $0x80, v4, vm0, $0xb8;
	[tilespmem:$0x19C00] =	vst v63  }
0x1f0: {  	s6 =	simm.s32 $0xCC00  }
0x1f1: {  	[hbm4b:s31+s4] =	stream.indirect_vreg.scatter [tilespmem:s6], [sflag:$0x1], $0x80, v4, vm0, $0xb8;
	[tilespmem:$0x19C00] =	vst v63  }
0x1f2: {  	s6 =	simm.s32 $0xD400  }
0x1f3: {  	[hbm4b:s1+s4] =	stream.indirect_vreg.scatter [tilespmem:s6], [sflag:$0x1], $0x80, v4, vm0, $0xb8;
	[tilespmem:$0x19C00] =	vst v63  }
0x1f4: {  	_ = 	snop  }
0x1f5: {  	[hbm4b:s8+s4] =	stream.indirect_vreg.scatter [tilespmem:s3], [sflag:$0x1], $0x80, v4, vm0, $0xb8;
	[tilespmem:$0x19C00] =	vst v63  }
.Ltmp17:
0x1f6: {  	(pc) =	sbr.rel @!p3 .LBB2_29-.Ltmp17, $4  }
0x1f7: {  	[hbm4b:s10+s4] =	stream.indirect_vreg.scatter [tilespmem:s15], [sflag:$0x1], $0x80, v4, vm0, $0xb8;
	[tilespmem:$0x19C00] =	vst v63  }
0x1f8: {  	s5 =	sadd.s32 $0x20, s5  }
0x1f9: {  	[hbm4b:s14+s4] =	stream.indirect_vreg.scatter [tilespmem:s9], [sflag:$0x1], $0x80, v4, vm0, $0xb8;
	[tilespmem:$0x19C00] =	vst v63  }
0x1fa: {  	s2 =	sadd.s32 $0x8, s2;
	s6 =	sand.u32 $0xFFFFFE00, s5  }
0x1fb: {  	s24 =	simm.s32 $0xE400;
	s3 =	simm.s32 $0xF400;
	s16 =	simm.s32 $0x12C00  }
0x1fc: {  	s18 =	simm.s32 $0x13400;
	s12 =	simm.s32 $0x17400;
	s22 =	smov.u32 s10  }
0x1fd: {  	s10 =	simm.s32 $0xBC00;
	s28 =	smov.u32 s11;
	s11 =	smov.u32 s14  }
0x1fe: {  	s19 =	simm.s32 $0xEC00;
	s5 =	smov.u32 s1;
	s9 =	smov.u32 s17  }
0x1ff: {  	s15 =	simm.s32 $0x10400;
	s1 =	simm.s32 $0x9400;
	s17 =	simm.s32 $0x9C00  }
.LBB2_31:
0x200: {  	_ = 	snop  }
0x201: {  	s14 =	sld [smem:$0x7F8];
	_ =	sdelay $0x1  }
0x202: {  	s0 =	sand.u32 $0x78, s2;
	s6 =	sshra.s32 s6, $0x2  }
0x203: {  	[hbm4b:s14+s4] =	stream.indirect_vreg.scatter @p2 [tilespmem:s3], [sflag:$0x1], $0x80, v4, vm0, $0xb8;
	[tilespmem:$0x19C00] =	vst v63  }
0x204: {  	s2 =	simm.s32 $0xFC00;
	s0 =	sor.u32 s0, s6  }
0x205: {  	[hbm4b:s28+s4] =	stream.indirect_vreg.scatter @p2 [tilespmem:s2], [sflag:$0x1], $0x80, v4, vm0, $0xb8;
	[tilespmem:$0x19C00] =	vst v63  }
0x206: {  	v4 =	vld.msk [tilespmem:s0+$0x18800], $0xff;
	_ =	sdelay $0x4  }
0x207: {  	v5 =	vshll.u32 v4, $0x5  }
0x208: {  	v4 =	vand.u32 $0x7, v4;
	v5 =	vand.u32 $0xFFFFFF00, v5  }
0x209: {  	v4 =	vor.u32 v4, v5  }
0x20a: {  	v4 =	vperm.xlane v4, v2;
	_ =	sdelay $0x1  }
0x20b: {  	v4 =	vadd.s32 v3, v4;
	_ =	sdelay $0x4  }
0x20c: {  	[hbm4b:s25+s4] =	stream.indirect_vreg.scatter [tilespmem:s7], [sflag:$0x1], $0x80, v4, vm0, $0xb8;
	[tilespmem:$0x19C00] =	vst v63  }
0x20d: {  	s6 =	simm.s32 $0x8C00  }
0x20e: {  	[hbm4b:s9+s4] =	stream.indirect_vreg.scatter [tilespmem:s6], [sflag:$0x1], $0x80, v4, vm0, $0xb8;
	[tilespmem:$0x19C00] =	vst v63  }
0x20f: {  	s7 =	rddreg [dreg:$0x1e]  }
0x210: {  	[hbm4b:s7+s4] =	stream.indirect_vreg.scatter [tilespmem:s1], [sflag:$0x1], $0x80, v4, vm0, $0xb8;
	[tilespmem:$0x19C00] =	vst v63  }
0x211: {  	_ = 	snop  }
0x212: {  	[hbm4b:s20+s4] =	stream.indirect_vreg.scatter [tilespmem:s17], [sflag:$0x1], $0x80, v4, vm0, $0xb8;
	[tilespmem:$0x19C00] =	vst v63  }
0x213: {  	s1 =	simm.s32 $0xA400  }
0x214: {  	[hbm4b:s26+s4] =	stream.indirect_vreg.scatter [tilespmem:s1], [sflag:$0x1], $0x80, v4, vm0, $0xb8;
	[tilespmem:$0x19C00] =	vst v63  }
0x215: {  	s6 =	simm.s32 $0xAC00  }
0x216: {  	[hbm4b:s23+s4] =	stream.indirect_vreg.scatter [tilespmem:s6], [sflag:$0x1], $0x80, v4, vm0, $0xb8;
	[tilespmem:$0x19C00] =	vst v63  }
0x217: {  	s7 =	simm.s32 $0xB400  }
0x218: {  	[hbm4b:s21+s4] =	stream.indirect_vreg.scatter [tilespmem:s7], [sflag:$0x1], $0x80, v4, vm0, $0xb8;
	[tilespmem:$0x19C00] =	vst v63  }
0x219: {  	_ = 	snop  }
0x21a: {  	[hbm4b:s29+s4] =	stream.indirect_vreg.scatter [tilespmem:s10], [sflag:$0x1], $0x80, v4, vm0, $0xb8;
	[tilespmem:$0x19C00] =	vst v63  }
0x21b: {  	s1 =	simm.s32 $0xC400  }
0x21c: {  	[hbm4b:s30+s4] =	stream.indirect_vreg.scatter [tilespmem:s1], [sflag:$0x1], $0x80, v4, vm0, $0xb8;
	[tilespmem:$0x19C00] =	vst v63  }
0x21d: {  	s6 =	simm.s32 $0xCC00  }
0x21e: {  	[hbm4b:s31+s4] =	stream.indirect_vreg.scatter [tilespmem:s6], [sflag:$0x1], $0x80, v4, vm0, $0xb8;
	[tilespmem:$0x19C00] =	vst v63  }
0x21f: {  	s7 =	simm.s32 $0xD400  }
0x220: {  	[hbm4b:s5+s4] =	stream.indirect_vreg.scatter [tilespmem:s7], [sflag:$0x1], $0x80, v4, vm0, $0xb8;
	[tilespmem:$0x19C00] =	vst v63  }
0x221: {  	s10 =	simm.s32 $0xDC00  }
0x222: {  	[hbm4b:s8+s4] =	stream.indirect_vreg.scatter [tilespmem:s10], [sflag:$0x1], $0x80, v4, vm0, $0xb8;
	[tilespmem:$0x19C00] =	vst v63  }
0x223: {  	_ = 	snop  }
0x224: {  	[hbm4b:s22+s4] =	stream.indirect_vreg.scatter [tilespmem:s24], [sflag:$0x1], $0x80, v4, vm0, $0xb8;
	[tilespmem:$0x19C00] =	vst v63  }
0x225: {  	_ = 	snop  }
0x226: {  	[hbm4b:s11+s4] =	stream.indirect_vreg.scatter [tilespmem:s19], [sflag:$0x1], $0x80, v4, vm0, $0xb8;
	[tilespmem:$0x19C00] =	vst v63  }
0x227: {  	s10 =	smov.u32 s22;
	s22 =	sld [smem:$0x7F1]  }
0x228: {  	[hbm4b:s14+s4] =	stream.indirect_vreg.scatter [tilespmem:s3], [sflag:$0x1], $0x80, v4, vm0, $0xb8;
	[tilespmem:$0x19C00] =	vst v63  }
0x229: {  	s19 =	simm.s32 $0x8C00;
	s3 =	simm.s32 $0x11C00;
	s14 =	simm.s32 $0x12400  }
0x22a: {  	[hbm4b:s28+s4] =	stream.indirect_vreg.scatter [tilespmem:s2], [sflag:$0x1], $0x80, v4, vm0, $0xb8;
	[tilespmem:$0x19C00] =	vst v63  }
.LBB2_15:
0x22b: {  	s0 =	sld [smem:$0x7F4];
	_ =	sdelay $0x2  }
0x22c: {  	p2 =	sgt.s32 s0, $0x7  }
.Ltmp18:
0x22d: {  	_ = 	snop;
	(pc) =	sbr.rel @!p2 .LBB2_37-.Ltmp18, $2  }
0x22e: {  	s7 =	sld [smem:$0x7F5];
	_ =	sdelay $0x2  }
0x22f: {  	s5 =	simm.s32 $0x0;
	s1 =	rddreg [dreg:$0x1d];
	s2 =	sshra.s32 s7, $0x3  }
0x230: {  	p3 =	sne.s32 s2, $0x1  }
.Ltmp19:
0x231: {  	_ = 	snop;
	(pc) =	sbr.rel @!p3 .LBB2_17-.Ltmp19, $3  }
0x232: {  	_ =	sdelay $0x1  }
0x233: {  	[smem:$0x7F0] =	sst s2  }
0x234: {  	s0 =	sadd.s32 $0xFFFFFFFF, s2;
	s7 =	sand.u32 $0xFFFFFE00, s5;
	p2 =	por $0x0, $0x0  }
0x235: {  	s6 =	sand.u32 $0x78, s5;
	s7 =	sshra.s32 s7, $0x2  }
0x236: {  	s6 =	sor.u32 s6, s7  }
0x237: {  	v4 =	vld.msk [tilespmem:s6+$0x18C00], $0xff;
	_ =	sdelay $0x4  }
0x238: {  	v5 =	vshll.u32 v4, $0x5  }
0x239: {  	v4 =	vand.u32 $0x7, v4;
	v5 =	vand.u32 $0xFFFFFF00, v5  }
0x23a: {  	v4 =	vor.u32 v4, v5  }
0x23b: {  	v4 =	vperm.xlane v4, v2;
	_ =	sdelay $0x1  }
0x23c: {  	v4 =	vadd.s32 v3, v4;
	_ =	sdelay $0x4  }
0x23d: {  	[hbm4b:s25+s4] =	stream.indirect_vreg.scatter [tilespmem:s15], [sflag:$0x1], $0x80, v4, vm0, $0xb8;
	[tilespmem:$0x19C00] =	vst v63  }
0x23e: {  	s2 =	simm.s32 $0x10C00  }
0x23f: {  	[hbm4b:s9+s4] =	stream.indirect_vreg.scatter [tilespmem:s2], [sflag:$0x1], $0x80, v4, vm0, $0xb8;
	[tilespmem:$0x19C00] =	vst v63  }
0x240: {  	s13 =	simm.s32 $0x11400;
	s19 =	rddreg [dreg:$0x1e]  }
0x241: {  	[hbm4b:s19+s4] =	stream.indirect_vreg.scatter [tilespmem:s13], [sflag:$0x1], $0x80, v4, vm0, $0xb8;
	[tilespmem:$0x19C00] =	vst v63  }
0x242: {  	_ = 	snop  }
0x243: {  	[hbm4b:s20+s4] =	stream.indirect_vreg.scatter [tilespmem:s3], [sflag:$0x1], $0x80, v4, vm0, $0xb8;
	[tilespmem:$0x19C00] =	vst v63  }
0x244: {  	_ = 	snop  }
0x245: {  	[hbm4b:s26+s4] =	stream.indirect_vreg.scatter [tilespmem:s14], [sflag:$0x1], $0x80, v4, vm0, $0xb8;
	[tilespmem:$0x19C00] =	vst v63  }
0x246: {  	_ = 	snop  }
0x247: {  	[hbm4b:s23+s4] =	stream.indirect_vreg.scatter [tilespmem:s16], [sflag:$0x1], $0x80, v4, vm0, $0xb8;
	[tilespmem:$0x19C00] =	vst v63  }
0x248: {  	s22 =	simm.s32 $0x10C00  }
0x249: {  	[hbm4b:s21+s4] =	stream.indirect_vreg.scatter [tilespmem:s18], [sflag:$0x1], $0x80, v4, vm0, $0xb8;
	[tilespmem:$0x19C00] =	vst v63  }
0x24a: {  	s17 =	simm.s32 $0x14C00;
	s24 =	simm.s32 $0x15400;
	s14 =	simm.s32 $0x13C00  }
0x24b: {  	[hbm4b:s29+s4] =	stream.indirect_vreg.scatter [tilespmem:s14], [sflag:$0x1], $0x80, v4, vm0, $0xb8;
	[tilespmem:$0x19C00] =	vst v63  }
0x24c: {  	p3 =	sne.s32 s0, $0x1;
	s0 =	sadd.s32 $0xFFFFFFFF, s0;
	s15 =	simm.s32 $0x14400  }
0x24d: {  	[hbm4b:s30+s4] =	stream.indirect_vreg.scatter [tilespmem:s15], [sflag:$0x1], $0x80, v4, vm0, $0xb8;
	[tilespmem:$0x19C00] =	vst v63  }
0x24e: {  	p2 =	por $0x1, $0x1;
	s12 =	sld [smem:$0x7F8];
	s6 =	sadd.s32 $0x20, s5  }
0x24f: {  	[hbm4b:s31+s4] =	stream.indirect_vreg.scatter [tilespmem:s17], [sflag:$0x1], $0x80, v4, vm0, $0xb8;
	[tilespmem:$0x19C00] =	vst v63  }
0x250: {  	s5 =	sadd.s32 $0x8, s5;
	s7 =	sand.u32 $0xFFFFFE00, s6;
	s2 =	simm.s32 $0x17C00  }
0x251: {  	[hbm4b:s1+s4] =	stream.indirect_vreg.scatter [tilespmem:s24], [sflag:$0x1], $0x80, v4, vm0, $0xb8;
	[tilespmem:$0x19C00] =	vst v63  }
0x252: {  	s13 =	simm.s32 $0x17400;
	s14 =	smov.u32 s9;
	s9 =	simm.s32 $0x15C00  }
0x253: {  	[hbm4b:s8+s4] =	stream.indirect_vreg.scatter [tilespmem:s9], [sflag:$0x1], $0x80, v4, vm0, $0xb8;
	[tilespmem:$0x19C00] =	vst v63  }
.Ltmp20:
0x254: {  	s3 =	simm.s32 $0x10400;
	s24 =	smov.u32 s11;
	(pc) =	sbr.rel @!p3 .LBB2_33-.Ltmp20, $4  }
0x255: {  	s11 =	smov.u32 s28;
	s28 =	smov.u32 s25;
	s25 =	simm.s32 $0x16400  }
0x256: {  	[hbm4b:s10+s4] =	stream.indirect_vreg.scatter [tilespmem:s25], [sflag:$0x1], $0x80, v4, vm0, $0xb8;
	[tilespmem:$0x19C00] =	vst v63  }
0x257: {  	s15 =	smov.u32 s23;
	s23 =	simm.s32 $0x16C00;
	s17 =	smov.u32 s8  }
0x258: {  	[hbm4b:s24+s4] =	stream.indirect_vreg.scatter [tilespmem:s23], [sflag:$0x1], $0x80, v4, vm0, $0xb8;
	[tilespmem:$0x19C00] =	vst v63  }
.LBB2_34:
0x259: {  	[hbm4b:s12+s4] =	stream.indirect_vreg.scatter [tilespmem:s13], [sflag:$0x1], $0x80, v4, vm0, $0xb8;
	[tilespmem:$0x19C00] =	vst v63  }
0x25a: {  	p3 =	sne.s32 s0, $0x1;
	s8 =	sand.u32 $0x78, s5;
	s7 =	sshra.s32 s7, $0x2  }
0x25b: {  	s0 =	sadd.s32 $0xFFFFFFFF, s0;
	s7 =	sor.u32 s8, s7  }
0x25c: {  	[hbm4b:s11+s4] =	stream.indirect_vreg.scatter [tilespmem:s2], [sflag:$0x1], $0x80, v4, vm0, $0xb8;
	[tilespmem:$0x19C00] =	vst v63  }
0x25d: {  	v4 =	vld.msk [tilespmem:s7+$0x18C00], $0xff;
	_ =	sdelay $0x4  }
0x25e: {  	v5 =	vand.u32 $0x7, v4;
	v4 =	vshll.u32 v4, $0x5  }
0x25f: {  	v4 =	vand.u32 $0xFFFFFF00, v4  }
0x260: {  	v4 =	vor.u32 v5, v4  }
0x261: {  	v4 =	vperm.xlane v4, v2;
	_ =	sdelay $0x1  }
0x262: {  	v4 =	vadd.s32 v3, v4;
	_ =	sdelay $0x4  }
0x263: {  	[hbm4b:s28+s4] =	stream.indirect_vreg.scatter [tilespmem:s3], [sflag:$0x1], $0x80, v4, vm0, $0xb8;
	[tilespmem:$0x19C00] =	vst v63  }
0x264: {  	_ = 	snop  }
0x265: {  	[hbm4b:s14+s4] =	stream.indirect_vreg.scatter [tilespmem:s22], [sflag:$0x1], $0x80, v4, vm0, $0xb8;
	[tilespmem:$0x19C00] =	vst v63  }
0x266: {  	s7 =	simm.s32 $0x11400  }
0x267: {  	[hbm4b:s19+s4] =	stream.indirect_vreg.scatter [tilespmem:s7], [sflag:$0x1], $0x80, v4, vm0, $0xb8;
	[tilespmem:$0x19C00] =	vst v63  }
0x268: {  	s7 =	simm.s32 $0x11C00  }
0x269: {  	[hbm4b:s20+s4] =	stream.indirect_vreg.scatter [tilespmem:s7], [sflag:$0x1], $0x80, v4, vm0, $0xb8;
	[tilespmem:$0x19C00] =	vst v63  }
0x26a: {  	s7 =	simm.s32 $0x12400  }
0x26b: {  	[hbm4b:s26+s4] =	stream.indirect_vreg.scatter [tilespmem:s7], [sflag:$0x1], $0x80, v4, vm0, $0xb8;
	[tilespmem:$0x19C00] =	vst v63  }
0x26c: {  	_ = 	snop  }
0x26d: {  	[hbm4b:s15+s4] =	stream.indirect_vreg.scatter [tilespmem:s16], [sflag:$0x1], $0x80, v4, vm0, $0xb8;
	[tilespmem:$0x19C00] =	vst v63  }
0x26e: {  	_ = 	snop  }
0x26f: {  	[hbm4b:s21+s4] =	stream.indirect_vreg.scatter [tilespmem:s18], [sflag:$0x1], $0x80, v4, vm0, $0xb8;
	[tilespmem:$0x19C00] =	vst v63  }
0x270: {  	s7 =	simm.s32 $0x13C00  }
0x271: {  	[hbm4b:s29+s4] =	stream.indirect_vreg.scatter [tilespmem:s7], [sflag:$0x1], $0x80, v4, vm0, $0xb8;
	[tilespmem:$0x19C00] =	vst v63  }
0x272: {  	s7 =	simm.s32 $0x14400  }
0x273: {  	[hbm4b:s30+s4] =	stream.indirect_vreg.scatter [tilespmem:s7], [sflag:$0x1], $0x80, v4, vm0, $0xb8;
	[tilespmem:$0x19C00] =	vst v63  }
0x274: {  	s7 =	simm.s32 $0x14C00  }
0x275: {  	[hbm4b:s31+s4] =	stream.indirect_vreg.scatter [tilespmem:s7], [sflag:$0x1], $0x80, v4, vm0, $0xb8;
	[tilespmem:$0x19C00] =	vst v63  }
0x276: {  	s7 =	simm.s32 $0x15400  }
0x277: {  	[hbm4b:s1+s4] =	stream.indirect_vreg.scatter [tilespmem:s7], [sflag:$0x1], $0x80, v4, vm0, $0xb8;
	[tilespmem:$0x19C00] =	vst v63  }
0x278: {  	_ = 	snop  }
0x279: {  	[hbm4b:s17+s4] =	stream.indirect_vreg.scatter [tilespmem:s9], [sflag:$0x1], $0x80, v4, vm0, $0xb8;
	[tilespmem:$0x19C00] =	vst v63  }
.Ltmp21:
0x27a: {  	(pc) =	sbr.rel @p3 .LBB2_34-.Ltmp21, $4  }
0x27b: {  	[hbm4b:s10+s4] =	stream.indirect_vreg.scatter [tilespmem:s25], [sflag:$0x1], $0x80, v4, vm0, $0xb8;
	[tilespmem:$0x19C00] =	vst v63  }
0x27c: {  	s6 =	sadd.s32 $0x20, s6  }
0x27d: {  	[hbm4b:s24+s4] =	stream.indirect_vreg.scatter [tilespmem:s23], [sflag:$0x1], $0x80, v4, vm0, $0xb8;
	[tilespmem:$0x19C00] =	vst v63  }
0x27e: {  	s5 =	sadd.s32 $0x8, s5;
	s7 =	sand.u32 $0xFFFFFE00, s6  }
0x27f: {  	s13 =	simm.s32 $0x1  }
0x280: {  	s9 =	smov.u32 s14;
	s23 =	smov.u32 s15;
	s25 =	smov.u32 s28  }
0x281: {  	s8 =	smov.u32 s17;
	s6 =	smov.u32 s10;
	s12 =	simm.s32 $0x17400  }
0x282: {  	s28 =	smov.u32 s11;
	s11 =	smov.u32 s24;
	s10 =	simm.s32 $0x10C00  }
0x283: {  	s19 =	simm.s32 $0x8C00;
	s24 =	simm.s32 $0xE400;
	s15 =	simm.s32 $0x10400  }
0x284: {  	s17 =	simm.s32 $0x9C00;
	s3 =	simm.s32 $0x11C00;
	s22 =	sld [smem:$0x7F1]  }
.LBB2_36:
0x285: {  	_ = 	snop  }
0x286: {  	s14 =	sld [smem:$0x7F8];
	_ =	sdelay $0x1  }
0x287: {  	s0 =	sand.u32 $0x78, s5;
	s2 =	sshra.s32 s7, $0x2  }
0x288: {  	[hbm4b:s14+s4] =	stream.indirect_vreg.scatter @p2 [tilespmem:s12], [sflag:$0x1], $0x80, v4, vm0, $0xb8;
	[tilespmem:$0x19C00] =	vst v63  }
0x289: {  	s0 =	sor.u32 s0, s2;
	s2 =	simm.s32 $0x17C00  }
0x28a: {  	[hbm4b:s28+s4] =	stream.indirect_vreg.scatter @p2 [tilespmem:s2], [sflag:$0x1], $0x80, v4, vm0, $0xb8;
	[tilespmem:$0x19C00] =	vst v63  }
0x28b: {  	v4 =	vld.msk [tilespmem:s0+$0x18C00], $0xff;
	_ =	sdelay $0x4  }
0x28c: {  	v5 =	vshll.u32 v4, $0x5  }
0x28d: {  	v4 =	vand.u32 $0x7, v4;
	v5 =	vand.u32 $0xFFFFFF00, v5  }
0x28e: {  	v4 =	vor.u32 v4, v5  }
0x28f: {  	v4 =	vperm.xlane v4, v2;
	_ =	sdelay $0x1  }
0x290: {  	v4 =	vadd.s32 v3, v4;
	_ =	sdelay $0x4  }
0x291: {  	[hbm4b:s25+s4] =	stream.indirect_vreg.scatter [tilespmem:s15], [sflag:$0x1], $0x80, v4, vm0, $0xb8;
	[tilespmem:$0x19C00] =	vst v63  }
0x292: {  	_ = 	snop  }
0x293: {  	[hbm4b:s9+s4] =	stream.indirect_vreg.scatter [tilespmem:s10], [sflag:$0x1], $0x80, v4, vm0, $0xb8;
	[tilespmem:$0x19C00] =	vst v63  }
0x294: {  	s5 =	rddreg [dreg:$0x1e];
	s7 =	simm.s32 $0x11400  }
0x295: {  	[hbm4b:s5+s4] =	stream.indirect_vreg.scatter [tilespmem:s7], [sflag:$0x1], $0x80, v4, vm0, $0xb8;
	[tilespmem:$0x19C00] =	vst v63  }
0x296: {  	_ = 	snop  }
0x297: {  	[hbm4b:s20+s4] =	stream.indirect_vreg.scatter [tilespmem:s3], [sflag:$0x1], $0x80, v4, vm0, $0xb8;
	[tilespmem:$0x19C00] =	vst v63  }
0x298: {  	s10 =	simm.s32 $0x12400  }
0x299: {  	[hbm4b:s26+s4] =	stream.indirect_vreg.scatter [tilespmem:s10], [sflag:$0x1], $0x80, v4, vm0, $0xb8;
	[tilespmem:$0x19C00] =	vst v63  }
0x29a: {  	_ = 	snop  }
0x29b: {  	[hbm4b:s23+s4] =	stream.indirect_vreg.scatter [tilespmem:s16], [sflag:$0x1], $0x80, v4, vm0, $0xb8;
	[tilespmem:$0x19C00] =	vst v63  }
0x29c: {  	_ = 	snop  }
0x29d: {  	[hbm4b:s21+s4] =	stream.indirect_vreg.scatter [tilespmem:s18], [sflag:$0x1], $0x80, v4, vm0, $0xb8;
	[tilespmem:$0x19C00] =	vst v63  }
0x29e: {  	s18 =	simm.s32 $0x13C00  }
0x29f: {  	[hbm4b:s29+s4] =	stream.indirect_vreg.scatter [tilespmem:s18], [sflag:$0x1], $0x80, v4, vm0, $0xb8;
	[tilespmem:$0x19C00] =	vst v63  }
0x2a0: {  	s3 =	simm.s32 $0x14400  }
0x2a1: {  	[hbm4b:s30+s4] =	stream.indirect_vreg.scatter [tilespmem:s3], [sflag:$0x1], $0x80, v4, vm0, $0xb8;
	[tilespmem:$0x19C00] =	vst v63  }
0x2a2: {  	s5 =	simm.s32 $0x14C00  }
0x2a3: {  	[hbm4b:s31+s4] =	stream.indirect_vreg.scatter [tilespmem:s5], [sflag:$0x1], $0x80, v4, vm0, $0xb8;
	[tilespmem:$0x19C00] =	vst v63  }
0x2a4: {  	s7 =	simm.s32 $0x15400  }
0x2a5: {  	[hbm4b:s1+s4] =	stream.indirect_vreg.scatter [tilespmem:s7], [sflag:$0x1], $0x80, v4, vm0, $0xb8;
	[tilespmem:$0x19C00] =	vst v63  }
0x2a6: {  	s10 =	simm.s32 $0x15C00  }
0x2a7: {  	[hbm4b:s8+s4] =	stream.indirect_vreg.scatter [tilespmem:s10], [sflag:$0x1], $0x80, v4, vm0, $0xb8;
	[tilespmem:$0x19C00] =	vst v63  }
0x2a8: {  	s16 =	simm.s32 $0x16400  }
0x2a9: {  	[hbm4b:s6+s4] =	stream.indirect_vreg.scatter [tilespmem:s16], [sflag:$0x1], $0x80, v4, vm0, $0xb8;
	[tilespmem:$0x19C00] =	vst v63  }
0x2aa: {  	s18 =	simm.s32 $0x16C00  }
0x2ab: {  	[hbm4b:s11+s4] =	stream.indirect_vreg.scatter [tilespmem:s18], [sflag:$0x1], $0x80, v4, vm0, $0xb8;
	[tilespmem:$0x19C00] =	vst v63  }
0x2ac: {  	_ = 	snop  }
0x2ad: {  	[hbm4b:s14+s4] =	stream.indirect_vreg.scatter [tilespmem:s12], [sflag:$0x1], $0x80, v4, vm0, $0xb8;
	[tilespmem:$0x19C00] =	vst v63  }
0x2ae: {  	_ = 	snop  }
0x2af: {  	[hbm4b:s28+s4] =	stream.indirect_vreg.scatter [tilespmem:s2], [sflag:$0x1], $0x80, v4, vm0, $0xb8;
	[tilespmem:$0x19C00] =	vst v63  }
0x2b0: {  	s10 =	smov.u32 s6;
	s2 =	sld [smem:$0x7F0]  }
.LBB2_37:
0x2b1: {  	s0 =	sld [smem:$0x7F6];
	_ =	sdelay $0x2  }
0x2b2: {  	s0 =	sadd.s32 s0, s22  }
0x2b3: {  	s0 =	sadd.s32 s2, s0  }
0x2b4: {  	p2 =	slt.s32 s0, $0x1  }
.Ltmp22:
0x2b5: {  	_ = 	snop;
	(pc) =	sbr.rel @p2 .LBB2_41-.Ltmp22, $2  }
0x2b6: {  	_ =	sdelay $0x2  }
0x2b7: {  	s16 =	simm.s32 $0x400;
	s12 =	simm.s32 $0xCC00  }
0x2b8: {  	p2 =	sne.s32 s0, $0x1  }
.Ltmp23:
0x2b9: {  	_ = 	snop;
	(pc) =	sbr.rel @!p2 .LBB2_40-.Ltmp23, $3  }
0x2ba: {  	_ =	sdelay $0x1  }
0x2bb: {  	_ =	swait.ge [sflag:s13], $0x8000  }
0x2bc: {  	s0 =	sadd.s32 $0xFFFFFFFF, s0;
	[sflag:s13] =	ssyncset.done $0x0  }
.LBB2_39:
0x2bd: {  	p2 =	sne.s32 s0, $0x1;
	s0 =	sadd.s32 $0xFFFFFFFF, s0;
	[sflag:s13] =	ssyncadd.s32 $0xFFFF8000  }
.Ltmp24:
0x2be: {  	(pc) =	sbr.rel @p2 .LBB2_39-.Ltmp24, $3  }
0x2bf: {  	_ =	sdelay $0x1  }
0x2c0: {  	_ =	swait.ge [sflag:s13], $0x8000  }
0x2c1: {  	[sflag:s13] =	ssyncset.done $0x0  }
.LBB2_40:
0x2c2: {  	[sflag:s13] =	ssyncadd.s32 $0xFFFF8000  }
.LBB2_41:
0x2c3: {  	s2 =	simm.s32 $0x0;
	s0 =	rddreg [dreg:$0x9]  }
0x2c4: {  	[tilespmem:s16], [sflag:$0x2] =	stream.linear.gather [hbm4b:s0+s2], $0x8000, $0x38;
	[tilespmem:$0x19C00] =	vst v63  }
0x2c5: {  	s3 =	rddreg [dreg:$0xa];
	s5 =	simm.s32 $0x8400  }
0x2c6: {  	[tilespmem:s5], [sflag:$0x2] =	stream.linear.gather [hbm4b:s3+s2], $0x8000, $0x38;
	[tilespmem:$0x19C00] =	vst v63  }
0x2c7: {  	s6 =	rddreg [dreg:$0xb];
	s13 =	simm.s32 $0x2  }
0x2c8: {  	[tilespmem:s15], [sflag:$0x2] =	stream.linear.gather [hbm4b:s6+s2], $0x8000, $0x38;
	[tilespmem:$0x19C00] =	vst v63  }
0x2c9: {  	_ =	swait.ge [sflag:s13], $0x8000  }
0x2ca: {  	[sflag:s13] =	ssyncset.done $0x0  }
0x2cb: {  	[sflag:s13] =	ssyncadd.s32 $0xFFFF8000  }
0x2cc: {  	_ =	swait.ge [sflag:s13], $0x8000  }
0x2cd: {  	[sflag:s13] =	ssyncset.done $0x0  }
0x2ce: {  	[sflag:s13] =	ssyncadd.s32 $0xFFFF8000  }
0x2cf: {  	_ =	swait.ge [sflag:s13], $0x8000  }
0x2d0: {  	s14 =	rddreg [dreg:$0x1b]  }
0x2d1: {  	p2 =	sgt.s32 s14, $0x7  }
.Ltmp25:
0x2d2: {  	_ = 	snop;
	(pc) =	sbr.rel @!p2 .LBB2_42-.Ltmp25, $4  }
0x2d3: {  	_ = 	snop  }
0x2d4: {  	s22 =	simm.s32 $0x9400;
	[sflag:s13] =	ssyncset.done $0x0;
	s18 =	rddreg [dreg:$0x1c]  }
0x2d5: {  	s7 =	smov.u32 s1;
	s1 =	sshra.s32 s18, $0x3;
	[sflag:s13] =	ssyncadd.s32 $0xFFFF8000  }
0x2d6: {  	s13 =	simm.s32 $0xF400;
	[smem:$0x7EF] =	sst s1;
	s1 =	simm.s32 $0x6400  }
0x2d7: {  	s0 =	sld [smem:$0x7EF];
	_ =	sdelay $0x2  }
0x2d8: {  	p3 =	seq.s32 s0, $0x1  }
.Ltmp26:
0x2d9: {  	_ = 	snop;
	(pc) =	sbr.rel @p3 .LBB2_47-.Ltmp26, $2  }
0x2da: {  	_ =	sdelay $0x2  }
0x2db: {  	s6 =	sand.u32 $0xFFFFFE00, s2;
	p2 =	por $0x0, $0x0;
	s0 =	sadd.s32 $0xFFFFFFFF, s0  }
0x2dc: {  	s5 =	sand.u32 $0x78, s2;
	s6 =	sshra.s32 s6, $0x2  }
0x2dd: {  	s5 =	sor.u32 s5, s6  }
0x2de: {  	v4 =	vld.msk [tilespmem:s5+$0x19000], $0xff;
	_ =	sdelay $0x4  }
0x2df: {  	v5 =	vshll.u32 v4, $0x5  }
0x2e0: {  	v4 =	vand.u32 $0x7, v4;
	v5 =	vand.u32 $0xFFFFFF00, v5  }
0x2e1: {  	v4 =	vor.u32 v4, v5  }
0x2e2: {  	v4 =	vperm.xlane v4, v2;
	_ =	sdelay $0x1  }
0x2e3: {  	v4 =	vadd.s32 v3, v4;
	_ =	sdelay $0x3  }
0x2e4: {  	s1 =	simm.s32 $0x1400  }
0x2e5: {  	[hbm4b:s25+s4] =	stream.indirect_vreg.scatter [tilespmem:s16], [sflag:$0x1], $0x80, v4, vm0, $0xb8;
	[tilespmem:$0x19C00] =	vst v63  }
0x2e6: {  	s15 =	rddreg [dreg:$0x1e];
	s19 =	simm.s32 $0x1C00;
	s16 =	simm.s32 $0xC00  }
0x2e7: {  	[hbm4b:s9+s4] =	stream.indirect_vreg.scatter [tilespmem:s16], [sflag:$0x1], $0x80, v4, vm0, $0xb8;
	[tilespmem:$0x19C00] =	vst v63  }
0x2e8: {  	s22 =	simm.s32 $0x2C00;
	s3 =	simm.s32 $0x2400;
	s18 =	simm.s32 $0x4400  }
0x2e9: {  	[hbm4b:s15+s4] =	stream.indirect_vreg.scatter [tilespmem:s1], [sflag:$0x1], $0x80, v4, vm0, $0xb8;
	[tilespmem:$0x19C00] =	vst v63  }
0x2ea: {  	s17 =	simm.s32 $0x3C00;
	s12 =	simm.s32 $0x4C00;
	s24 =	smov.u32 s11  }
0x2eb: {  	[hbm4b:s20+s4] =	stream.indirect_vreg.scatter [tilespmem:s19], [sflag:$0x1], $0x80, v4, vm0, $0xb8;
	[tilespmem:$0x19C00] =	vst v63  }
0x2ec: {  	s14 =	smov.u32 s23;
	s6 =	smov.u32 s28;
	s1 =	smov.u32 s25  }
0x2ed: {  	[hbm4b:s26+s4] =	stream.indirect_vreg.scatter [tilespmem:s3], [sflag:$0x1], $0x80, v4, vm0, $0xb8;
	[tilespmem:$0x19C00] =	vst v63  }
0x2ee: {  	s3 =	smov.u32 s10;
	s10 =	smov.u32 s15;
	s15 =	smov.u32 s21  }
0x2ef: {  	[hbm4b:s23+s4] =	stream.indirect_vreg.scatter [tilespmem:s22], [sflag:$0x1], $0x80, v4, vm0, $0xb8;
	[tilespmem:$0x19C00] =	vst v63  }
0x2f0: {  	s23 =	smov.u32 s1;
	s1 =	smov.u32 s6;
	s6 =	simm.s32 $0x3400  }
0x2f1: {  	[hbm4b:s15+s4] =	stream.indirect_vreg.scatter [tilespmem:s6], [sflag:$0x1], $0x80, v4, vm0, $0xb8;
	[tilespmem:$0x19C00] =	vst v63  }
0x2f2: {  	s11 =	smov.u32 s20;
	s13 =	smov.u32 s26;
	s19 =	smov.u32 s29  }
0x2f3: {  	[hbm4b:s19+s4] =	stream.indirect_vreg.scatter [tilespmem:s17], [sflag:$0x1], $0x80, v4, vm0, $0xb8;
	[tilespmem:$0x19C00] =	vst v63  }
0x2f4: {  	p3 =	seq.s32 s0, $0x1;
	s0 =	sadd.s32 $0xFFFFFFFF, s0;
	s20 =	smov.u32 s30  }
0x2f5: {  	[hbm4b:s20+s4] =	stream.indirect_vreg.scatter [tilespmem:s18], [sflag:$0x1], $0x80, v4, vm0, $0xb8;
	[tilespmem:$0x19C00] =	vst v63  }
0x2f6: {  	p2 =	por $0x1, $0x1;
	s28 =	smov.u32 s8;
	s21 =	smov.u32 s31  }
0x2f7: {  	[hbm4b:s21+s4] =	stream.indirect_vreg.scatter [tilespmem:s12], [sflag:$0x1], $0x80, v4, vm0, $0xb8;
	[tilespmem:$0x19C00] =	vst v63  }
0x2f8: {  	s8 =	simm.s32 $0x6400;
	s5 =	sadd.s32 $0x20, s2;
	s25 =	simm.s32 $0x5400  }
0x2f9: {  	[hbm4b:s7+s4] =	stream.indirect_vreg.scatter [tilespmem:s25], [sflag:$0x1], $0x80, v4, vm0, $0xb8;
	[tilespmem:$0x19C00] =	vst v63  }
0x2fa: {  	s2 =	sadd.s32 $0x8, s2;
	s29 =	smov.u32 s3;
	s3 =	simm.s32 $0x5C00  }
0x2fb: {  	[hbm4b:s28+s4] =	stream.indirect_vreg.scatter [tilespmem:s3], [sflag:$0x1], $0x80, v4, vm0, $0xb8;
	[tilespmem:$0x19C00] =	vst v63  }
.Ltmp27:
0x2fc: {  	s30 =	smov.u32 s24;
	s24 =	simm.s32 $0x6C00;
	(pc) =	sbr.rel @p3 .LBB2_49-.Ltmp27, $4  }
0x2fd: {  	s26 =	smov.u32 s7;
	s31 =	sld [smem:$0x7F8];
	s22 =	simm.s32 $0x400  }
0x2fe: {  	[hbm4b:s29+s4] =	stream.indirect_vreg.scatter [tilespmem:s8], [sflag:$0x1], $0x80, v4, vm0, $0xb8;
	[tilespmem:$0x19C00] =	vst v63  }
0x2ff: {  	s6 =	sand.u32 $0xFFFFFE00, s5;
	s17 =	simm.s32 $0x7C00;
	s18 =	simm.s32 $0x7400  }
0x300: {  	[hbm4b:s30+s4] =	stream.indirect_vreg.scatter [tilespmem:s24], [sflag:$0x1], $0x80, v4, vm0, $0xb8;
	[tilespmem:$0x19C00] =	vst v63  }
.LBB2_50:
0x301: {  	[hbm4b:s31+s4] =	stream.indirect_vreg.scatter [tilespmem:s18], [sflag:$0x1], $0x80, v4, vm0, $0xb8;
	[tilespmem:$0x19C00] =	vst v63  }
0x302: {  	p3 =	seq.s32 s0, $0x1;
	s7 =	sand.u32 $0x78, s2;
	s6 =	sshra.s32 s6, $0x2  }
0x303: {  	s0 =	sadd.s32 $0xFFFFFFFF, s0;
	s6 =	sor.u32 s7, s6  }
0x304: {  	[hbm4b:s1+s4] =	stream.indirect_vreg.scatter [tilespmem:s17], [sflag:$0x1], $0x80, v4, vm0, $0xb8;
	[tilespmem:$0x19C00] =	vst v63  }
0x305: {  	v4 =	vld.msk [tilespmem:s6+$0x19000], $0xff;
	_ =	sdelay $0x4  }
0x306: {  	v5 =	vand.u32 $0x7, v4;
	v4 =	vshll.u32 v4, $0x5  }
0x307: {  	v4 =	vand.u32 $0xFFFFFF00, v4  }
0x308: {  	v4 =	vor.u32 v5, v4  }
0x309: {  	v4 =	vperm.xlane v4, v2;
	_ =	sdelay $0x1  }
0x30a: {  	v4 =	vadd.s32 v3, v4;
	_ =	sdelay $0x4  }
0x30b: {  	[hbm4b:s23+s4] =	stream.indirect_vreg.scatter [tilespmem:s22], [sflag:$0x1], $0x80, v4, vm0, $0xb8;
	[tilespmem:$0x19C00] =	vst v63  }
0x30c: {  	_ = 	snop  }
0x30d: {  	[hbm4b:s9+s4] =	stream.indirect_vreg.scatter [tilespmem:s16], [sflag:$0x1], $0x80, v4, vm0, $0xb8;
	[tilespmem:$0x19C00] =	vst v63  }
0x30e: {  	s6 =	simm.s32 $0x1400  }
0x30f: {  	[hbm4b:s10+s4] =	stream.indirect_vreg.scatter [tilespmem:s6], [sflag:$0x1], $0x80, v4, vm0, $0xb8;
	[tilespmem:$0x19C00] =	vst v63  }
0x310: {  	s6 =	simm.s32 $0x1C00  }
0x311: {  	[hbm4b:s11+s4] =	stream.indirect_vreg.scatter [tilespmem:s6], [sflag:$0x1], $0x80, v4, vm0, $0xb8;
	[tilespmem:$0x19C00] =	vst v63  }
0x312: {  	s6 =	simm.s32 $0x2400  }
0x313: {  	[hbm4b:s13+s4] =	stream.indirect_vreg.scatter [tilespmem:s6], [sflag:$0x1], $0x80, v4, vm0, $0xb8;
	[tilespmem:$0x19C00] =	vst v63  }
0x314: {  	s6 =	simm.s32 $0x2C00  }
0x315: {  	[hbm4b:s14+s4] =	stream.indirect_vreg.scatter [tilespmem:s6], [sflag:$0x1], $0x80, v4, vm0, $0xb8;
	[tilespmem:$0x19C00] =	vst v63  }
0x316: {  	s6 =	simm.s32 $0x3400  }
0x317: {  	[hbm4b:s15+s4] =	stream.indirect_vreg.scatter [tilespmem:s6], [sflag:$0x1], $0x80, v4, vm0, $0xb8;
	[tilespmem:$0x19C00] =	vst v63  }
0x318: {  	s6 =	simm.s32 $0x3C00  }
0x319: {  	[hbm4b:s19+s4] =	stream.indirect_vreg.scatter [tilespmem:s6], [sflag:$0x1], $0x80, v4, vm0, $0xb8;
	[tilespmem:$0x19C00] =	vst v63  }
0x31a: {  	s6 =	simm.s32 $0x4400  }
0x31b: {  	[hbm4b:s20+s4] =	stream.indirect_vreg.scatter [tilespmem:s6], [sflag:$0x1], $0x80, v4, vm0, $0xb8;
	[tilespmem:$0x19C00] =	vst v63  }
0x31c: {  	_ = 	snop  }
0x31d: {  	[hbm4b:s21+s4] =	stream.indirect_vreg.scatter [tilespmem:s12], [sflag:$0x1], $0x80, v4, vm0, $0xb8;
	[tilespmem:$0x19C00] =	vst v63  }
0x31e: {  	_ = 	snop  }
0x31f: {  	[hbm4b:s26+s4] =	stream.indirect_vreg.scatter [tilespmem:s25], [sflag:$0x1], $0x80, v4, vm0, $0xb8;
	[tilespmem:$0x19C00] =	vst v63  }
0x320: {  	_ = 	snop  }
0x321: {  	[hbm4b:s28+s4] =	stream.indirect_vreg.scatter [tilespmem:s3], [sflag:$0x1], $0x80, v4, vm0, $0xb8;
	[tilespmem:$0x19C00] =	vst v63  }
.Ltmp28:
0x322: {  	(pc) =	sbr.rel @!p3 .LBB2_50-.Ltmp28, $4  }
0x323: {  	[hbm4b:s29+s4] =	stream.indirect_vreg.scatter [tilespmem:s8], [sflag:$0x1], $0x80, v4, vm0, $0xb8;
	[tilespmem:$0x19C00] =	vst v63  }
0x324: {  	s5 =	sadd.s32 $0x20, s5  }
0x325: {  	[hbm4b:s30+s4] =	stream.indirect_vreg.scatter [tilespmem:s24], [sflag:$0x1], $0x80, v4, vm0, $0xb8;
	[tilespmem:$0x19C00] =	vst v63  }
0x326: {  	s2 =	sadd.s32 $0x8, s2;
	s6 =	sand.u32 $0xFFFFFE00, s5  }
0x327: {  	s18 =	simm.s32 $0x2C00  }
0x328: {  	s12 =	simm.s32 $0x4400;
	s16 =	smov.u32 s9;
	s9 =	smov.u32 s14  }
0x329: {  	s0 =	smov.u32 s19;
	s19 =	smov.u32 s10;
	s5 =	smov.u32 s20  }
0x32a: {  	s10 =	smov.u32 s11;
	s7 =	smov.u32 s21;
	s21 =	smov.u32 s15  }
0x32b: {  	s3 =	smov.u32 s26;
	s26 =	smov.u32 s13;
	s8 =	smov.u32 s28  }
0x32c: {  	s20 =	smov.u32 s30;
	s14 =	smov.u32 s31;
	s28 =	smov.u32 s1  }
0x32d: {  	s1 =	simm.s32 $0x6400;
	s24 =	simm.s32 $0x6C00;
	s22 =	simm.s32 $0x9400  }
0x32e: {  	s17 =	simm.s32 $0x9C00;
	s13 =	simm.s32 $0xF400;
	s25 =	smov.u32 s23  }
0x32f: {  	s15 =	simm.s32 $0x10400;
	s11 =	smov.u32 s0;
	s30 =	smov.u32 s5  }
0x330: {  	s31 =	smov.u32 s7;
	s7 =	simm.s32 $0x3C00;
	s5 =	smov.u32 s3  }
0x331: {  	s23 =	smov.u32 s9;
	s9 =	smov.u32 s16;
	s16 =	simm.s32 $0x400  }
.LBB2_52:
0x332: {  	_ =	sdelay $0x2  }
0x333: {  	s3 =	simm.s32 $0x7400;
	s0 =	sand.u32 $0x78, s2;
	s6 =	sshra.s32 s6, $0x2  }
0x334: {  	[hbm4b:s14+s4] =	stream.indirect_vreg.scatter @p2 [tilespmem:s3], [sflag:$0x1], $0x80, v4, vm0, $0xb8;
	[tilespmem:$0x19C00] =	vst v63  }
0x335: {  	s2 =	simm.s32 $0x7C00;
	s0 =	sor.u32 s0, s6  }
0x336: {  	[hbm4b:s28+s4] =	stream.indirect_vreg.scatter @p2 [tilespmem:s2], [sflag:$0x1], $0x80, v4, vm0, $0xb8;
	[tilespmem:$0x19C00] =	vst v63  }
0x337: {  	v4 =	vld.msk [tilespmem:s0+$0x19000], $0xff;
	_ =	sdelay $0x4  }
0x338: {  	v5 =	vshll.u32 v4, $0x5  }
0x339: {  	v4 =	vand.u32 $0x7, v4;
	v5 =	vand.u32 $0xFFFFFF00, v5  }
0x33a: {  	v4 =	vor.u32 v4, v5  }
0x33b: {  	v4 =	vperm.xlane v4, v2;
	_ =	sdelay $0x1  }
0x33c: {  	v4 =	vadd.s32 v3, v4;
	_ =	sdelay $0x4  }
0x33d: {  	[hbm4b:s25+s4] =	stream.indirect_vreg.scatter [tilespmem:s16], [sflag:$0x1], $0x80, v4, vm0, $0xb8;
	[tilespmem:$0x19C00] =	vst v63  }
0x33e: {  	s25 =	simm.s32 $0xC00  }
0x33f: {  	[hbm4b:s9+s4] =	stream.indirect_vreg.scatter [tilespmem:s25], [sflag:$0x1], $0x80, v4, vm0, $0xb8;
	[tilespmem:$0x19C00] =	vst v63  }
0x340: {  	s2 =	simm.s32 $0x1400  }
0x341: {  	[hbm4b:s19+s4] =	stream.indirect_vreg.scatter [tilespmem:s2], [sflag:$0x1], $0x80, v4, vm0, $0xb8;
	[tilespmem:$0x19C00] =	vst v63  }
0x342: {  	s6 =	simm.s32 $0x1C00  }
0x343: {  	[hbm4b:s10+s4] =	stream.indirect_vreg.scatter [tilespmem:s6], [sflag:$0x1], $0x80, v4, vm0, $0xb8;
	[tilespmem:$0x19C00] =	vst v63  }
0x344: {  	s16 =	simm.s32 $0x2400  }
0x345: {  	[hbm4b:s26+s4] =	stream.indirect_vreg.scatter [tilespmem:s16], [sflag:$0x1], $0x80, v4, vm0, $0xb8;
	[tilespmem:$0x19C00] =	vst v63  }
0x346: {  	_ = 	snop  }
0x347: {  	[hbm4b:s23+s4] =	stream.indirect_vreg.scatter [tilespmem:s18], [sflag:$0x1], $0x80, v4, vm0, $0xb8;
	[tilespmem:$0x19C00] =	vst v63  }
0x348: {  	s19 =	simm.s32 $0x3400  }
0x349: {  	[hbm4b:s21+s4] =	stream.indirect_vreg.scatter [tilespmem:s19], [sflag:$0x1], $0x80, v4, vm0, $0xb8;
	[tilespmem:$0x19C00] =	vst v63  }
0x34a: {  	_ = 	snop  }
0x34b: {  	[hbm4b:s11+s4] =	stream.indirect_vreg.scatter [tilespmem:s7], [sflag:$0x1], $0x80, v4, vm0, $0xb8;
	[tilespmem:$0x19C00] =	vst v63  }
0x34c: {  	_ = 	snop  }
0x34d: {  	[hbm4b:s30+s4] =	stream.indirect_vreg.scatter [tilespmem:s12], [sflag:$0x1], $0x80, v4, vm0, $0xb8;
	[tilespmem:$0x19C00] =	vst v63  }
0x34e: {  	s25 =	simm.s32 $0x4C00  }
0x34f: {  	[hbm4b:s31+s4] =	stream.indirect_vreg.scatter [tilespmem:s25], [sflag:$0x1], $0x80, v4, vm0, $0xb8;
	[tilespmem:$0x19C00] =	vst v63  }
0x350: {  	s26 =	simm.s32 $0x5400  }
0x351: {  	[hbm4b:s5+s4] =	stream.indirect_vreg.scatter [tilespmem:s26], [sflag:$0x1], $0x80, v4, vm0, $0xb8;
	[tilespmem:$0x19C00] =	vst v63  }
0x352: {  	s30 =	simm.s32 $0x5C00  }
0x353: {  	[hbm4b:s8+s4] =	stream.indirect_vreg.scatter [tilespmem:s30], [sflag:$0x1], $0x80, v4, vm0, $0xb8;
	[tilespmem:$0x19C00] =	vst v63  }
0x354: {  	_ = 	snop  }
0x355: {  	[hbm4b:s29+s4] =	stream.indirect_vreg.scatter [tilespmem:s1], [sflag:$0x1], $0x80, v4, vm0, $0xb8;
	[tilespmem:$0x19C00] =	vst v63  }
0x356: {  	s10 =	smov.u32 s29  }
0x357: {  	[hbm4b:s20+s4] =	stream.indirect_vreg.scatter [tilespmem:s24], [sflag:$0x1], $0x80, v4, vm0, $0xb8;
	[tilespmem:$0x19C00] =	vst v63  }
0x358: {  	s19 =	simm.s32 $0x8C00;
	s7 =	smov.u32 s5;
	s11 =	smov.u32 s20  }
0x359: {  	[hbm4b:s14+s4] =	stream.indirect_vreg.scatter [tilespmem:s3], [sflag:$0x1], $0x80, v4, vm0, $0xb8;
	[tilespmem:$0x19C00] =	vst v63  }
0x35a: {  	s12 =	simm.s32 $0xCC00;
	s31 =	simm.s32 $0x7C00;
	s24 =	simm.s32 $0xE400  }
0x35b: {  	[hbm4b:s28+s4] =	stream.indirect_vreg.scatter [tilespmem:s31], [sflag:$0x1], $0x80, v4, vm0, $0xb8;
	[tilespmem:$0x19C00] =	vst v63  }
.LBB2_42:
0x35c: {  	s0 =	rddreg [dreg:$0x19]  }
0x35d: {  	p2 =	sgt.s32 s0, $0x7  }
.Ltmp29:
0x35e: {  	_ = 	snop;
	(pc) =	sbr.rel @!p2 .LBB2_43-.Ltmp29, $4  }
0x35f: {  	_ = 	snop  }
0x360: {  	s31 =	rddreg [dreg:$0x1a];
	s2 =	simm.s32 $0x0;
	s30 =	simm.s32 $0xAC00  }
0x361: {  	s29 =	simm.s32 $0xB400;
	s16 =	simm.s32 $0xC400;
	s25 =	sshra.s32 s31, $0x3  }
0x362: {  	s21 =	smov.u32 s7;
	s7 =	simm.s32 $0x8400;
	[smem:$0x7EE] =	sst s25  }
0x363: {  	p3 =	seq.s32 s25, $0x1  }
.Ltmp30:
0x364: {  	_ = 	snop;
	(pc) =	sbr.rel @p3 .LBB2_54-.Ltmp30, $2  }
0x365: {  	_ =	sdelay $0x2  }
0x366: {  	s0 =	sadd.s32 $0xFFFFFFFF, s25;
	s6 =	sand.u32 $0xFFFFFE00, s2;
	p2 =	por $0x0, $0x0  }
0x367: {  	s5 =	sand.u32 $0x78, s2;
	s6 =	sshra.s32 s6, $0x2  }
0x368: {  	s5 =	sor.u32 s5, s6  }
0x369: {  	v4 =	vld.msk [tilespmem:s5+$0x19400], $0xff;
	_ =	sdelay $0x4  }
0x36a: {  	v5 =	vshll.u32 v4, $0x5  }
0x36b: {  	v4 =	vand.u32 $0x7, v4;
	v5 =	vand.u32 $0xFFFFFF00, v5  }
0x36c: {  	v4 =	vor.u32 v4, v5  }
0x36d: {  	v4 =	vperm.xlane v4, v2;
	_ =	sdelay $0x1  }
0x36e: {  	v4 =	vadd.s32 v3, v4;
	_ =	sdelay $0x3  }
0x36f: {  	s25 =	rddreg [dreg:$0x2]  }
0x370: {  	[hbm4b:s25+s4] =	stream.indirect_vreg.scatter [tilespmem:s7], [sflag:$0x1], $0x80, v4, vm0, $0xb8;
	[tilespmem:$0x19C00] =	vst v63  }
0x371: {  	s1 =	simm.s32 $0x8C00;
	s19 =	rddreg [dreg:$0x1e]  }
0x372: {  	[hbm4b:s9+s4] =	stream.indirect_vreg.scatter [tilespmem:s1], [sflag:$0x1], $0x80, v4, vm0, $0xb8;
	[tilespmem:$0x19C00] =	vst v63  }
0x373: {  	s17 =	simm.s32 $0x9400;
	s20 =	rddreg [dreg:$0x1f]  }
0x374: {  	[hbm4b:s19+s4] =	stream.indirect_vreg.scatter [tilespmem:s17], [sflag:$0x1], $0x80, v4, vm0, $0xb8;
	[tilespmem:$0x19C00] =	vst v63  }
0x375: {  	s18 =	simm.s32 $0x9C00;
	s26 =	sld [smem:$0x7F9]  }
0x376: {  	[hbm4b:s20+s4] =	stream.indirect_vreg.scatter [tilespmem:s18], [sflag:$0x1], $0x80, v4, vm0, $0xb8;
	[tilespmem:$0x19C00] =	vst v63  }
0x377: {  	s3 =	simm.s32 $0xA400  }
0x378: {  	[hbm4b:s26+s4] =	stream.indirect_vreg.scatter [tilespmem:s3], [sflag:$0x1], $0x80, v4, vm0, $0xb8;
	[tilespmem:$0x19C00] =	vst v63  }
0x379: {  	s1 =	smov.u32 s21;
	s21 =	sld [smem:$0x7F7]  }
0x37a: {  	[hbm4b:s23+s4] =	stream.indirect_vreg.scatter [tilespmem:s30], [sflag:$0x1], $0x80, v4, vm0, $0xb8;
	[tilespmem:$0x19C00] =	vst v63  }
0x37b: {  	_ = 	snop  }
0x37c: {  	[hbm4b:s21+s4] =	stream.indirect_vreg.scatter [tilespmem:s29], [sflag:$0x1], $0x80, v4, vm0, $0xb8;
	[tilespmem:$0x19C00] =	vst v63  }
0x37d: {  	s29 =	sld [smem:$0x7FA];
	_ =	sdelay $0x1  }
0x37e: {  	s22 =	simm.s32 $0xBC00;
	s30 =	sld [smem:$0x7FB]  }
0x37f: {  	[hbm4b:s29+s4] =	stream.indirect_vreg.scatter [tilespmem:s22], [sflag:$0x1], $0x80, v4, vm0, $0xb8;
	[tilespmem:$0x19C00] =	vst v63  }
0x380: {  	s31 =	sld [smem:$0x7FC]  }
0x381: {  	[hbm4b:s30+s4] =	stream.indirect_vreg.scatter [tilespmem:s16], [sflag:$0x1], $0x80, v4, vm0, $0xb8;
	[tilespmem:$0x19C00] =	vst v63  }
0x382: {  	_ = 	snop  }
0x383: {  	[hbm4b:s31+s4] =	stream.indirect_vreg.scatter [tilespmem:s12], [sflag:$0x1], $0x80, v4, vm0, $0xb8;
	[tilespmem:$0x19C00] =	vst v63  }
0x384: {  	s14 =	sld [smem:$0x7F8];
	s15 =	simm.s32 $0xE400;
	s24 =	simm.s32 $0xD400  }
0x385: {  	[hbm4b:s1+s4] =	stream.indirect_vreg.scatter [tilespmem:s24], [sflag:$0x1], $0x80, v4, vm0, $0xb8;
	[tilespmem:$0x19C00] =	vst v63  }
0x386: {  	p3 =	seq.s32 s0, $0x1;
	s0 =	sadd.s32 $0xFFFFFFFF, s0;
	s22 =	simm.s32 $0xDC00  }
0x387: {  	[hbm4b:s8+s4] =	stream.indirect_vreg.scatter [tilespmem:s22], [sflag:$0x1], $0x80, v4, vm0, $0xb8;
	[tilespmem:$0x19C00] =	vst v63  }
.Ltmp31:
0x388: {  	p2 =	por $0x1, $0x1;
	s5 =	sadd.s32 $0x20, s2;
	(pc) =	sbr.rel @p3 .LBB2_56-.Ltmp31, $4  }
0x389: {  	s2 =	sadd.s32 $0x8, s2;
	s6 =	sand.u32 $0xFFFFFE00, s5;
	s3 =	simm.s32 $0xCC00  }
0x38a: {  	[hbm4b:s10+s4] =	stream.indirect_vreg.scatter [tilespmem:s15], [sflag:$0x1], $0x80, v4, vm0, $0xb8;
	[tilespmem:$0x19C00] =	vst v63  }
0x38b: {  	s16 =	simm.s32 $0xFC00;
	s12 =	simm.s32 $0xEC00;
	s24 =	simm.s32 $0xC400  }
0x38c: {  	[hbm4b:s11+s4] =	stream.indirect_vreg.scatter [tilespmem:s12], [sflag:$0x1], $0x80, v4, vm0, $0xb8;
	[tilespmem:$0x19C00] =	vst v63  }
.LBB2_57:
0x38d: {  	[hbm4b:s14+s4] =	stream.indirect_vreg.scatter [tilespmem:s13], [sflag:$0x1], $0x80, v4, vm0, $0xb8;
	[tilespmem:$0x19C00] =	vst v63  }
0x38e: {  	p3 =	seq.s32 s0, $0x1;
	s7 =	sand.u32 $0x78, s2;
	s6 =	sshra.s32 s6, $0x2  }
0x38f: {  	s0 =	sadd.s32 $0xFFFFFFFF, s0;
	s6 =	sor.u32 s7, s6;
	s7 =	simm.s32 $0x8400  }
0x390: {  	[hbm4b:s28+s4] =	stream.indirect_vreg.scatter [tilespmem:s16], [sflag:$0x1], $0x80, v4, vm0, $0xb8;
	[tilespmem:$0x19C00] =	vst v63  }
0x391: {  	v4 =	vld.msk [tilespmem:s6+$0x19400], $0xff;
	_ =	sdelay $0x4  }
0x392: {  	v5 =	vand.u32 $0x7, v4;
	v4 =	vshll.u32 v4, $0x5  }
0x393: {  	v4 =	vand.u32 $0xFFFFFF00, v4  }
0x394: {  	v4 =	vor.u32 v5, v4  }
0x395: {  	v4 =	vperm.xlane v4, v2;
	_ =	sdelay $0x1  }
0x396: {  	v4 =	vadd.s32 v3, v4;
	_ =	sdelay $0x4  }
0x397: {  	[hbm4b:s25+s4] =	stream.indirect_vreg.scatter [tilespmem:s7], [sflag:$0x1], $0x80, v4, vm0, $0xb8;
	[tilespmem:$0x19C00] =	vst v63  }
0x398: {  	s6 =	simm.s32 $0x8C00  }
0x399: {  	[hbm4b:s9+s4] =	stream.indirect_vreg.scatter [tilespmem:s6], [sflag:$0x1], $0x80, v4, vm0, $0xb8;
	[tilespmem:$0x19C00] =	vst v63  }
0x39a: {  	_ = 	snop  }
0x39b: {  	[hbm4b:s19+s4] =	stream.indirect_vreg.scatter [tilespmem:s17], [sflag:$0x1], $0x80, v4, vm0, $0xb8;
	[tilespmem:$0x19C00] =	vst v63  }
0x39c: {  	_ = 	snop  }
0x39d: {  	[hbm4b:s20+s4] =	stream.indirect_vreg.scatter [tilespmem:s18], [sflag:$0x1], $0x80, v4, vm0, $0xb8;
	[tilespmem:$0x19C00] =	vst v63  }
0x39e: {  	s6 =	simm.s32 $0xA400  }
0x39f: {  	[hbm4b:s26+s4] =	stream.indirect_vreg.scatter [tilespmem:s6], [sflag:$0x1], $0x80, v4, vm0, $0xb8;
	[tilespmem:$0x19C00] =	vst v63  }
0x3a0: {  	s6 =	simm.s32 $0xAC00  }
0x3a1: {  	[hbm4b:s23+s4] =	stream.indirect_vreg.scatter [tilespmem:s6], [sflag:$0x1], $0x80, v4, vm0, $0xb8;
	[tilespmem:$0x19C00] =	vst v63  }
0x3a2: {  	s6 =	simm.s32 $0xB400  }
0x3a3: {  	[hbm4b:s21+s4] =	stream.indirect_vreg.scatter [tilespmem:s6], [sflag:$0x1], $0x80, v4, vm0, $0xb8;
	[tilespmem:$0x19C00] =	vst v63  }
0x3a4: {  	s6 =	simm.s32 $0xBC00  }
0x3a5: {  	[hbm4b:s29+s4] =	stream.indirect_vreg.scatter [tilespmem:s6], [sflag:$0x1], $0x80, v4, vm0, $0xb8;
	[tilespmem:$0x19C00] =	vst v63  }
0x3a6: {  	_ = 	snop  }
0x3a7: {  	[hbm4b:s30+s4] =	stream.indirect_vreg.scatter [tilespmem:s24], [sflag:$0x1], $0x80, v4, vm0, $0xb8;
	[tilespmem:$0x19C00] =	vst v63  }
0x3a8: {  	_ = 	snop  }
0x3a9: {  	[hbm4b:s31+s4] =	stream.indirect_vreg.scatter [tilespmem:s3], [sflag:$0x1], $0x80, v4, vm0, $0xb8;
	[tilespmem:$0x19C00] =	vst v63  }
0x3aa: {  	s6 =	simm.s32 $0xD400  }
0x3ab: {  	[hbm4b:s1+s4] =	stream.indirect_vreg.scatter [tilespmem:s6], [sflag:$0x1], $0x80, v4, vm0, $0xb8;
	[tilespmem:$0x19C00] =	vst v63  }
0x3ac: {  	_ = 	snop  }
0x3ad: {  	[hbm4b:s8+s4] =	stream.indirect_vreg.scatter [tilespmem:s22], [sflag:$0x1], $0x80, v4, vm0, $0xb8;
	[tilespmem:$0x19C00] =	vst v63  }
.Ltmp32:
0x3ae: {  	(pc) =	sbr.rel @!p3 .LBB2_57-.Ltmp32, $4  }
0x3af: {  	[hbm4b:s10+s4] =	stream.indirect_vreg.scatter [tilespmem:s15], [sflag:$0x1], $0x80, v4, vm0, $0xb8;
	[tilespmem:$0x19C00] =	vst v63  }
0x3b0: {  	s5 =	sadd.s32 $0x20, s5  }
0x3b1: {  	[hbm4b:s11+s4] =	stream.indirect_vreg.scatter [tilespmem:s12], [sflag:$0x1], $0x80, v4, vm0, $0xb8;
	[tilespmem:$0x19C00] =	vst v63  }
0x3b2: {  	s2 =	sadd.s32 $0x8, s2;
	s6 =	sand.u32 $0xFFFFFE00, s5  }
0x3b3: {  	s19 =	simm.s32 $0x8C00  }
0x3b4: {  	s22 =	simm.s32 $0x9400;
	s24 =	simm.s32 $0xE400;
	s15 =	simm.s32 $0x10400  }
0x3b5: {  	s21 =	smov.u32 s1;
	s3 =	smov.u32 s10;
	s17 =	simm.s32 $0x9C00  }
0x3b6: {  	s5 =	simm.s32 $0xA400;
	s12 =	simm.s32 $0xCC00;
	s25 =	sld [smem:$0x7EE]  }
0x3b7: {  	s16 =	simm.s32 $0xC400;
	s29 =	simm.s32 $0xB400;
	s30 =	simm.s32 $0xAC00  }
.LBB2_59:
0x3b8: {  	_ = 	snop  }
0x3b9: {  	s1 =	sld [smem:$0x7F8];
	_ =	sdelay $0x1  }
0x3ba: {  	s0 =	sand.u32 $0x78, s2;
	s31 =	sshra.s32 s6, $0x2  }
0x3bb: {  	[hbm4b:s1+s4] =	stream.indirect_vreg.scatter @p2 [tilespmem:s13], [sflag:$0x1], $0x80, v4, vm0, $0xb8;
	[tilespmem:$0x19C00] =	vst v63  }
0x3bc: {  	s6 =	simm.s32 $0xFC00;
	s0 =	sor.u32 s0, s31  }
0x3bd: {  	[hbm4b:s28+s4] =	stream.indirect_vreg.scatter @p2 [tilespmem:s6], [sflag:$0x1], $0x80, v4, vm0, $0xb8;
	[tilespmem:$0x19C00] =	vst v63  }
0x3be: {  	v4 =	vld.msk [tilespmem:s0+$0x19400], $0xff;
	_ =	sdelay $0x4  }
0x3bf: {  	v5 =	vshll.u32 v4, $0x5  }
0x3c0: {  	v4 =	vand.u32 $0x7, v4;
	v5 =	vand.u32 $0xFFFFFF00, v5  }
0x3c1: {  	v4 =	vor.u32 v4, v5  }
0x3c2: {  	v4 =	vperm.xlane v4, v2;
	_ =	sdelay $0x1  }
0x3c3: {  	v4 =	vadd.s32 v3, v4;
	_ =	sdelay $0x3  }
0x3c4: {  	s2 =	rddreg [dreg:$0x2]  }
0x3c5: {  	[hbm4b:s2+s4] =	stream.indirect_vreg.scatter [tilespmem:s7], [sflag:$0x1], $0x80, v4, vm0, $0xb8;
	[tilespmem:$0x19C00] =	vst v63  }
0x3c6: {  	_ = 	snop  }
0x3c7: {  	[hbm4b:s9+s4] =	stream.indirect_vreg.scatter [tilespmem:s19], [sflag:$0x1], $0x80, v4, vm0, $0xb8;
	[tilespmem:$0x19C00] =	vst v63  }
0x3c8: {  	s10 =	rddreg [dreg:$0x1e]  }
0x3c9: {  	[hbm4b:s10+s4] =	stream.indirect_vreg.scatter [tilespmem:s22], [sflag:$0x1], $0x80, v4, vm0, $0xb8;
	[tilespmem:$0x19C00] =	vst v63  }
0x3ca: {  	s14 =	rddreg [dreg:$0x1f]  }
0x3cb: {  	[hbm4b:s14+s4] =	stream.indirect_vreg.scatter [tilespmem:s17], [sflag:$0x1], $0x80, v4, vm0, $0xb8;
	[tilespmem:$0x19C00] =	vst v63  }
0x3cc: {  	s17 =	sld [smem:$0x7F9];
	_ =	sdelay $0x2  }
0x3cd: {  	[hbm4b:s17+s4] =	stream.indirect_vreg.scatter [tilespmem:s5], [sflag:$0x1], $0x80, v4, vm0, $0xb8;
	[tilespmem:$0x19C00] =	vst v63  }
0x3ce: {  	s18 =	sld [smem:$0x7F7]  }
0x3cf: {  	[hbm4b:s23+s4] =	stream.indirect_vreg.scatter [tilespmem:s30], [sflag:$0x1], $0x80, v4, vm0, $0xb8;
	[tilespmem:$0x19C00] =	vst v63  }
0x3d0: {  	s19 =	sld [smem:$0x7FA]  }
0x3d1: {  	[hbm4b:s18+s4] =	stream.indirect_vreg.scatter [tilespmem:s29], [sflag:$0x1], $0x80, v4, vm0, $0xb8;
	[tilespmem:$0x19C00] =	vst v63  }
0x3d2: {  	s20 =	simm.s32 $0xBC00;
	s22 =	sld [smem:$0x7FB]  }
0x3d3: {  	[hbm4b:s19+s4] =	stream.indirect_vreg.scatter [tilespmem:s20], [sflag:$0x1], $0x80, v4, vm0, $0xb8;
	[tilespmem:$0x19C00] =	vst v63  }
0x3d4: {  	s26 =	sld [smem:$0x7FC]  }
0x3d5: {  	[hbm4b:s22+s4] =	stream.indirect_vreg.scatter [tilespmem:s16], [sflag:$0x1], $0x80, v4, vm0, $0xb8;
	[tilespmem:$0x19C00] =	vst v63  }
0x3d6: {  	_ = 	snop  }
0x3d7: {  	[hbm4b:s26+s4] =	stream.indirect_vreg.scatter [tilespmem:s12], [sflag:$0x1], $0x80, v4, vm0, $0xb8;
	[tilespmem:$0x19C00] =	vst v63  }
0x3d8: {  	s29 =	simm.s32 $0xD400  }
0x3d9: {  	[hbm4b:s21+s4] =	stream.indirect_vreg.scatter [tilespmem:s29], [sflag:$0x1], $0x80, v4, vm0, $0xb8;
	[tilespmem:$0x19C00] =	vst v63  }
0x3da: {  	s30 =	simm.s32 $0xDC00  }
0x3db: {  	[hbm4b:s8+s4] =	stream.indirect_vreg.scatter [tilespmem:s30], [sflag:$0x1], $0x80, v4, vm0, $0xb8;
	[tilespmem:$0x19C00] =	vst v63  }
0x3dc: {  	_ = 	snop  }
0x3dd: {  	[hbm4b:s3+s4] =	stream.indirect_vreg.scatter [tilespmem:s24], [sflag:$0x1], $0x80, v4, vm0, $0xb8;
	[tilespmem:$0x19C00] =	vst v63  }
0x3de: {  	s31 =	simm.s32 $0xEC00  }
0x3df: {  	[hbm4b:s11+s4] =	stream.indirect_vreg.scatter [tilespmem:s31], [sflag:$0x1], $0x80, v4, vm0, $0xb8;
	[tilespmem:$0x19C00] =	vst v63  }
0x3e0: {  	_ = 	snop  }
0x3e1: {  	[hbm4b:s1+s4] =	stream.indirect_vreg.scatter [tilespmem:s13], [sflag:$0x1], $0x80, v4, vm0, $0xb8;
	[tilespmem:$0x19C00] =	vst v63  }
0x3e2: {  	_ = 	snop  }
0x3e3: {  	[hbm4b:s28+s4] =	stream.indirect_vreg.scatter [tilespmem:s6], [sflag:$0x1], $0x80, v4, vm0, $0xb8;
	[tilespmem:$0x19C00] =	vst v63  }
.LBB2_43:
0x3e4: {  	s0 =	rddreg [dreg:$0x17]  }
0x3e5: {  	s26 =	rddreg [dreg:$0x18];
	s5 =	simm.s32 $0x0;
	p2 =	sgt.s32 s0, $0x7  }
.Ltmp33:
0x3e6: {  	s22 =	simm.s32 $0x12400;
	s20 =	rddreg [dreg:$0x1f];
	(pc) =	sbr.rel @!p2 .LBB2_65-.Ltmp33, $4  }
0x3e7: {  	s12 =	simm.s32 $0x12C00;
	s13 =	simm.s32 $0x13400;
	s29 =	sld [smem:$0x7FA]  }
0x3e8: {  	s16 =	simm.s32 $0x13C00;
	s17 =	simm.s32 $0x14400;
	s30 =	sld [smem:$0x7FB]  }
0x3e9: {  	s18 =	simm.s32 $0x14C00;
	s10 =	simm.s32 $0x15400;
	s31 =	sld [smem:$0x7FC]  }
0x3ea: {  	s28 =	simm.s32 $0x17C00;
	s24 =	sshra.s32 s26, $0x3;
	s26 =	sld [smem:$0x7F9]  }
0x3eb: {  	p3 =	sne.s32 s24, $0x1  }
.Ltmp34:
0x3ec: {  	_ = 	snop;
	(pc) =	sbr.rel @!p3 .LBB2_45-.Ltmp34, $3  }
0x3ed: {  	_ =	sdelay $0x1  }
0x3ee: {  	s14 =	simm.s32 $0x15C00;
	s9 =	simm.s32 $0x11C00  }
0x3ef: {  	s0 =	sadd.s32 $0xFFFFFFFF, s24;
	s7 =	sand.u32 $0xFFFFFE00, s5;
	p2 =	por $0x0, $0x0  }
0x3f0: {  	s6 =	sand.u32 $0x78, s5;
	s7 =	sshra.s32 s7, $0x2  }
0x3f1: {  	s6 =	sor.u32 s6, s7  }
0x3f2: {  	v4 =	vld.msk [tilespmem:s6+$0x19800], $0xff;
	_ =	sdelay $0x4  }
0x3f3: {  	v5 =	vshll.u32 v4, $0x5  }
0x3f4: {  	v4 =	vand.u32 $0x7, v4;
	v5 =	vand.u32 $0xFFFFFF00, v5  }
0x3f5: {  	v4 =	vor.u32 v4, v5  }
0x3f6: {  	v4 =	vperm.xlane v4, v2;
	_ =	sdelay $0x1  }
0x3f7: {  	v4 =	vadd.s32 v3, v4;
	_ =	sdelay $0x3  }
0x3f8: {  	s3 =	rddreg [dreg:$0x2]  }
0x3f9: {  	[hbm4b:s3+s4] =	stream.indirect_vreg.scatter [tilespmem:s15], [sflag:$0x1], $0x80, v4, vm0, $0xb8;
	[tilespmem:$0x19C00] =	vst v63  }
0x3fa: {  	s2 =	smov.u32 s21;
	s9 =	simm.s32 $0x10C00;
	s15 =	rddreg [dreg:$0x12]  }
0x3fb: {  	[hbm4b:s15+s4] =	stream.indirect_vreg.scatter [tilespmem:s9], [sflag:$0x1], $0x80, v4, vm0, $0xb8;
	[tilespmem:$0x19C00] =	vst v63  }
0x3fc: {  	s21 =	smov.u32 s20;
	s20 =	rddreg [dreg:$0x1e];
	s8 =	simm.s32 $0x11400  }
0x3fd: {  	[hbm4b:s20+s4] =	stream.indirect_vreg.scatter [tilespmem:s8], [sflag:$0x1], $0x80, v4, vm0, $0xb8;
	[tilespmem:$0x19C00] =	vst v63  }
0x3fe: {  	s14 =	simm.s32 $0x11C00  }
0x3ff: {  	[hbm4b:s21+s4] =	stream.indirect_vreg.scatter [tilespmem:s14], [sflag:$0x1], $0x80, v4, vm0, $0xb8;
	[tilespmem:$0x19C00] =	vst v63  }
0x400: {  	s28 =	smov.u32 s26  }
0x401: {  	[hbm4b:s28+s4] =	stream.indirect_vreg.scatter [tilespmem:s22], [sflag:$0x1], $0x80, v4, vm0, $0xb8;
	[tilespmem:$0x19C00] =	vst v63  }
0x402: {  	s26 =	sld [smem:$0x7F7]  }
0x403: {  	[hbm4b:s23+s4] =	stream.indirect_vreg.scatter [tilespmem:s12], [sflag:$0x1], $0x80, v4, vm0, $0xb8;
	[tilespmem:$0x19C00] =	vst v63  }
0x404: {  	[smem:$0x7ED] =	sst s24;
	s1 =	smov.u32 s31;
	s31 =	smov.u32 s30  }
0x405: {  	[hbm4b:s26+s4] =	stream.indirect_vreg.scatter [tilespmem:s13], [sflag:$0x1], $0x80, v4, vm0, $0xb8;
	[tilespmem:$0x19C00] =	vst v63  }
0x406: {  	s30 =	smov.u32 s29;
	s24 =	sld [smem:$0x7F8];
	s19 =	smov.u32 s23  }
0x407: {  	[hbm4b:s30+s4] =	stream.indirect_vreg.scatter [tilespmem:s16], [sflag:$0x1], $0x80, v4, vm0, $0xb8;
	[tilespmem:$0x19C00] =	vst v63  }
0x408: {  	s25 =	rddreg [dreg:$0x13];
	p3 =	sne.s32 s0, $0x1;
	s0 =	sadd.s32 $0xFFFFFFFF, s0  }
0x409: {  	[hbm4b:s31+s4] =	stream.indirect_vreg.scatter [tilespmem:s17], [sflag:$0x1], $0x80, v4, vm0, $0xb8;
	[tilespmem:$0x19C00] =	vst v63  }
0x40a: {  	p2 =	por $0x1, $0x1;
	s29 =	smov.u32 s3;
	s6 =	sadd.s32 $0x20, s5  }
0x40b: {  	[hbm4b:s1+s4] =	stream.indirect_vreg.scatter [tilespmem:s18], [sflag:$0x1], $0x80, v4, vm0, $0xb8;
	[tilespmem:$0x19C00] =	vst v63  }
0x40c: {  	s5 =	sadd.s32 $0x8, s5;
	s7 =	sand.u32 $0xFFFFFE00, s6;
	s3 =	simm.s32 $0x10400  }
0x40d: {  	[hbm4b:s2+s4] =	stream.indirect_vreg.scatter [tilespmem:s10], [sflag:$0x1], $0x80, v4, vm0, $0xb8;
	[tilespmem:$0x19C00] =	vst v63  }
0x40e: {  	s9 =	simm.s32 $0x12400;
	s14 =	rddreg [dreg:$0x14];
	s23 =	simm.s32 $0x15C00  }
0x40f: {  	[hbm4b:s25+s4] =	stream.indirect_vreg.scatter [tilespmem:s23], [sflag:$0x1], $0x80, v4, vm0, $0xb8;
	[tilespmem:$0x19C00] =	vst v63  }
.Ltmp35:
0x410: {  	s22 =	smov.u32 s11;
	s11 =	simm.s32 $0x10C00;
	(pc) =	sbr.rel @!p3 .LBB2_61-.Ltmp35, $4  }
0x411: {  	s12 =	simm.s32 $0x12C00;
	s16 =	simm.s32 $0x16400;
	s17 =	simm.s32 $0x16C00  }
0x412: {  	[hbm4b:s14+s4] =	stream.indirect_vreg.scatter [tilespmem:s16], [sflag:$0x1], $0x80, v4, vm0, $0xb8;
	[tilespmem:$0x19C00] =	vst v63  }
0x413: {  	s18 =	simm.s32 $0x15400;
	s10 =	simm.s32 $0x17400;
	s23 =	rddreg [dreg:$0x15]  }
0x414: {  	[hbm4b:s22+s4] =	stream.indirect_vreg.scatter [tilespmem:s17], [sflag:$0x1], $0x80, v4, vm0, $0xb8;
	[tilespmem:$0x19C00] =	vst v63  }
.LBB2_62:
0x415: {  	[hbm4b:s24+s4] =	stream.indirect_vreg.scatter [tilespmem:s10], [sflag:$0x1], $0x80, v4, vm0, $0xb8;
	[tilespmem:$0x19C00] =	vst v63  }
0x416: {  	p3 =	sne.s32 s0, $0x1  }
0x417: {  	s8 =	sand.u32 $0x78, s5;
	s7 =	sshra.s32 s7, $0x2;
	s0 =	sadd.s32 $0xFFFFFFFF, s0  }
0x418: {  	s13 =	simm.s32 $0x17C00;
	s7 =	sor.u32 s8, s7;
	s8 =	simm.s32 $0x11400  }
0x419: {  	[hbm4b:s23+s4] =	stream.indirect_vreg.scatter [tilespmem:s13], [sflag:$0x1], $0x80, v4, vm0, $0xb8;
	[tilespmem:$0x19C00] =	vst v63  }
0x41a: {  	v4 =	vld.msk [tilespmem:s7+$0x19800], $0xff;
	_ =	sdelay $0x4  }
0x41b: {  	v5 =	vand.u32 $0x7, v4;
	v4 =	vshll.u32 v4, $0x5  }
0x41c: {  	v4 =	vand.u32 $0xFFFFFF00, v4  }
0x41d: {  	v4 =	vor.u32 v5, v4  }
0x41e: {  	v4 =	vperm.xlane v4, v2;
	_ =	sdelay $0x1  }
0x41f: {  	v4 =	vadd.s32 v3, v4;
	_ =	sdelay $0x4  }
0x420: {  	[hbm4b:s29+s4] =	stream.indirect_vreg.scatter [tilespmem:s3], [sflag:$0x1], $0x80, v4, vm0, $0xb8;
	[tilespmem:$0x19C00] =	vst v63  }
0x421: {  	_ = 	snop  }
0x422: {  	[hbm4b:s15+s4] =	stream.indirect_vreg.scatter [tilespmem:s11], [sflag:$0x1], $0x80, v4, vm0, $0xb8;
	[tilespmem:$0x19C00] =	vst v63  }
0x423: {  	_ = 	snop  }
0x424: {  	[hbm4b:s20+s4] =	stream.indirect_vreg.scatter [tilespmem:s8], [sflag:$0x1], $0x80, v4, vm0, $0xb8;
	[tilespmem:$0x19C00] =	vst v63  }
0x425: {  	s7 =	simm.s32 $0x11C00  }
0x426: {  	[hbm4b:s21+s4] =	stream.indirect_vreg.scatter [tilespmem:s7], [sflag:$0x1], $0x80, v4, vm0, $0xb8;
	[tilespmem:$0x19C00] =	vst v63  }
0x427: {  	_ = 	snop  }
0x428: {  	[hbm4b:s28+s4] =	stream.indirect_vreg.scatter [tilespmem:s9], [sflag:$0x1], $0x80, v4, vm0, $0xb8;
	[tilespmem:$0x19C00] =	vst v63  }
0x429: {  	_ = 	snop  }
0x42a: {  	[hbm4b:s19+s4] =	stream.indirect_vreg.scatter [tilespmem:s12], [sflag:$0x1], $0x80, v4, vm0, $0xb8;
	[tilespmem:$0x19C00] =	vst v63  }
0x42b: {  	s7 =	simm.s32 $0x13400  }
0x42c: {  	[hbm4b:s26+s4] =	stream.indirect_vreg.scatter [tilespmem:s7], [sflag:$0x1], $0x80, v4, vm0, $0xb8;
	[tilespmem:$0x19C00] =	vst v63  }
0x42d: {  	s7 =	simm.s32 $0x13C00  }
0x42e: {  	[hbm4b:s30+s4] =	stream.indirect_vreg.scatter [tilespmem:s7], [sflag:$0x1], $0x80, v4, vm0, $0xb8;
	[tilespmem:$0x19C00] =	vst v63  }
0x42f: {  	s7 =	simm.s32 $0x14400  }
0x430: {  	[hbm4b:s31+s4] =	stream.indirect_vreg.scatter [tilespmem:s7], [sflag:$0x1], $0x80, v4, vm0, $0xb8;
	[tilespmem:$0x19C00] =	vst v63  }
0x431: {  	s7 =	simm.s32 $0x14C00  }
0x432: {  	[hbm4b:s1+s4] =	stream.indirect_vreg.scatter [tilespmem:s7], [sflag:$0x1], $0x80, v4, vm0, $0xb8;
	[tilespmem:$0x19C00] =	vst v63  }
0x433: {  	_ = 	snop  }
0x434: {  	[hbm4b:s2+s4] =	stream.indirect_vreg.scatter [tilespmem:s18], [sflag:$0x1], $0x80, v4, vm0, $0xb8;
	[tilespmem:$0x19C00] =	vst v63  }
0x435: {  	s7 =	simm.s32 $0x15C00  }
0x436: {  	[hbm4b:s25+s4] =	stream.indirect_vreg.scatter [tilespmem:s7], [sflag:$0x1], $0x80, v4, vm0, $0xb8;
	[tilespmem:$0x19C00] =	vst v63  }
.Ltmp36:
0x437: {  	(pc) =	sbr.rel @p3 .LBB2_62-.Ltmp36, $4  }
0x438: {  	[hbm4b:s14+s4] =	stream.indirect_vreg.scatter [tilespmem:s16], [sflag:$0x1], $0x80, v4, vm0, $0xb8;
	[tilespmem:$0x19C00] =	vst v63  }
0x439: {  	s6 =	sadd.s32 $0x20, s6  }
0x43a: {  	[hbm4b:s22+s4] =	stream.indirect_vreg.scatter [tilespmem:s17], [sflag:$0x1], $0x80, v4, vm0, $0xb8;
	[tilespmem:$0x19C00] =	vst v63  }
0x43b: {  	s5 =	sadd.s32 $0x8, s5;
	s7 =	sand.u32 $0xFFFFFE00, s6  }
0x43c: {  	s14 =	simm.s32 $0x15C00;
	s9 =	simm.s32 $0x11C00  }
0x43d: {  	s23 =	smov.u32 s19;
	s20 =	smov.u32 s21;
	s19 =	smov.u32 s26  }
0x43e: {  	s26 =	smov.u32 s28;
	s6 =	smov.u32 s29;
	s29 =	smov.u32 s30  }
0x43f: {  	s30 =	smov.u32 s31;
	s31 =	smov.u32 s1;
	s21 =	smov.u32 s2  }
0x440: {  	s11 =	smov.u32 s22;
	s10 =	simm.s32 $0x10C00;
	s15 =	simm.s32 $0x10400  }
0x441: {  	s25 =	sld [smem:$0x7EE];
	s18 =	simm.s32 $0x14C00;
	s17 =	simm.s32 $0x14400  }
0x442: {  	s16 =	simm.s32 $0x13C00;
	s13 =	simm.s32 $0x13400;
	s12 =	simm.s32 $0x12C00  }
0x443: {  	s22 =	simm.s32 $0x12400;
	s24 =	sld [smem:$0x7ED];
	s28 =	simm.s32 $0x17C00  }
.LBB2_64:
0x444: {  	_ = 	snop  }
0x445: {  	s1 =	sld [smem:$0x7F8];
	_ =	sdelay $0x1  }
0x446: {  	s3 =	simm.s32 $0x17400;
	s0 =	sand.u32 $0x78, s5;
	s2 =	sshra.s32 s7, $0x2  }
0x447: {  	[hbm4b:s1+s4] =	stream.indirect_vreg.scatter @p2 [tilespmem:s3], [sflag:$0x1], $0x80, v4, vm0, $0xb8;
	[tilespmem:$0x19C00] =	vst v63  }
0x448: {  	s0 =	sor.u32 s0, s2;
	s2 =	rddreg [dreg:$0x15]  }
0x449: {  	[hbm4b:s2+s4] =	stream.indirect_vreg.scatter @p2 [tilespmem:s28], [sflag:$0x1], $0x80, v4, vm0, $0xb8;
	[tilespmem:$0x19C00] =	vst v63  }
0x44a: {  	v4 =	vld.msk [tilespmem:s0+$0x19800], $0xff;
	_ =	sdelay $0x4  }
0x44b: {  	v5 =	vshll.u32 v4, $0x5  }
0x44c: {  	v4 =	vand.u32 $0x7, v4;
	v5 =	vand.u32 $0xFFFFFF00, v5  }
0x44d: {  	v4 =	vor.u32 v4, v5  }
0x44e: {  	v4 =	vperm.xlane v4, v2;
	_ =	sdelay $0x1  }
0x44f: {  	v4 =	vadd.s32 v3, v4;
	_ =	sdelay $0x4  }
0x450: {  	[hbm4b:s6+s4] =	stream.indirect_vreg.scatter [tilespmem:s15], [sflag:$0x1], $0x80, v4, vm0, $0xb8;
	[tilespmem:$0x19C00] =	vst v63  }
0x451: {  	s7 =	rddreg [dreg:$0x12]  }
0x452: {  	[hbm4b:s7+s4] =	stream.indirect_vreg.scatter [tilespmem:s10], [sflag:$0x1], $0x80, v4, vm0, $0xb8;
	[tilespmem:$0x19C00] =	vst v63  }
0x453: {  	s10 =	rddreg [dreg:$0x1e]  }
0x454: {  	[hbm4b:s10+s4] =	stream.indirect_vreg.scatter [tilespmem:s8], [sflag:$0x1], $0x80, v4, vm0, $0xb8;
	[tilespmem:$0x19C00] =	vst v63  }
0x455: {  	_ = 	snop  }
0x456: {  	[hbm4b:s20+s4] =	stream.indirect_vreg.scatter [tilespmem:s9], [sflag:$0x1], $0x80, v4, vm0, $0xb8;
	[tilespmem:$0x19C00] =	vst v63  }
0x457: {  	_ = 	snop  }
0x458: {  	[hbm4b:s26+s4] =	stream.indirect_vreg.scatter [tilespmem:s22], [sflag:$0x1], $0x80, v4, vm0, $0xb8;
	[tilespmem:$0x19C00] =	vst v63  }
0x459: {  	_ = 	snop  }
0x45a: {  	[hbm4b:s23+s4] =	stream.indirect_vreg.scatter [tilespmem:s12], [sflag:$0x1], $0x80, v4, vm0, $0xb8;
	[tilespmem:$0x19C00] =	vst v63  }
0x45b: {  	_ = 	snop  }
0x45c: {  	[hbm4b:s19+s4] =	stream.indirect_vreg.scatter [tilespmem:s13], [sflag:$0x1], $0x80, v4, vm0, $0xb8;
	[tilespmem:$0x19C00] =	vst v63  }
0x45d: {  	_ = 	snop  }
0x45e: {  	[hbm4b:s29+s4] =	stream.indirect_vreg.scatter [tilespmem:s16], [sflag:$0x1], $0x80, v4, vm0, $0xb8;
	[tilespmem:$0x19C00] =	vst v63  }
0x45f: {  	_ = 	snop  }
0x460: {  	[hbm4b:s30+s4] =	stream.indirect_vreg.scatter [tilespmem:s17], [sflag:$0x1], $0x80, v4, vm0, $0xb8;
	[tilespmem:$0x19C00] =	vst v63  }
0x461: {  	_ = 	snop  }
0x462: {  	[hbm4b:s31+s4] =	stream.indirect_vreg.scatter [tilespmem:s18], [sflag:$0x1], $0x80, v4, vm0, $0xb8;
	[tilespmem:$0x19C00] =	vst v63  }
0x463: {  	s18 =	simm.s32 $0x15400  }
0x464: {  	[hbm4b:s21+s4] =	stream.indirect_vreg.scatter [tilespmem:s18], [sflag:$0x1], $0x80, v4, vm0, $0xb8;
	[tilespmem:$0x19C00] =	vst v63  }
0x465: {  	s19 =	rddreg [dreg:$0x13]  }
0x466: {  	[hbm4b:s19+s4] =	stream.indirect_vreg.scatter [tilespmem:s14], [sflag:$0x1], $0x80, v4, vm0, $0xb8;
	[tilespmem:$0x19C00] =	vst v63  }
0x467: {  	s22 =	simm.s32 $0x16400;
	s21 =	rddreg [dreg:$0x14]  }
0x468: {  	[hbm4b:s21+s4] =	stream.indirect_vreg.scatter [tilespmem:s22], [sflag:$0x1], $0x80, v4, vm0, $0xb8;
	[tilespmem:$0x19C00] =	vst v63  }
0x469: {  	s23 =	simm.s32 $0x16C00  }
0x46a: {  	[hbm4b:s11+s4] =	stream.indirect_vreg.scatter [tilespmem:s23], [sflag:$0x1], $0x80, v4, vm0, $0xb8;
	[tilespmem:$0x19C00] =	vst v63  }
0x46b: {  	_ = 	snop  }
0x46c: {  	[hbm4b:s1+s4] =	stream.indirect_vreg.scatter [tilespmem:s3], [sflag:$0x1], $0x80, v4, vm0, $0xb8;
	[tilespmem:$0x19C00] =	vst v63  }
0x46d: {  	s7 =	simm.s32 $0x8400  }
0x46e: {  	[hbm4b:s2+s4] =	stream.indirect_vreg.scatter [tilespmem:s28], [sflag:$0x1], $0x80, v4, vm0, $0xb8;
	[tilespmem:$0x19C00] =	vst v63  }
.LBB2_65:
0x46f: {  	s0 =	sld [smem:$0x7EF];
	_ =	sdelay $0x2  }
0x470: {  	s0 =	sadd.s32 s0, s25  }
0x471: {  	s0 =	sadd.s32 s24, s0  }
0x472: {  	p2 =	slt.s32 s0, $0x1  }
.Ltmp37:
0x473: {  	_ = 	snop;
	(pc) =	sbr.rel @p2 .LBB2_69-.Ltmp37, $3  }
0x474: {  	_ =	sdelay $0x1  }
0x475: {  	s2 =	rddreg [dreg:$0x11]  }
0x476: {  	s13 =	simm.s32 $0x1;
	s16 =	rddreg [dreg:$0x10]  }
0x477: {  	p2 =	sne.s32 s0, $0x1  }
.Ltmp38:
0x478: {  	_ = 	snop;
	(pc) =	sbr.rel @!p2 .LBB2_68-.Ltmp38, $3  }
0x479: {  	_ =	sdelay $0x1  }
0x47a: {  	_ =	swait.ge [sflag:s13], $0x8000  }
0x47b: {  	s0 =	sadd.s32 $0xFFFFFFFF, s0;
	[sflag:s13] =	ssyncset.done $0x0  }
.LBB2_67:
0x47c: {  	p2 =	sne.s32 s0, $0x1;
	s0 =	sadd.s32 $0xFFFFFFFF, s0;
	[sflag:s13] =	ssyncadd.s32 $0xFFFF8000  }
.Ltmp39:
0x47d: {  	(pc) =	sbr.rel @p2 .LBB2_67-.Ltmp39, $3  }
0x47e: {  	_ =	sdelay $0x1  }
0x47f: {  	_ =	swait.ge [sflag:s13], $0x8000  }
0x480: {  	[sflag:s13] =	ssyncset.done $0x0  }
.Ltmp40:
0x481: {  	_ = 	snop;
	(pc) =	sbr.rel .LBB2_68-.Ltmp40, $1  }
0x482: {  	_ =	sdelay $0x3  }
.LBB2_3:
.Ltmp41:
0x483: {  	(pc) =	sbr.rel .LBB2_7-.Ltmp41, $4  }
0x484: {  	_ = 	snop  }
0x485: {  	s8 =	simm.s32 $0x0;
	s24 =	simm.s32 $0x10000000  }
0x486: {  	s2 =	simm.s32 $0x0;
	s25 =	simm.s32 $0x0;
	s5 =	simm.s32 $0x0  }
0x487: {  	s17 =	simm.s32 $0x10000000;
	s6 =	simm.s32 $0x10000000;
	s3 =	rddreg [dreg:$0x8]  }
.LBB2_5:
.Ltmp42:
0x488: {  	(pc) =	sbr.rel .LBB2_7-.Ltmp42, $3  }
0x489: {  	_ =	sdelay $0x1  }
0x48a: {  	s8 =	simm.s32 $0x0;
	s24 =	simm.s32 $0x10000000;
	s25 =	simm.s32 $0x0  }
0x48b: {  	s5 =	simm.s32 $0x0;
	s17 =	simm.s32 $0x10000000;
	s6 =	simm.s32 $0x10000000  }
.LBB2_19:
.Ltmp43:
0x48c: {  	(pc) =	sbr.rel .LBB2_24-.Ltmp43, $3  }
0x48d: {  	_ =	sdelay $0x1  }
0x48e: {  	s7 =	simm.s32 $0x1C00;
	s18 =	simm.s32 $0x2400  }
0x48f: {  	s12 =	simm.s32 $0x4400;
	s6 =	simm.s32 $0x400;
	s1 =	rddreg [dreg:$0x1d]  }
.LBB2_26:
.Ltmp44:
0x490: {  	(pc) =	sbr.rel .LBB2_31-.Ltmp44, $3  }
0x491: {  	_ =	sdelay $0x1  }
0x492: {  	s3 =	simm.s32 $0xF400;
	s19 =	simm.s32 $0xEC00  }
0x493: {  	s5 =	rddreg [dreg:$0x1d];
	s22 =	smov.u32 s10;
	s10 =	simm.s32 $0xBC00  }
.LBB2_17:
.Ltmp45:
0x494: {  	(pc) =	sbr.rel .LBB2_36-.Ltmp45, $2  }
0x495: {  	_ =	sdelay $0x2  }
0x496: {  	s6 =	smov.u32 s10;
	s10 =	simm.s32 $0x10C00  }
.LBB2_47:
.Ltmp46:
0x497: {  	(pc) =	sbr.rel .LBB2_52-.Ltmp46, $4  }
0x498: {  	s5 =	smov.u32 s7;
	s12 =	simm.s32 $0x4400;
	s18 =	simm.s32 $0x2C00  }
0x499: {  	s14 =	sld [smem:$0x7F8];
	s0 =	smov.u32 s20;
	s20 =	smov.u32 s11  }
0x49a: {  	s11 =	smov.u32 s29;
	s19 =	rddreg [dreg:$0x1e];
	s24 =	simm.s32 $0x6C00  }
0x49b: {  	s7 =	simm.s32 $0x3C00;
	s29 =	smov.u32 s10;
	s10 =	smov.u32 s0  }
.LBB2_54:
.Ltmp47:
0x49c: {  	(pc) =	sbr.rel .LBB2_59-.Ltmp47, $2  }
0x49d: {  	_ =	sdelay $0x2  }
0x49e: {  	s5 =	simm.s32 $0xA400;
	s3 =	smov.u32 s10  }
.LBB2_45:
.Ltmp48:
0x49f: {  	(pc) =	sbr.rel .LBB2_64-.Ltmp48, $3  }
0x4a0: {  	_ =	sdelay $0x1  }
0x4a1: {  	s6 =	rddreg [dreg:$0x2]  }
0x4a2: {  	s8 =	simm.s32 $0x11400;
	s10 =	simm.s32 $0x10C00;
	s19 =	sld [smem:$0x7F7]  }
.LBB2_21:
0x4a3: {  	s22 =	simm.s32 $0x2C00;
	s12 =	simm.s32 $0x4400  }
0x4a4: {  	s16 =	smov.u32 s9;
	s10 =	smov.u32 s14;
	s0 =	smov.u32 s19  }
0x4a5: {  	s3 =	smov.u32 s20;
	s20 =	smov.u32 s11;
	s6 =	smov.u32 s21  }
0x4a6: {  	s21 =	smov.u32 s15;
	s2 =	smov.u32 s26;
	s26 =	smov.u32 s13  }
0x4a7: {  	s8 =	smov.u32 s28;
	s19 =	smov.u32 s29;
	s11 =	smov.u32 s30  }
.Ltmp49:
0x4a8: {  	s28 =	smov.u32 s1;
	s17 =	simm.s32 $0x9C00;
	(pc) =	sbr.rel .LBB2_24-.Ltmp49, $4  }
0x4a9: {  	s14 =	simm.s32 $0x12400;
	s13 =	simm.s32 $0x1;
	s25 =	smov.u32 s23  }
0x4aa: {  	s15 =	simm.s32 $0x10400;
	s29 =	smov.u32 s0;
	s30 =	smov.u32 s3  }
0x4ab: {  	s31 =	smov.u32 s6;
	s1 =	smov.u32 s2;
	s23 =	smov.u32 s10  }
0x4ac: {  	s9 =	smov.u32 s16;
	s6 =	simm.s32 $0x400;
	s16 =	simm.s32 $0xC00  }
.LBB2_28:
0x4ad: {  	s24 =	simm.s32 $0xE400  }
.Ltmp50:
0x4ae: {  	s3 =	simm.s32 $0xF400;
	s16 =	simm.s32 $0x12C00;
	(pc) =	sbr.rel .LBB2_31-.Ltmp50, $4  }
0x4af: {  	s18 =	simm.s32 $0x13400;
	s12 =	simm.s32 $0x17400;
	s22 =	smov.u32 s10  }
0x4b0: {  	s10 =	simm.s32 $0xBC00;
	s28 =	smov.u32 s11;
	s11 =	smov.u32 s14  }
0x4b1: {  	s19 =	simm.s32 $0xEC00;
	s5 =	smov.u32 s1;
	s9 =	smov.u32 s17  }
0x4b2: {  	s15 =	simm.s32 $0x10400;
	s1 =	simm.s32 $0x9400;
	s17 =	simm.s32 $0x9C00  }
.LBB2_33:
0x4b3: {  	s13 =	simm.s32 $0x1;
	s9 =	smov.u32 s14  }
.Ltmp51:
0x4b4: {  	s23 =	smov.u32 s15;
	s25 =	smov.u32 s28;
	(pc) =	sbr.rel .LBB2_36-.Ltmp51, $4  }
0x4b5: {  	s8 =	smov.u32 s17;
	s6 =	smov.u32 s10;
	s12 =	simm.s32 $0x17400  }
0x4b6: {  	s28 =	smov.u32 s11;
	s11 =	smov.u32 s24;
	s10 =	simm.s32 $0x10C00  }
0x4b7: {  	s19 =	simm.s32 $0x8C00;
	s24 =	simm.s32 $0xE400;
	s15 =	simm.s32 $0x10400  }
0x4b8: {  	s17 =	simm.s32 $0x9C00;
	s3 =	simm.s32 $0x11C00;
	s22 =	sld [smem:$0x7F1]  }
.LBB2_49:
0x4b9: {  	s18 =	simm.s32 $0x2C00;
	s12 =	simm.s32 $0x4400  }
0x4ba: {  	s16 =	smov.u32 s9;
	s9 =	smov.u32 s14;
	s0 =	smov.u32 s19  }
0x4bb: {  	s19 =	smov.u32 s10;
	s5 =	smov.u32 s20;
	s10 =	smov.u32 s11  }
0x4bc: {  	s7 =	smov.u32 s21;
	s21 =	smov.u32 s15;
	s3 =	smov.u32 s26  }
0x4bd: {  	s26 =	smov.u32 s13;
	s8 =	smov.u32 s28;
	s20 =	smov.u32 s30  }
0x4be: {  	s14 =	smov.u32 s31;
	s28 =	smov.u32 s1;
	s1 =	simm.s32 $0x6400  }
.Ltmp52:
0x4bf: {  	s24 =	simm.s32 $0x6C00;
	s22 =	simm.s32 $0x9400;
	(pc) =	sbr.rel .LBB2_52-.Ltmp52, $4  }
0x4c0: {  	s17 =	simm.s32 $0x9C00;
	s13 =	simm.s32 $0xF400;
	s25 =	smov.u32 s23  }
0x4c1: {  	s15 =	simm.s32 $0x10400;
	s11 =	smov.u32 s0;
	s30 =	smov.u32 s5  }
0x4c2: {  	s31 =	smov.u32 s7;
	s7 =	simm.s32 $0x3C00;
	s5 =	smov.u32 s3  }
0x4c3: {  	s23 =	smov.u32 s9;
	s9 =	smov.u32 s16;
	s16 =	simm.s32 $0x400  }
.LBB2_56:
.Ltmp53:
0x4c4: {  	s19 =	simm.s32 $0x8C00;
	(pc) =	sbr.rel .LBB2_59-.Ltmp53, $4  }
0x4c5: {  	s22 =	simm.s32 $0x9400;
	s24 =	simm.s32 $0xE400;
	s15 =	simm.s32 $0x10400  }
0x4c6: {  	s21 =	smov.u32 s1;
	s3 =	smov.u32 s10;
	s17 =	simm.s32 $0x9C00  }
0x4c7: {  	s5 =	simm.s32 $0xA400;
	s12 =	simm.s32 $0xCC00;
	s25 =	sld [smem:$0x7EE]  }
0x4c8: {  	s16 =	simm.s32 $0xC400;
	s29 =	simm.s32 $0xB400;
	s30 =	simm.s32 $0xAC00  }
.LBB2_61:
0x4c9: {  	s14 =	simm.s32 $0x15C00;
	s9 =	simm.s32 $0x11C00;
	s23 =	smov.u32 s19  }
0x4ca: {  	s20 =	smov.u32 s21;
	s19 =	smov.u32 s26;
	s26 =	smov.u32 s28  }
0x4cb: {  	s6 =	smov.u32 s29;
	s29 =	smov.u32 s30;
	s30 =	smov.u32 s31  }
.Ltmp54:
0x4cc: {  	s31 =	smov.u32 s1;
	s21 =	smov.u32 s2;
	(pc) =	sbr.rel .LBB2_64-.Ltmp54, $4  }
0x4cd: {  	s11 =	smov.u32 s22;
	s10 =	simm.s32 $0x10C00;
	s15 =	simm.s32 $0x10400  }
0x4ce: {  	s25 =	sld [smem:$0x7EE];
	s18 =	simm.s32 $0x14C00;
	s17 =	simm.s32 $0x14400  }
0x4cf: {  	s16 =	simm.s32 $0x13C00;
	s13 =	simm.s32 $0x13400;
	s12 =	simm.s32 $0x12C00  }
0x4d0: {  	s22 =	simm.s32 $0x12400;
	s24 =	sld [smem:$0x7ED];
	s28 =	simm.s32 $0x17C00  }
.LBB2_70:
0x4d1: {  	_ =	sfence.sel $0x180000  }
0x4d2: {  	[bflag:$0x0] =	sbarrier.arrive $0xFFFF  }
0x4d3: {  	_ =	strace $0x90000047  }
0x4d4: {  	s0 =	stileid.u32;
	[bflag:$0x2] =	sbarrier.arrive $0xFFFF  }
0x4d5: {  	p0 =	sne.s32 s0, $0x0;
	s0 =	rddreg [dreg:$0x3]  }
0x4d6: {  	s0 =	sadd.s32 @!p0 $0x100000, s0  }
0x4d7: {  	[sflag:s0] =	ssyncadd.tile.s32 @!p0 $0x1;
	_ =	shalt  }
.Lfunc_end2:
_tile_overlayer_lowered:
.L_overlay_start_2:
0x4d8: {  	(tag) =	ssettag $0x2  }
0x4d9: {  	s0 =	rddreg [dreg:$0x0];
	s2 =	stileid.u32  }
0x4da: {  	s1 =	rddreg [dreg:$0x1];
	p0 =	sne.s32 s2, $0x0  }
0x4db: {  	s3 =	rddreg [dreg:$0x2];
	[bflag:$0x3] =	sbarrier.arrive $0xFFFF;
	s2 =	simm.s32 @!p0 $0x1C03  }
0x4dc: {  	[timem:s3], [sflag:s2] =	dma.local @!p0 [hbm:s0], s1  }
0x4dd: {  	s0 =	simm.s32 @!p0 $0x3  }
0x4de: {  	_ =	swait.ge @!p0 [sflag:s0], s1  }
0x4df: {  	s1 =	ssub.s32 @!p0 $0x0, s1;
	[sflag:s0] =	ssyncset.done @!p0 $0x0  }
0x4e0: {  	[sflag:s0] =	ssyncadd.s32 @!p0 s1  }
0x4e1: {  	[bflag:$0x3] =	sbarrier.arrive $0xFFFF  }
0x4e2: {  	_ =	shalt  }

</sc_bundles>
